<compile_context>
chip_gen: v7x
topology: tpu7x:2x2x1
jax: 0.10.2.dev20260603
libtpu: 0.0.44.dev20260713+nightly
codegen_flags: <defaults>
</compile_context>

<pallas_src>
import jax
import jax.numpy as jnp
from jax import lax
from jax.experimental import pallas as pl
from jax.experimental.pallas import tpu as pltpu
from jax.experimental.pallas import tpu_sc as plsc

S = 16
V = S * S * S * S
C_IN = 32
C_MID = 64
C_OUT = 32
NSEG = 512
NPTS_PAD = 32768

RPB = 336
RIN = 288
MAR = 24
LX1 = S * C_IN
LX2 = S * C_MID
LX3 = S * C_OUT
GR = S * RPB * S
HR = S * RIN * S

_NC, _NS = 2, 16
_NW = _NC * _NS
_GPW = GR // _NW
_PPW = NPTS_PAD // _NW


def _mk_sc_mesh():
    return plsc.VectorSubcoreMesh(core_axis_name="c", subcore_axis_name="s")



def _sc_gather_body(gidx_hbm, feat_hbm, out_hbm, idxv, rows, sem):
    wid = lax.axis_index("s") * _NC + lax.axis_index("c")
    base = wid * _GPW
    pltpu.sync_copy(gidx_hbm.at[pl.ds(base, _GPW)], idxv)
    copies = []
    for c in range(_GPW // 128):
        copies.append(pltpu.async_copy(
            feat_hbm.at[idxv.at[pl.ds(c * 128, 128)]],
            rows.at[pl.ds(c * 128, 128)], sem))
    for cp in copies:
        cp.wait()
    pltpu.sync_copy(rows, out_hbm.at[pl.ds(base, _GPW)])


def _build_dense(gidx, feats_ext):
    k = pl.kernel(
        _sc_gather_body,
        mesh=_mk_sc_mesh(),
        compiler_params=pltpu.CompilerParams(use_tc_tiling_on_sc=False),
        out_type=jax.ShapeDtypeStruct((GR, C_IN), jnp.float32),
        scratch_types=[
            pltpu.VMEM((_GPW,), jnp.int32),
            pltpu.VMEM((_GPW, C_IN), jnp.float32),
            pltpu.SemaphoreType.DMA,
        ],
    )
    return k(gidx, feats_ext)



def _conv1_body(x_ref, m_ref, w_ref, b_ref, out_ref, acc):
    acc[...] = jnp.broadcast_to(b_ref[...].reshape(1, LX2), (RIN, LX2))
    for t in range(9):
        dz, dy = t // 3, t % 3
        off = (dz - 1) * 18 + (dy - 1)
        xs = x_ref[0, pl.ds(MAR + off, RIN), :]
        acc[...] += jnp.dot(xs, w_ref[t], preferred_element_type=jnp.float32)
    h = jax.nn.relu(acc[...]) * m_ref[0]
    out_ref[0, pl.ds(0, MAR), :] = jnp.zeros((MAR, LX2), jnp.float32)
    out_ref[0, pl.ds(MAR + RIN, MAR), :] = jnp.zeros((MAR, LX2), jnp.float32)
    out_ref[0, pl.ds(MAR, RIN), :] = h


def _run_conv1(dense3, mask_exp, w1x, b1x):
    return pl.pallas_call(
        _conv1_body,
        grid=(S,),
        in_specs=[
            pl.BlockSpec((1, RPB, LX1), lambda b: (b, 0, 0)),
            pl.BlockSpec((1, RIN, LX2), lambda b: (b, 0, 0)),
            pl.BlockSpec((9, LX1, LX2), lambda b: (0, 0, 0)),
            pl.BlockSpec((1, LX2), lambda b: (0, 0)),
        ],
        out_specs=pl.BlockSpec((1, RPB, LX2), lambda b: (b, 0, 0)),
        out_shape=jax.ShapeDtypeStruct((S, RPB, LX2), jnp.float32),
        scratch_shapes=[pltpu.VMEM((RIN, LX2), jnp.float32)],
    )(dense3, mask_exp, w1x, b1x)


def _conv2_body(h_ref, w_ref, b_ref, out_ref, acc):
    acc[...] = jnp.broadcast_to(b_ref[...].reshape(1, LX3), (RIN, LX3))
    for t in range(9):
        dz, dy = t // 3, t % 3
        off = (dz - 1) * 18 + (dy - 1)
        hs = h_ref[0, pl.ds(MAR + off, RIN), :]
        acc[...] += jnp.dot(hs, w_ref[t], preferred_element_type=jnp.float32)
    out_ref[...] = jax.nn.relu(acc[...]).reshape(1, RIN, LX3)


def _run_conv2(h1, w2x, b2x):
    return pl.pallas_call(
        _conv2_body,
        grid=(S,),
        in_specs=[
            pl.BlockSpec((1, RPB, LX2), lambda b: (b, 0, 0)),
            pl.BlockSpec((9, LX2, LX3), lambda b: (0, 0, 0)),
            pl.BlockSpec((1, LX3), lambda b: (0, 0)),
        ],
        out_specs=pl.BlockSpec((1, RIN, LX3), lambda b: (b, 0, 0)),
        out_shape=jax.ShapeDtypeStruct((S, RIN, LX3), jnp.float32),
        scratch_shapes=[pltpu.VMEM((RIN, LX3), jnp.float32)],
    )(h1, w2x, b2x)



def _sc_pool_body(fv_hbm, lab_hbm, h2_hbm, ones_hbm, zer_hbm,
                  sums_out, cnts_out, idxv, labv, rows, onev,
                  sums_sh, cnts_sh, sem):
    cid = lax.axis_index("c")
    sid = lax.axis_index("s")
    wid = sid * _NC + cid
    npw = _PPW

    @pl.when(sid == 0)
    def _():
        pltpu.sync_copy(zer_hbm, sums_sh)
        pltpu.sync_copy(zer_hbm, cnts_sh)

    pltpu.sync_copy(ones_hbm, onev)
    pltpu.sync_copy(fv_hbm.at[pl.ds(wid * npw, npw)], idxv)
    pltpu.sync_copy(lab_hbm.at[wid], labv)
    plsc.subcore_barrier()

    copies = []
    for c in range(npw // 128):
        copies.append(pltpu.async_copy(
            h2_hbm.at[idxv.at[pl.ds(c * 128, 128)]],
            rows.at[pl.ds(c * 128, 128)], sem))
    for cp in copies:
        cp.wait()

    for c in range(npw // 128):
        pltpu.sync_copy(rows.at[pl.ds(c * 128, 128)],
                        sums_sh.at[labv.at[c]], add=True)
        pltpu.sync_copy(onev, cnts_sh.at[labv.at[c]], add=True)

    plsc.subcore_barrier()

    @pl.when(sid == 0)
    def _():
        pltpu.sync_copy(sums_sh, sums_out.at[cid])
        pltpu.sync_copy(cnts_sh, cnts_out.at[cid])


def _pool(fvp, lab3, h2flat, ones128, zeros_tab):
    k = pl.kernel(
        _sc_pool_body,
        mesh=_mk_sc_mesh(),
        compiler_params=pltpu.CompilerParams(use_tc_tiling_on_sc=False),
        out_type=(
            jax.ShapeDtypeStruct((_NC, NSEG, C_OUT), jnp.float32),
            jax.ShapeDtypeStruct((_NC, NSEG, C_OUT), jnp.float32),
        ),
        scratch_types=[
            pltpu.VMEM((_PPW,), jnp.int32),
            pltpu.VMEM((_PPW // 128, 128), jnp.int32),
            pltpu.VMEM((_PPW, C_OUT), jnp.float32),
            pltpu.VMEM((128, C_OUT), jnp.float32),
            pltpu.VMEM_SHARED((NSEG, C_OUT), jnp.float32),
            pltpu.VMEM_SHARED((NSEG, C_OUT), jnp.float32),
            pltpu.SemaphoreType.DMA,
        ],
    )
    return k(fvp, lab3, h2flat, ones128, zeros_tab)



def _finalize_body(s_ref, c_ref, out_ref):
    ssum = s_ref[0] + s_ref[1]
    cnt = c_ref[0] + c_ref[1]
    out_ref[...] = jnp.where(cnt > 0, ssum / jnp.maximum(cnt, 1.0), 0.0)


def _finalize(sums_p, cnts_p, interpret=False):
    return pl.pallas_call(
        _finalize_body,
        out_shape=jax.ShapeDtypeStruct((NSEG, C_OUT), jnp.float32),
        interpret=interpret,
    )(sums_p, cnts_p)



def kernel(features, indices, cluster_labels, spatial_shape, W1, b1, W2, b2):
    N = features.shape[0]
    idx = indices.astype(jnp.int32)
    fv = ((idx[:, 0] * S + idx[:, 1]) * S + idx[:, 2]) * S + idx[:, 3]

    pids = jnp.arange(N, dtype=jnp.int32)
    winner = jnp.full((V,), -1, jnp.int32).at[fv].max(pids)

    w4 = winner.reshape(S, S, S, S)
    w5 = jnp.pad(w4, ((0, 0), (0, 0), (1, 1), (0, 0)), constant_values=-1)
    w6 = w5.reshape(S, S * 18, S)
    w7 = jnp.pad(w6, ((0, 0), (MAR, MAR), (0, 0)), constant_values=-1)
    wflat = w7.reshape(GR)
    vrow = jnp.arange(GR, dtype=jnp.int32)
    gidx = jnp.where(wflat >= 0, wflat, N + (vrow & 127))

    mflat = (w7 >= 0).astype(jnp.float32)
    mask_exp = jnp.broadcast_to(
        mflat[:, MAR:MAR + RIN, :, None], (S, RIN, S, C_MID)
    ).reshape(S, RIN, LX2)

    feats_ext = jnp.zeros((N + 128, C_IN), jnp.float32).at[:N, :24].set(
        features)

    dense = _build_dense(gidx, feats_ext)
    dense3 = dense.reshape(S, RPB, LX1)

    E = jnp.stack([jnp.eye(S, k=1 - dx, dtype=jnp.float32)
                   for dx in range(3)])
    w1e = jnp.zeros((3, 3, 3, C_IN, C_MID), jnp.float32).at[
        :, :, :, :24, :].set(W1)
    w1x = jnp.einsum('zyxco,xmn->zymcno', w1e, E).reshape(9, LX1, LX2)
    w2x = jnp.einsum('zyxco,xmn->zymcno', W2, E).reshape(9, LX2, LX3)
    b1x = jnp.tile(b1, S).reshape(1, LX2)
    b2x = jnp.tile(b2, S).reshape(1, LX3)

    h1 = _run_conv1(dense3, mask_exp, w1x, b1x)
    h2 = _run_conv2(h1, w2x, b2x)
    h2r = h2.reshape(HR, C_OUT)

    labels = cluster_labels.astype(jnp.int32)
    pidx = ((idx[:, 0] * RIN + idx[:, 1] * 18 + (idx[:, 2] + 1)) * S
            + idx[:, 3])
    fvg = jnp.zeros((NPTS_PAD,), jnp.int32).at[:N].set(pidx)
    labp = jnp.full((NPTS_PAD,), 500, jnp.int32).at[:N].set(labels)
    lab3 = labp.reshape(_NW, NPTS_PAD // _NW // 128, 128)
    ones128 = jnp.ones((128, C_OUT), jnp.float32)
    zeros_tab = jnp.zeros((NSEG, C_OUT), jnp.float32)

    sums_p, cnts_p = _pool(fvg, lab3, h2r, ones128, zeros_tab)
    out = _finalize(sums_p, cnts_p)
    return out[:500]

# --- scband reference (transcript-rebuilt; emitter-appended) ---
"""Pipeline reference for scband-spconvnet-17583596110111 (READ-ONLY COPY).

The authoritative reference and input builder live on the scoring server;
editing this copy changes nothing except your own understanding.
"""

import jax, jax.numpy as jnp
import numpy as np
from jax import lax


def setup_inputs(seed: int = 0) -> dict:
    key = jax.random.PRNGKey(seed)
    ks = jax.random.split(key, 8)
    N = 30000
    S = 16
    features = jax.random.normal(ks[0], (N, 24), dtype=jnp.float32)
    indices = jax.random.randint(ks[1], (N, 4), 0, S, dtype=jnp.int32)
    cluster_labels = jax.random.randint(ks[2], (N,), 0, 500, dtype=jnp.int32)
    # learned params: SubMConv3d(24,64,k=3) and SubMConv3d(64,32,k=3), DHWIO layout, with bias
    W1 = jax.random.normal(ks[3], (3, 3, 3, 24, 64), dtype=jnp.float32) / np.sqrt(27 * 24)
    b1 = jax.random.normal(ks[4], (64,), dtype=jnp.float32) * 0.01
    W2 = jax.random.normal(ks[5], (3, 3, 3, 64, 32), dtype=jnp.float32) / np.sqrt(27 * 64)
    b2 = jax.random.normal(ks[6], (32,), dtype=jnp.float32) * 0.01
    return {"features": features, "indices": indices, "cluster_labels": cluster_labels,
            "spatial_shape": 16, "W1": W1, "b1": b1, "W2": W2, "b2": b2}


def reference(features, indices, cluster_labels, spatial_shape, W1, b1, W2, b2):
    # Dense-equivalent of spconv SubMConv3d stack: scatter to dense grid, conv3d,
    # mask output to active sites (submanifold constraint), relu, conv3d, relu,
    # gather at active sites, then scatter_mean over cluster labels.
    S = 16
    s_dep = jnp.asarray(spatial_shape, jnp.float32)
    idx = indices.astype(jnp.int32)
    B = S
    N = features.shape[0]
    dense = jnp.zeros((B, S, S, S, features.shape[1]), features.dtype)
    dense = dense.at[idx[:, 0], idx[:, 1], idx[:, 2], idx[:, 3]].set(features)
    mask = jnp.zeros((B, S, S, S, 1), jnp.float32)
    mask = mask.at[idx[:, 0], idx[:, 1], idx[:, 2], idx[:, 3]].set(1.0)
    mask = mask * (s_dep / s_dep)
    dn = ("NDHWC", "DHWIO", "NDHWC")
    h = lax.conv_general_dilated(dense, W1, (1, 1, 1), "SAME", dimension_numbers=dn) + b1
    h = jax.nn.relu(h) * mask  # submanifold: only active sites carry features
    h = lax.conv_general_dilated(h, W2, (1, 1, 1), "SAME", dimension_numbers=dn) + b2
    h = jax.nn.relu(h)
    # gather features back at active voxel sites (== .dense()[b, :, z, y, x])
    feats = h[idx[:, 0], idx[:, 1], idx[:, 2], idx[:, 3]]  # [N, 32]
    # scatter_mean over cluster labels (labels broadcast over channel dim in torch)
    labels = cluster_labels.astype(jnp.int32)
    num = jax.ops.segment_sum(feats, labels, num_segments=N)
    cnt = jax.ops.segment_sum(jnp.ones((N,), jnp.float32), labels, num_segments=N)
    out = jnp.where(cnt[:, None] > 0, num / jnp.maximum(cnt, 1.0)[:, None], 0.0)
    n_clusters = 500
    return out[:n_clusters]

if __name__ == "__main__":
    import jax
    _d = setup_inputs()
    print(jax.jit(kernel)(*tuple(_d.values())))

</pallas_src>

<mosaic_0001>
#map = affine_map<(d0, d1) -> (0)>
#map1 = affine_map<(d0, d1) -> (0, 0)>
module attributes {stable_mosaic.version = 14 : i64} {
  func.func @_sc_gather_body(%arg0: i32, %arg1: i32, %arg2: memref<86016xi32, #tpu.memory_space<hbm>>, %arg3: memref<30128x32xf32, #tpu.memory_space<hbm>>, %arg4: memref<86016x32xf32, #tpu.memory_space<hbm>>, %arg5: memref<2688xi32, #tpu.memory_space<vmem>>, %arg6: memref<2688x32xf32, #tpu.memory_space<vmem>>, %arg7: memref<!tpu.dma_semaphore, #tpu.memory_space<semaphore_mem>>) attributes {dimension_semantics = [#tpu.dimension_semantics<core_parallel>, #tpu.dimension_semantics<subcore_parallel>], iteration_bounds = array<i64: 2, 16>, scalar_prefetch = 0 : i64, scratch_operands = 3 : i64, tpu.core_type = #tpu.core_type<sc_vector_subcore>, window_params = [{transform_indices = #map}, {transform_indices = #map1}, {transform_indices = #map1}]} {
    %mul3A = arith.constant 2 : i32
    %mul3A_0 = arith.muli %arg1, %mul3A : i32
    %add3A = arith.addi %mul3A_0, %arg0 : i32
    %mul3A_1 = arith.constant 2688 : i32
    %mul3A_2 = arith.muli %add3A, %mul3A_1 : i32
    "tpu.region"() ({
      %run_scoped3A = tpu.sem_alloc : memref<!tpu.dma_semaphore, #tpu.memory_space<semaphore_mem>>
      %dma_start3A_337 = tpu.memref_slice %arg2[%mul3A_2] : memref<86016xi32, #tpu.memory_space<hbm>> -> memref<2688xi32, #tpu.memory_space<hbm>>
      %dma_start3A_338 = tpu.memref_slice %arg2[%mul3A_2] : memref<86016xi32, #tpu.memory_space<hbm>> -> memref<2688xi32, #tpu.memory_space<hbm>>
      tpu.enqueue_dma source(%dma_start3A_338 : memref<2688xi32, #tpu.memory_space<hbm>>) target(%arg5 : memref<2688xi32, #tpu.memory_space<vmem>>) target_semaphore(%run_scoped3A : memref<!tpu.dma_semaphore, #tpu.memory_space<semaphore_mem>>)
      %dma_wait3A_339 = tpu.memref_slice %arg2[%mul3A_2] : memref<86016xi32, #tpu.memory_space<hbm>> -> memref<2688xi32, #tpu.memory_space<hbm>>
      %dma_wait3A_340 = tpu.memref_slice %arg2[%mul3A_2] : memref<86016xi32, #tpu.memory_space<hbm>> -> memref<2688xi32, #tpu.memory_space<hbm>>
      tpu.wait_dma2 semaphore(%run_scoped3A : memref<!tpu.dma_semaphore, #tpu.memory_space<semaphore_mem>>) src(%dma_wait3A_340 : memref<2688xi32, #tpu.memory_space<hbm>>) dst(%arg5 : memref<2688xi32, #tpu.memory_space<vmem>>)
      tpu.yield
    }) : () -> ()
    %dma_start3A = arith.constant 0 : i32
    %dma_start3A_3 = arith.constant 0 : i32
    %dma_start3A_4 = tpu.memref_slice %arg6[%dma_start3A, %dma_start3A_3] : memref<2688x32xf32, #tpu.memory_space<vmem>> -> memref<128x32xf32, #tpu.memory_space<vmem>>
    %dma_start3A_5 = arith.constant 0 : i32
    %dma_start3A_6 = tpu.memref_slice %arg5[%dma_start3A_5] : memref<2688xi32, #tpu.memory_space<vmem>> -> memref<128xi32, #tpu.memory_space<vmem>>
    %dma_start3A_7 = arith.constant 0 : i32
    %dma_start3A_8 = arith.constant 0 : i32
    %dma_start3A_9 = tpu.memref_slice %arg3[%dma_start3A_7, %dma_start3A_8] : memref<30128x32xf32, #tpu.memory_space<hbm>> -> memref<30128x32xf32, #tpu.memory_space<hbm>>
    tpu.enqueue_indirect_dma source(%dma_start3A_9 : memref<30128x32xf32, #tpu.memory_space<hbm>>) target(%dma_start3A_4 : memref<128x32xf32, #tpu.memory_space<vmem>>) offsets(%dma_start3A_6 : memref<128xi32, #tpu.memory_space<vmem>>) semaphore(%arg7 : memref<!tpu.dma_semaphore, #tpu.memory_space<semaphore_mem>>)
    %dma_start3A_10 = arith.constant 128 : i32
    %dma_start3A_11 = arith.constant 0 : i32
    %dma_start3A_12 = tpu.memref_slice %arg6[%dma_start3A_10, %dma_start3A_11] : memref<2688x32xf32, #tpu.memory_space<vmem>> -> memref<128x32xf32, #tpu.memory_space<vmem>>
    %dma_start3A_13 = arith.constant 128 : i32
    %dma_start3A_14 = tpu.memref_slice %arg5[%dma_start3A_13] : memref<2688xi32, #tpu.memory_space<vmem>> -> memref<128xi32, #tpu.memory_space<vmem>>
    %dma_start3A_15 = arith.constant 0 : i32
    %dma_start3A_16 = arith.constant 0 : i32
    %dma_start3A_17 = tpu.memref_slice %arg3[%dma_start3A_15, %dma_start3A_16] : memref<30128x32xf32, #tpu.memory_space<hbm>> -> memref<30128x32xf32, #tpu.memory_space<hbm>>
    tpu.enqueue_indirect_dma source(%dma_start3A_17 : memref<30128x32xf32, #tpu.memory_space<hbm>>) target(%dma_start3A_12 : memref<128x32xf32, #tpu.memory_space<vmem>>) offsets(%dma_start3A_14 : memref<128xi32, #tpu.memory_space<vmem>>) semaphore(%arg7 : memref<!tpu.dma_semaphore, #tpu.memory_space<semaphore_mem>>)
    %dma_start3A_18 = arith.constant 256 : i32
    %dma_start3A_19 = arith.constant 0 : i32
    %dma_start3A_20 = tpu.memref_slice %arg6[%dma_start3A_18, %dma_start3A_19] : memref<2688x32xf32, #tpu.memory_space<vmem>> -> memref<128x32xf32, #tpu.memory_space<vmem>>
    %dma_start3A_21 = arith.constant 256 : i32
    %dma_start3A_22 = tpu.memref_slice %arg5[%dma_start3A_21] : memref<2688xi32, #tpu.memory_space<vmem>> -> memref<128xi32, #tpu.memory_space<vmem>>
    %dma_start3A_23 = arith.constant 0 : i32
    %dma_start3A_24 = arith.constant 0 : i32
    %dma_start3A_25 = tpu.memref_slice %arg3[%dma_start3A_23, %dma_start3A_24] : memref<30128x32xf32, #tpu.memory_space<hbm>> -> memref<30128x32xf32, #tpu.memory_space<hbm>>
    tpu.enqueue_indirect_dma source(%dma_start3A_25 : memref<30128x32xf32, #tpu.memory_space<hbm>>) target(%dma_start3A_20 : memref<128x32xf32, #tpu.memory_space<vmem>>) offsets(%dma_start3A_22 : memref<128xi32, #tpu.memory_space<vmem>>) semaphore(%arg7 : memref<!tpu.dma_semaphore, #tpu.memory_space<semaphore_mem>>)
    %dma_start3A_26 = arith.constant 384 : i32
    %dma_start3A_27 = arith.constant 0 : i32
    %dma_start3A_28 = tpu.memref_slice %arg6[%dma_start3A_26, %dma_start3A_27] : memref<2688x32xf32, #tpu.memory_space<vmem>> -> memref<128x32xf32, #tpu.memory_space<vmem>>
    %dma_start3A_29 = arith.constant 384 : i32
    %dma_start3A_30 = tpu.memref_slice %arg5[%dma_start3A_29] : memref<2688xi32, #tpu.memory_space<vmem>> -> memref<128xi32, #tpu.memory_space<vmem>>
    %dma_start3A_31 = arith.constant 0 : i32
    %dma_start3A_32 = arith.constant 0 : i32
    %dma_start3A_33 = tpu.memref_slice %arg3[%dma_start3A_31, %dma_start3A_32] : memref<30128x32xf32, #tpu.memory_space<hbm>> -> memref<30128x32xf32, #tpu.memory_space<hbm>>
    tpu.enqueue_indirect_dma source(%dma_start3A_33 : memref<30128x32xf32, #tpu.memory_space<hbm>>) target(%dma_start3A_28 : memref<128x32xf32, #tpu.memory_space<vmem>>) offsets(%dma_start3A_30 : memref<128xi32, #tpu.memory_space<vmem>>) semaphore(%arg7 : memref<!tpu.dma_semaphore, #tpu.memory_space<semaphore_mem>>)
    %dma_start3A_34 = arith.constant 512 : i32
    %dma_start3A_35 = arith.constant 0 : i32
    %dma_start3A_36 = tpu.memref_slice %arg6[%dma_start3A_34, %dma_start3A_35] : memref<2688x32xf32, #tpu.memory_space<vmem>> -> memref<128x32xf32, #tpu.memory_space<vmem>>
    %dma_start3A_37 = arith.constant 512 : i32
    %dma_start3A_38 = tpu.memref_slice %arg5[%dma_start3A_37] : memref<2688xi32, #tpu.memory_space<vmem>> -> memref<128xi32, #tpu.memory_space<vmem>>
    %dma_start3A_39 = arith.constant 0 : i32
    %dma_start3A_40 = arith.constant 0 : i32
    %dma_start3A_41 = tpu.memref_slice %arg3[%dma_start3A_39, %dma_start3A_40] : memref<30128x32xf32, #tpu.memory_space<hbm>> -> memref<30128x32xf32, #tpu.memory_space<hbm>>
    tpu.enqueue_indirect_dma source(%dma_start3A_41 : memref<30128x32xf32, #tpu.memory_space<hbm>>) target(%dma_start3A_36 : memref<128x32xf32, #tpu.memory_space<vmem>>) offsets(%dma_start3A_38 : memref<128xi32, #tpu.memory_space<vmem>>) semaphore(%arg7 : memref<!tpu.dma_semaphore, #tpu.memory_space<semaphore_mem>>)
    %dma_start3A_42 = arith.constant 640 : i32
    %dma_start3A_43 = arith.constant 0 : i32
    %dma_start3A_44 = tpu.memref_slice %arg6[%dma_start3A_42, %dma_start3A_43] : memref<2688x32xf32, #tpu.memory_space<vmem>> -> memref<128x32xf32, #tpu.memory_space<vmem>>
    %dma_start3A_45 = arith.constant 640 : i32
    %dma_start3A_46 = tpu.memref_slice %arg5[%dma_start3A_45] : memref<2688xi32, #tpu.memory_space<vmem>> -> memref<128xi32, #tpu.memory_space<vmem>>
    %dma_start3A_47 = arith.constant 0 : i32
    %dma_start3A_48 = arith.constant 0 : i32
    %dma_start3A_49 = tpu.memref_slice %arg3[%dma_start3A_47, %dma_start3A_48] : memref<30128x32xf32, #tpu.memory_space<hbm>> -> memref<30128x32xf32, #tpu.memory_space<hbm>>
    tpu.enqueue_indirect_dma source(%dma_start3A_49 : memref<30128x32xf32, #tpu.memory_space<hbm>>) target(%dma_start3A_44 : memref<128x32xf32, #tpu.memory_space<vmem>>) offsets(%dma_start3A_46 : memref<128xi32, #tpu.memory_space<vmem>>) semaphore(%arg7 : memref<!tpu.dma_semaphore, #tpu.memory_space<semaphore_mem>>)
    %dma_start3A_50 = arith.constant 768 : i32
    %dma_start3A_51 = arith.constant 0 : i32
    %dma_start3A_52 = tpu.memref_slice %arg6[%dma_start3A_50, %dma_start3A_51] : memref<2688x32xf32, #tpu.memory_space<vmem>> -> memref<128x32xf32, #tpu.memory_space<vmem>>
    %dma_start3A_53 = arith.constant 768 : i32
    %dma_start3A_54 = tpu.memref_slice %arg5[%dma_start3A_53] : memref<2688xi32, #tpu.memory_space<vmem>> -> memref<128xi32, #tpu.memory_space<vmem>>
    %dma_start3A_55 = arith.constant 0 : i32
    %dma_start3A_56 = arith.constant 0 : i32
    %dma_start3A_57 = tpu.memref_slice %arg3[%dma_start3A_55, %dma_start3A_56] : memref<30128x32xf32, #tpu.memory_space<hbm>> -> memref<30128x32xf32, #tpu.memory_space<hbm>>
    tpu.enqueue_indirect_dma source(%dma_start3A_57 : memref<30128x32xf32, #tpu.memory_space<hbm>>) target(%dma_start3A_52 : memref<128x32xf32, #tpu.memory_space<vmem>>) offsets(%dma_start3A_54 : memref<128xi32, #tpu.memory_space<vmem>>) semaphore(%arg7 : memref<!tpu.dma_semaphore, #tpu.memory_space<semaphore_mem>>)
    %dma_start3A_58 = arith.constant 896 : i32
    %dma_start3A_59 = arith.constant 0 : i32
    %dma_start3A_60 = tpu.memref_slice %arg6[%dma_start3A_58, %dma_start3A_59] : memref<2688x32xf32, #tpu.memory_space<vmem>> -> memref<128x32xf32, #tpu.memory_space<vmem>>
    %dma_start3A_61 = arith.constant 896 : i32
    %dma_start3A_62 = tpu.memref_slice %arg5[%dma_start3A_61] : memref<2688xi32, #tpu.memory_space<vmem>> -> memref<128xi32, #tpu.memory_space<vmem>>
    %dma_start3A_63 = arith.constant 0 : i32
    %dma_start3A_64 = arith.constant 0 : i32
    %dma_start3A_65 = tpu.memref_slice %arg3[%dma_start3A_63, %dma_start3A_64] : memref<30128x32xf32, #tpu.memory_space<hbm>> -> memref<30128x32xf32, #tpu.memory_space<hbm>>
    tpu.enqueue_indirect_dma source(%dma_start3A_65 : memref<30128x32xf32, #tpu.memory_space<hbm>>) target(%dma_start3A_60 : memref<128x32xf32, #tpu.memory_space<vmem>>) offsets(%dma_start3A_62 : memref<128xi32, #tpu.memory_space<vmem>>) semaphore(%arg7 : memref<!tpu.dma_semaphore, #tpu.memory_space<semaphore_mem>>)
    %dma_start3A_66 = arith.constant 1024 : i32
    %dma_start3A_67 = arith.constant 0 : i32
    %dma_start3A_68 = tpu.memref_slice %arg6[%dma_start3A_66, %dma_start3A_67] : memref<2688x32xf32, #tpu.memory_space<vmem>> -> memref<128x32xf32, #tpu.memory_space<vmem>>
    %dma_start3A_69 = arith.constant 1024 : i32
    %dma_start3A_70 = tpu.memref_slice %arg5[%dma_start3A_69] : memref<2688xi32, #tpu.memory_space<vmem>> -> memref<128xi32, #tpu.memory_space<vmem>>
    %dma_start3A_71 = arith.constant 0 : i32
    %dma_start3A_72 = arith.constant 0 : i32
    %dma_start3A_73 = tpu.memref_slice %arg3[%dma_start3A_71, %dma_start3A_72] : memref<30128x32xf32, #tpu.memory_space<hbm>> -> memref<30128x32xf32, #tpu.memory_space<hbm>>
    tpu.enqueue_indirect_dma source(%dma_start3A_73 : memref<30128x32xf32, #tpu.memory_space<hbm>>) target(%dma_start3A_68 : memref<128x32xf32, #tpu.memory_space<vmem>>) offsets(%dma_start3A_70 : memref<128xi32, #tpu.memory_space<vmem>>) semaphore(%arg7 : memref<!tpu.dma_semaphore, #tpu.memory_space<semaphore_mem>>)
    %dma_start3A_74 = arith.constant 1152 : i32
    %dma_start3A_75 = arith.constant 0 : i32
    %dma_start3A_76 = tpu.memref_slice %arg6[%dma_start3A_74, %dma_start3A_75] : memref<2688x32xf32, #tpu.memory_space<vmem>> -> memref<128x32xf32, #tpu.memory_space<vmem>>
    %dma_start3A_77 = arith.constant 1152 : i32
    %dma_start3A_78 = tpu.memref_slice %arg5[%dma_start3A_77] : memref<2688xi32, #tpu.memory_space<vmem>> -> memref<128xi32, #tpu.memory_space<vmem>>
    %dma_start3A_79 = arith.constant 0 : i32
    %dma_start3A_80 = arith.constant 0 : i32
    %dma_start3A_81 = tpu.memref_slice %arg3[%dma_start3A_79, %dma_start3A_80] : memref<30128x32xf32, #tpu.memory_space<hbm>> -> memref<30128x32xf32, #tpu.memory_space<hbm>>
    tpu.enqueue_indirect_dma source(%dma_start3A_81 : memref<30128x32xf32, #tpu.memory_space<hbm>>) target(%dma_start3A_76 : memref<128x32xf32, #tpu.memory_space<vmem>>) offsets(%dma_start3A_78 : memref<128xi32, #tpu.memory_space<vmem>>) semaphore(%arg7 : memref<!tpu.dma_semaphore, #tpu.memory_space<semaphore_mem>>)
    %dma_start3A_82 = arith.constant 1280 : i32
    %dma_start3A_83 = arith.constant 0 : i32
    %dma_start3A_84 = tpu.memref_slice %arg6[%dma_start3A_82, %dma_start3A_83] : memref<2688x32xf32, #tpu.memory_space<vmem>> -> memref<128x32xf32, #tpu.memory_space<vmem>>
    %dma_start3A_85 = arith.constant 1280 : i32
    %dma_start3A_86 = tpu.memref_slice %arg5[%dma_start3A_85] : memref<2688xi32, #tpu.memory_space<vmem>> -> memref<128xi32, #tpu.memory_space<vmem>>
    %dma_start3A_87 = arith.constant 0 : i32
    %dma_start3A_88 = arith.constant 0 : i32
    %dma_start3A_89 = tpu.memref_slice %arg3[%dma_start3A_87, %dma_start3A_88] : memref<30128x32xf32, #tpu.memory_space<hbm>> -> memref<30128x32xf32, #tpu.memory_space<hbm>>
    tpu.enqueue_indirect_dma source(%dma_start3A_89 : memref<30128x32xf32, #tpu.memory_space<hbm>>) target(%dma_start3A_84 : memref<128x32xf32, #tpu.memory_space<vmem>>) offsets(%dma_start3A_86 : memref<128xi32, #tpu.memory_space<vmem>>) semaphore(%arg7 : memref<!tpu.dma_semaphore, #tpu.memory_space<semaphore_mem>>)
    %dma_start3A_90 = arith.constant 1408 : i32
    %dma_start3A_91 = arith.constant 0 : i32
    %dma_start3A_92 = tpu.memref_slice %arg6[%dma_start3A_90, %dma_start3A_91] : memref<2688x32xf32, #tpu.memory_space<vmem>> -> memref<128x32xf32, #tpu.memory_space<vmem>>
    %dma_start3A_93 = arith.constant 1408 : i32
    %dma_start3A_94 = tpu.memref_slice %arg5[%dma_start3A_93] : memref<2688xi32, #tpu.memory_space<vmem>> -> memref<128xi32, #tpu.memory_space<vmem>>
    %dma_start3A_95 = arith.constant 0 : i32
    %dma_start3A_96 = arith.constant 0 : i32
    %dma_start3A_97 = tpu.memref_slice %arg3[%dma_start3A_95, %dma_start3A_96] : memref<30128x32xf32, #tpu.memory_space<hbm>> -> memref<30128x32xf32, #tpu.memory_space<hbm>>
    tpu.enqueue_indirect_dma source(%dma_start3A_97 : memref<30128x32xf32, #tpu.memory_space<hbm>>) target(%dma_start3A_92 : memref<128x32xf32, #tpu.memory_space<vmem>>) offsets(%dma_start3A_94 : memref<128xi32, #tpu.memory_space<vmem>>) semaphore(%arg7 : memref<!tpu.dma_semaphore, #tpu.memory_space<semaphore_mem>>)
    %dma_start3A_98 = arith.constant 1536 : i32
    %dma_start3A_99 = arith.constant 0 : i32
    %dma_start3A_100 = tpu.memref_slice %arg6[%dma_start3A_98, %dma_start3A_99] : memref<2688x32xf32, #tpu.memory_space<vmem>> -> memref<128x32xf32, #tpu.memory_space<vmem>>
    %dma_start3A_101 = arith.constant 1536 : i32
    %dma_start3A_102 = tpu.memref_slice %arg5[%dma_start3A_101] : memref<2688xi32, #tpu.memory_space<vmem>> -> memref<128xi32, #tpu.memory_space<vmem>>
    %dma_start3A_103 = arith.constant 0 : i32
    %dma_start3A_104 = arith.constant 0 : i32
    %dma_start3A_105 = tpu.memref_slice %arg3[%dma_start3A_103, %dma_start3A_104] : memref<30128x32xf32, #tpu.memory_space<hbm>> -> memref<30128x32xf32, #tpu.memory_space<hbm>>
    tpu.enqueue_indirect_dma source(%dma_start3A_105 : memref<30128x32xf32, #tpu.memory_space<hbm>>) target(%dma_start3A_100 : memref<128x32xf32, #tpu.memory_space<vmem>>) offsets(%dma_start3A_102 : memref<128xi32, #tpu.memory_space<vmem>>) semaphore(%arg7 : memref<!tpu.dma_semaphore, #tpu.memory_space<semaphore_mem>>)
    %dma_start3A_106 = arith.constant 1664 : i32
    %dma_start3A_107 = arith.constant 0 : i32
    %dma_start3A_108 = tpu.memref_slice %arg6[%dma_start3A_106, %dma_start3A_107] : memref<2688x32xf32, #tpu.memory_space<vmem>> -> memref<128x32xf32, #tpu.memory_space<vmem>>
    %dma_start3A_109 = arith.constant 1664 : i32
    %dma_start3A_110 = tpu.memref_slice %arg5[%dma_start3A_109] : memref<2688xi32, #tpu.memory_space<vmem>> -> memref<128xi32, #tpu.memory_space<vmem>>
    %dma_start3A_111 = arith.constant 0 : i32
    %dma_start3A_112 = arith.constant 0 : i32
    %dma_start3A_113 = tpu.memref_slice %arg3[%dma_start3A_111, %dma_start3A_112] : memref<30128x32xf32, #tpu.memory_space<hbm>> -> memref<30128x32xf32, #tpu.memory_space<hbm>>
    tpu.enqueue_indirect_dma source(%dma_start3A_113 : memref<30128x32xf32, #tpu.memory_space<hbm>>) target(%dma_start3A_108 : memref<128x32xf32, #tpu.memory_space<vmem>>) offsets(%dma_start3A_110 : memref<128xi32, #tpu.memory_space<vmem>>) semaphore(%arg7 : memref<!tpu.dma_semaphore, #tpu.memory_space<semaphore_mem>>)
    %dma_start3A_114 = arith.constant 1792 : i32
    %dma_start3A_115 = arith.constant 0 : i32
    %dma_start3A_116 = tpu.memref_slice %arg6[%dma_start3A_114, %dma_start3A_115] : memref<2688x32xf32, #tpu.memory_space<vmem>> -> memref<128x32xf32, #tpu.memory_space<vmem>>
    %dma_start3A_117 = arith.constant 1792 : i32
    %dma_start3A_118 = tpu.memref_slice %arg5[%dma_start3A_117] : memref<2688xi32, #tpu.memory_space<vmem>> -> memref<128xi32, #tpu.memory_space<vmem>>
    %dma_start3A_119 = arith.constant 0 : i32
    %dma_start3A_120 = arith.constant 0 : i32
    %dma_start3A_121 = tpu.memref_slice %arg3[%dma_start3A_119, %dma_start3A_120] : memref<30128x32xf32, #tpu.memory_space<hbm>> -> memref<30128x32xf32, #tpu.memory_space<hbm>>
    tpu.enqueue_indirect_dma source(%dma_start3A_121 : memref<30128x32xf32, #tpu.memory_space<hbm>>) target(%dma_start3A_116 : memref<128x32xf32, #tpu.memory_space<vmem>>) offsets(%dma_start3A_118 : memref<128xi32, #tpu.memory_space<vmem>>) semaphore(%arg7 : memref<!tpu.dma_semaphore, #tpu.memory_space<semaphore_mem>>)
    %dma_start3A_122 = arith.constant 1920 : i32
    %dma_start3A_123 = arith.constant 0 : i32
    %dma_start3A_124 = tpu.memref_slice %arg6[%dma_start3A_122, %dma_start3A_123] : memref<2688x32xf32, #tpu.memory_space<vmem>> -> memref<128x32xf32, #tpu.memory_space<vmem>>
    %dma_start3A_125 = arith.constant 1920 : i32
    %dma_start3A_126 = tpu.memref_slice %arg5[%dma_start3A_125] : memref<2688xi32, #tpu.memory_space<vmem>> -> memref<128xi32, #tpu.memory_space<vmem>>
    %dma_start3A_127 = arith.constant 0 : i32
    %dma_start3A_128 = arith.constant 0 : i32
    %dma_start3A_129 = tpu.memref_slice %arg3[%dma_start3A_127, %dma_start3A_128] : memref<30128x32xf32, #tpu.memory_space<hbm>> -> memref<30128x32xf32, #tpu.memory_space<hbm>>
    tpu.enqueue_indirect_dma source(%dma_start3A_129 : memref<30128x32xf32, #tpu.memory_space<hbm>>) target(%dma_start3A_124 : memref<128x32xf32, #tpu.memory_space<vmem>>) offsets(%dma_start3A_126 : memref<128xi32, #tpu.memory_space<vmem>>) semaphore(%arg7 : memref<!tpu.dma_semaphore, #tpu.memory_space<semaphore_mem>>)
    %dma_start3A_130 = arith.constant 2048 : i32
    %dma_start3A_131 = arith.constant 0 : i32
    %dma_start3A_132 = tpu.memref_slice %arg6[%dma_start3A_130, %dma_start3A_131] : memref<2688x32xf32, #tpu.memory_space<vmem>> -> memref<128x32xf32, #tpu.memory_space<vmem>>
    %dma_start3A_133 = arith.constant 2048 : i32
    %dma_start3A_134 = tpu.memref_slice %arg5[%dma_start3A_133] : memref<2688xi32, #tpu.memory_space<vmem>> -> memref<128xi32, #tpu.memory_space<vmem>>
    %dma_start3A_135 = arith.constant 0 : i32
    %dma_start3A_136 = arith.constant 0 : i32
    %dma_start3A_137 = tpu.memref_slice %arg3[%dma_start3A_135, %dma_start3A_136] : memref<30128x32xf32, #tpu.memory_space<hbm>> -> memref<30128x32xf32, #tpu.memory_space<hbm>>
    tpu.enqueue_indirect_dma source(%dma_start3A_137 : memref<30128x32xf32, #tpu.memory_space<hbm>>) target(%dma_start3A_132 : memref<128x32xf32, #tpu.memory_space<vmem>>) offsets(%dma_start3A_134 : memref<128xi32, #tpu.memory_space<vmem>>) semaphore(%arg7 : memref<!tpu.dma_semaphore, #tpu.memory_space<semaphore_mem>>)
    %dma_start3A_138 = arith.constant 2176 : i32
    %dma_start3A_139 = arith.constant 0 : i32
    %dma_start3A_140 = tpu.memref_slice %arg6[%dma_start3A_138, %dma_start3A_139] : memref<2688x32xf32, #tpu.memory_space<vmem>> -> memref<128x32xf32, #tpu.memory_space<vmem>>
    %dma_start3A_141 = arith.constant 2176 : i32
    %dma_start3A_142 = tpu.memref_slice %arg5[%dma_start3A_141] : memref<2688xi32, #tpu.memory_space<vmem>> -> memref<128xi32, #tpu.memory_space<vmem>>
    %dma_start3A_143 = arith.constant 0 : i32
    %dma_start3A_144 = arith.constant 0 : i32
    %dma_start3A_145 = tpu.memref_slice %arg3[%dma_start3A_143, %dma_start3A_144] : memref<30128x32xf32, #tpu.memory_space<hbm>> -> memref<30128x32xf32, #tpu.memory_space<hbm>>
    tpu.enqueue_indirect_dma source(%dma_start3A_145 : memref<30128x32xf32, #tpu.memory_space<hbm>>) target(%dma_start3A_140 : memref<128x32xf32, #tpu.memory_space<vmem>>) offsets(%dma_start3A_142 : memref<128xi32, #tpu.memory_space<vmem>>) semaphore(%arg7 : memref<!tpu.dma_semaphore, #tpu.memory_space<semaphore_mem>>)
    %dma_start3A_146 = arith.constant 2304 : i32
    %dma_start3A_147 = arith.constant 0 : i32
    %dma_start3A_148 = tpu.memref_slice %arg6[%dma_start3A_146, %dma_start3A_147] : memref<2688x32xf32, #tpu.memory_space<vmem>> -> memref<128x32xf32, #tpu.memory_space<vmem>>
    %dma_start3A_149 = arith.constant 2304 : i32
    %dma_start3A_150 = tpu.memref_slice %arg5[%dma_start3A_149] : memref<2688xi32, #tpu.memory_space<vmem>> -> memref<128xi32, #tpu.memory_space<vmem>>
    %dma_start3A_151 = arith.constant 0 : i32
    %dma_start3A_152 = arith.constant 0 : i32
    %dma_start3A_153 = tpu.memref_slice %arg3[%dma_start3A_151, %dma_start3A_152] : memref<30128x32xf32, #tpu.memory_space<hbm>> -> memref<30128x32xf32, #tpu.memory_space<hbm>>
    tpu.enqueue_indirect_dma source(%dma_start3A_153 : memref<30128x32xf32, #tpu.memory_space<hbm>>) target(%dma_start3A_148 : memref<128x32xf32, #tpu.memory_space<vmem>>) offsets(%dma_start3A_150 : memref<128xi32, #tpu.memory_space<vmem>>) semaphore(%arg7 : memref<!tpu.dma_semaphore, #tpu.memory_space<semaphore_mem>>)
    %dma_start3A_154 = arith.constant 2432 : i32
    %dma_start3A_155 = arith.constant 0 : i32
    %dma_start3A_156 = tpu.memref_slice %arg6[%dma_start3A_154, %dma_start3A_155] : memref<2688x32xf32, #tpu.memory_space<vmem>> -> memref<128x32xf32, #tpu.memory_space<vmem>>
    %dma_start3A_157 = arith.constant 2432 : i32
    %dma_start3A_158 = tpu.memref_slice %arg5[%dma_start3A_157] : memref<2688xi32, #tpu.memory_space<vmem>> -> memref<128xi32, #tpu.memory_space<vmem>>
    %dma_start3A_159 = arith.constant 0 : i32
    %dma_start3A_160 = arith.constant 0 : i32
    %dma_start3A_161 = tpu.memref_slice %arg3[%dma_start3A_159, %dma_start3A_160] : memref<30128x32xf32, #tpu.memory_space<hbm>> -> memref<30128x32xf32, #tpu.memory_space<hbm>>
    tpu.enqueue_indirect_dma source(%dma_start3A_161 : memref<30128x32xf32, #tpu.memory_space<hbm>>) target(%dma_start3A_156 : memref<128x32xf32, #tpu.memory_space<vmem>>) offsets(%dma_start3A_158 : memref<128xi32, #tpu.memory_space<vmem>>) semaphore(%arg7 : memref<!tpu.dma_semaphore, #tpu.memory_space<semaphore_mem>>)
    %dma_start3A_162 = arith.constant 2560 : i32
    %dma_start3A_163 = arith.constant 0 : i32
    %dma_start3A_164 = tpu.memref_slice %arg6[%dma_start3A_162, %dma_start3A_163] : memref<2688x32xf32, #tpu.memory_space<vmem>> -> memref<128x32xf32, #tpu.memory_space<vmem>>
    %dma_start3A_165 = arith.constant 2560 : i32
    %dma_start3A_166 = tpu.memref_slice %arg5[%dma_start3A_165] : memref<2688xi32, #tpu.memory_space<vmem>> -> memref<128xi32, #tpu.memory_space<vmem>>
    %dma_start3A_167 = arith.constant 0 : i32
    %dma_start3A_168 = arith.constant 0 : i32
    %dma_start3A_169 = tpu.memref_slice %arg3[%dma_start3A_167, %dma_start3A_168] : memref<30128x32xf32, #tpu.memory_space<hbm>> -> memref<30128x32xf32, #tpu.memory_space<hbm>>
    tpu.enqueue_indirect_dma source(%dma_start3A_169 : memref<30128x32xf32, #tpu.memory_space<hbm>>) target(%dma_start3A_164 : memref<128x32xf32, #tpu.memory_space<vmem>>) offsets(%dma_start3A_166 : memref<128xi32, #tpu.memory_space<vmem>>) semaphore(%arg7 : memref<!tpu.dma_semaphore, #tpu.memory_space<semaphore_mem>>)
    %dma_wait3A = arith.constant 0 : i32
    %dma_wait3A_170 = arith.constant 0 : i32
    %dma_wait3A_171 = tpu.memref_slice %arg6[%dma_wait3A, %dma_wait3A_170] : memref<2688x32xf32, #tpu.memory_space<vmem>> -> memref<128x32xf32, #tpu.memory_space<vmem>>
    %dma_wait3A_172 = arith.constant 0 : i32
    %dma_wait3A_173 = tpu.memref_slice %arg5[%dma_wait3A_172] : memref<2688xi32, #tpu.memory_space<vmem>> -> memref<128xi32, #tpu.memory_space<vmem>>
    %dma_wait3A_174 = arith.constant 0 : i32
    %dma_wait3A_175 = arith.constant 0 : i32
    %dma_wait3A_176 = tpu.memref_slice %arg3[%dma_wait3A_174, %dma_wait3A_175] : memref<30128x32xf32, #tpu.memory_space<hbm>> -> memref<30128x32xf32, #tpu.memory_space<hbm>>
    tpu.wait_indirect_dma semaphore(%arg7 : memref<!tpu.dma_semaphore, #tpu.memory_space<semaphore_mem>>) src(%dma_wait3A_176 : memref<30128x32xf32, #tpu.memory_space<hbm>>) dst(%dma_wait3A_171 : memref<128x32xf32, #tpu.memory_space<vmem>>)
    %dma_wait3A_177 = arith.constant 128 : i32
    %dma_wait3A_178 = arith.constant 0 : i32
    %dma_wait3A_179 = tpu.memref_slice %arg6[%dma_wait3A_177, %dma_wait3A_178] : memref<2688x32xf32, #tpu.memory_space<vmem>> -> memref<128x32xf32, #tpu.memory_space<vmem>>
    %dma_wait3A_180 = arith.constant 128 : i32
    %dma_wait3A_181 = tpu.memref_slice %arg5[%dma_wait3A_180] : memref<2688xi32, #tpu.memory_space<vmem>> -> memref<128xi32, #tpu.memory_space<vmem>>
    %dma_wait3A_182 = arith.constant 0 : i32
    %dma_wait3A_183 = arith.constant 0 : i32
    %dma_wait3A_184 = tpu.memref_slice %arg3[%dma_wait3A_182, %dma_wait3A_183] : memref<30128x32xf32, #tpu.memory_space<hbm>> -> memref<30128x32xf32, #tpu.memory_space<hbm>>
    tpu.wait_indirect_dma semaphore(%arg7 : memref<!tpu.dma_semaphore, #tpu.memory_space<semaphore_mem>>) src(%dma_wait3A_184 : memref<30128x32xf32, #tpu.memory_space<hbm>>) dst(%dma_wait3A_179 : memref<128x32xf32, #tpu.memory_space<vmem>>)
    %dma_wait3A_185 = arith.constant 256 : i32
    %dma_wait3A_186 = arith.constant 0 : i32
    %dma_wait3A_187 = tpu.memref_slice %arg6[%dma_wait3A_185, %dma_wait3A_186] : memref<2688x32xf32, #tpu.memory_space<vmem>> -> memref<128x32xf32, #tpu.memory_space<vmem>>
    %dma_wait3A_188 = arith.constant 256 : i32
    %dma_wait3A_189 = tpu.memref_slice %arg5[%dma_wait3A_188] : memref<2688xi32, #tpu.memory_space<vmem>> -> memref<128xi32, #tpu.memory_space<vmem>>
    %dma_wait3A_190 = arith.constant 0 : i32
    %dma_wait3A_191 = arith.constant 0 : i32
    %dma_wait3A_192 = tpu.memref_slice %arg3[%dma_wait3A_190, %dma_wait3A_191] : memref<30128x32xf32, #tpu.memory_space<hbm>> -> memref<30128x32xf32, #tpu.memory_space<hbm>>
    tpu.wait_indirect_dma semaphore(%arg7 : memref<!tpu.dma_semaphore, #tpu.memory_space<semaphore_mem>>) src(%dma_wait3A_192 : memref<30128x32xf32, #tpu.memory_space<hbm>>) dst(%dma_wait3A_187 : memref<128x32xf32, #tpu.memory_space<vmem>>)
    %dma_wait3A_193 = arith.constant 384 : i32
    %dma_wait3A_194 = arith.constant 0 : i32
    %dma_wait3A_195 = tpu.memref_slice %arg6[%dma_wait3A_193, %dma_wait3A_194] : memref<2688x32xf32, #tpu.memory_space<vmem>> -> memref<128x32xf32, #tpu.memory_space<vmem>>
    %dma_wait3A_196 = arith.constant 384 : i32
    %dma_wait3A_197 = tpu.memref_slice %arg5[%dma_wait3A_196] : memref<2688xi32, #tpu.memory_space<vmem>> -> memref<128xi32, #tpu.memory_space<vmem>>
    %dma_wait3A_198 = arith.constant 0 : i32
    %dma_wait3A_199 = arith.constant 0 : i32
    %dma_wait3A_200 = tpu.memref_slice %arg3[%dma_wait3A_198, %dma_wait3A_199] : memref<30128x32xf32, #tpu.memory_space<hbm>> -> memref<30128x32xf32, #tpu.memory_space<hbm>>
    tpu.wait_indirect_dma semaphore(%arg7 : memref<!tpu.dma_semaphore, #tpu.memory_space<semaphore_mem>>) src(%dma_wait3A_200 : memref<30128x32xf32, #tpu.memory_space<hbm>>) dst(%dma_wait3A_195 : memref<128x32xf32, #tpu.memory_space<vmem>>)
    %dma_wait3A_201 = arith.constant 512 : i32
    %dma_wait3A_202 = arith.constant 0 : i32
    %dma_wait3A_203 = tpu.memref_slice %arg6[%dma_wait3A_201, %dma_wait3A_202] : memref<2688x32xf32, #tpu.memory_space<vmem>> -> memref<128x32xf32, #tpu.memory_space<vmem>>
    %dma_wait3A_204 = arith.constant 512 : i32
    %dma_wait3A_205 = tpu.memref_slice %arg5[%dma_wait3A_204] : memref<2688xi32, #tpu.memory_space<vmem>> -> memref<128xi32, #tpu.memory_space<vmem>>
    %dma_wait3A_206 = arith.constant 0 : i32
    %dma_wait3A_207 = arith.constant 0 : i32
    %dma_wait3A_208 = tpu.memref_slice %arg3[%dma_wait3A_206, %dma_wait3A_207] : memref<30128x32xf32, #tpu.memory_space<hbm>> -> memref<30128x32xf32, #tpu.memory_space<hbm>>
    tpu.wait_indirect_dma semaphore(%arg7 : memref<!tpu.dma_semaphore, #tpu.memory_space<semaphore_mem>>) src(%dma_wait3A_208 : memref<30128x32xf32, #tpu.memory_space<hbm>>) dst(%dma_wait3A_203 : memref<128x32xf32, #tpu.memory_space<vmem>>)
    %dma_wait3A_209 = arith.constant 640 : i32
    %dma_wait3A_210 = arith.constant 0 : i32
    %dma_wait3A_211 = tpu.memref_slice %arg6[%dma_wait3A_209, %dma_wait3A_210] : memref<2688x32xf32, #tpu.memory_space<vmem>> -> memref<128x32xf32, #tpu.memory_space<vmem>>
    %dma_wait3A_212 = arith.constant 640 : i32
    %dma_wait3A_213 = tpu.memref_slice %arg5[%dma_wait3A_212] : memref<2688xi32, #tpu.memory_space<vmem>> -> memref<128xi32, #tpu.memory_space<vmem>>
    %dma_wait3A_214 = arith.constant 0 : i32
    %dma_wait3A_215 = arith.constant 0 : i32
    %dma_wait3A_216 = tpu.memref_slice %arg3[%dma_wait3A_214, %dma_wait3A_215] : memref<30128x32xf32, #tpu.memory_space<hbm>> -> memref<30128x32xf32, #tpu.memory_space<hbm>>
    tpu.wait_indirect_dma semaphore(%arg7 : memref<!tpu.dma_semaphore, #tpu.memory_space<semaphore_mem>>) src(%dma_wait3A_216 : memref<30128x32xf32, #tpu.memory_space<hbm>>) dst(%dma_wait3A_211 : memref<128x32xf32, #tpu.memory_space<vmem>>)
    %dma_wait3A_217 = arith.constant 768 : i32
    %dma_wait3A_218 = arith.constant 0 : i32
    %dma_wait3A_219 = tpu.memref_slice %arg6[%dma_wait3A_217, %dma_wait3A_218] : memref<2688x32xf32, #tpu.memory_space<vmem>> -> memref<128x32xf32, #tpu.memory_space<vmem>>
    %dma_wait3A_220 = arith.constant 768 : i32
    %dma_wait3A_221 = tpu.memref_slice %arg5[%dma_wait3A_220] : memref<2688xi32, #tpu.memory_space<vmem>> -> memref<128xi32, #tpu.memory_space<vmem>>
    %dma_wait3A_222 = arith.constant 0 : i32
    %dma_wait3A_223 = arith.constant 0 : i32
    %dma_wait3A_224 = tpu.memref_slice %arg3[%dma_wait3A_222, %dma_wait3A_223] : memref<30128x32xf32, #tpu.memory_space<hbm>> -> memref<30128x32xf32, #tpu.memory_space<hbm>>
    tpu.wait_indirect_dma semaphore(%arg7 : memref<!tpu.dma_semaphore, #tpu.memory_space<semaphore_mem>>) src(%dma_wait3A_224 : memref<30128x32xf32, #tpu.memory_space<hbm>>) dst(%dma_wait3A_219 : memref<128x32xf32, #tpu.memory_space<vmem>>)
    %dma_wait3A_225 = arith.constant 896 : i32
    %dma_wait3A_226 = arith.constant 0 : i32
    %dma_wait3A_227 = tpu.memref_slice %arg6[%dma_wait3A_225, %dma_wait3A_226] : memref<2688x32xf32, #tpu.memory_space<vmem>> -> memref<128x32xf32, #tpu.memory_space<vmem>>
    %dma_wait3A_228 = arith.constant 896 : i32
    %dma_wait3A_229 = tpu.memref_slice %arg5[%dma_wait3A_228] : memref<2688xi32, #tpu.memory_space<vmem>> -> memref<128xi32, #tpu.memory_space<vmem>>
    %dma_wait3A_230 = arith.constant 0 : i32
    %dma_wait3A_231 = arith.constant 0 : i32
    %dma_wait3A_232 = tpu.memref_slice %arg3[%dma_wait3A_230, %dma_wait3A_231] : memref<30128x32xf32, #tpu.memory_space<hbm>> -> memref<30128x32xf32, #tpu.memory_space<hbm>>
    tpu.wait_indirect_dma semaphore(%arg7 : memref<!tpu.dma_semaphore, #tpu.memory_space<semaphore_mem>>) src(%dma_wait3A_232 : memref<30128x32xf32, #tpu.memory_space<hbm>>) dst(%dma_wait3A_227 : memref<128x32xf32, #tpu.memory_space<vmem>>)
    %dma_wait3A_233 = arith.constant 1024 : i32
    %dma_wait3A_234 = arith.constant 0 : i32
    %dma_wait3A_235 = tpu.memref_slice %arg6[%dma_wait3A_233, %dma_wait3A_234] : memref<2688x32xf32, #tpu.memory_space<vmem>> -> memref<128x32xf32, #tpu.memory_space<vmem>>
    %dma_wait3A_236 = arith.constant 1024 : i32
    %dma_wait3A_237 = tpu.memref_slice %arg5[%dma_wait3A_236] : memref<2688xi32, #tpu.memory_space<vmem>> -> memref<128xi32, #tpu.memory_space<vmem>>
    %dma_wait3A_238 = arith.constant 0 : i32
    %dma_wait3A_239 = arith.constant 0 : i32
    %dma_wait3A_240 = tpu.memref_slice %arg3[%dma_wait3A_238, %dma_wait3A_239] : memref<30128x32xf32, #tpu.memory_space<hbm>> -> memref<30128x32xf32, #tpu.memory_space<hbm>>
    tpu.wait_indirect_dma semaphore(%arg7 : memref<!tpu.dma_semaphore, #tpu.memory_space<semaphore_mem>>) src(%dma_wait3A_240 : memref<30128x32xf32, #tpu.memory_space<hbm>>) dst(%dma_wait3A_235 : memref<128x32xf32, #tpu.memory_space<vmem>>)
    %dma_wait3A_241 = arith.constant 1152 : i32
    %dma_wait3A_242 = arith.constant 0 : i32
    %dma_wait3A_243 = tpu.memref_slice %arg6[%dma_wait3A_241, %dma_wait3A_242] : memref<2688x32xf32, #tpu.memory_space<vmem>> -> memref<128x32xf32, #tpu.memory_space<vmem>>
    %dma_wait3A_244 = arith.constant 1152 : i32
    %dma_wait3A_245 = tpu.memref_slice %arg5[%dma_wait3A_244] : memref<2688xi32, #tpu.memory_space<vmem>> -> memref<128xi32, #tpu.memory_space<vmem>>
    %dma_wait3A_246 = arith.constant 0 : i32
    %dma_wait3A_247 = arith.constant 0 : i32
    %dma_wait3A_248 = tpu.memref_slice %arg3[%dma_wait3A_246, %dma_wait3A_247] : memref<30128x32xf32, #tpu.memory_space<hbm>> -> memref<30128x32xf32, #tpu.memory_space<hbm>>
    tpu.wait_indirect_dma semaphore(%arg7 : memref<!tpu.dma_semaphore, #tpu.memory_space<semaphore_mem>>) src(%dma_wait3A_248 : memref<30128x32xf32, #tpu.memory_space<hbm>>) dst(%dma_wait3A_243 : memref<128x32xf32, #tpu.memory_space<vmem>>)
    %dma_wait3A_249 = arith.constant 1280 : i32
    %dma_wait3A_250 = arith.constant 0 : i32
    %dma_wait3A_251 = tpu.memref_slice %arg6[%dma_wait3A_249, %dma_wait3A_250] : memref<2688x32xf32, #tpu.memory_space<vmem>> -> memref<128x32xf32, #tpu.memory_space<vmem>>
    %dma_wait3A_252 = arith.constant 1280 : i32
    %dma_wait3A_253 = tpu.memref_slice %arg5[%dma_wait3A_252] : memref<2688xi32, #tpu.memory_space<vmem>> -> memref<128xi32, #tpu.memory_space<vmem>>
    %dma_wait3A_254 = arith.constant 0 : i32
    %dma_wait3A_255 = arith.constant 0 : i32
    %dma_wait3A_256 = tpu.memref_slice %arg3[%dma_wait3A_254, %dma_wait3A_255] : memref<30128x32xf32, #tpu.memory_space<hbm>> -> memref<30128x32xf32, #tpu.memory_space<hbm>>
    tpu.wait_indirect_dma semaphore(%arg7 : memref<!tpu.dma_semaphore, #tpu.memory_space<semaphore_mem>>) src(%dma_wait3A_256 : memref<30128x32xf32, #tpu.memory_space<hbm>>) dst(%dma_wait3A_251 : memref<128x32xf32, #tpu.memory_space<vmem>>)
    %dma_wait3A_257 = arith.constant 1408 : i32
    %dma_wait3A_258 = arith.constant 0 : i32
    %dma_wait3A_259 = tpu.memref_slice %arg6[%dma_wait3A_257, %dma_wait3A_258] : memref<2688x32xf32, #tpu.memory_space<vmem>> -> memref<128x32xf32, #tpu.memory_space<vmem>>
    %dma_wait3A_260 = arith.constant 1408 : i32
    %dma_wait3A_261 = tpu.memref_slice %arg5[%dma_wait3A_260] : memref<2688xi32, #tpu.memory_space<vmem>> -> memref<128xi32, #tpu.memory_space<vmem>>
    %dma_wait3A_262 = arith.constant 0 : i32
    %dma_wait3A_263 = arith.constant 0 : i32
    %dma_wait3A_264 = tpu.memref_slice %arg3[%dma_wait3A_262, %dma_wait3A_263] : memref<30128x32xf32, #tpu.memory_space<hbm>> -> memref<30128x32xf32, #tpu.memory_space<hbm>>
    tpu.wait_indirect_dma semaphore(%arg7 : memref<!tpu.dma_semaphore, #tpu.memory_space<semaphore_mem>>) src(%dma_wait3A_264 : memref<30128x32xf32, #tpu.memory_space<hbm>>) dst(%dma_wait3A_259 : memref<128x32xf32, #tpu.memory_space<vmem>>)
    %dma_wait3A_265 = arith.constant 1536 : i32
    %dma_wait3A_266 = arith.constant 0 : i32
    %dma_wait3A_267 = tpu.memref_slice %arg6[%dma_wait3A_265, %dma_wait3A_266] : memref<2688x32xf32, #tpu.memory_space<vmem>> -> memref<128x32xf32, #tpu.memory_space<vmem>>
    %dma_wait3A_268 = arith.constant 1536 : i32
    %dma_wait3A_269 = tpu.memref_slice %arg5[%dma_wait3A_268] : memref<2688xi32, #tpu.memory_space<vmem>> -> memref<128xi32, #tpu.memory_space<vmem>>
    %dma_wait3A_270 = arith.constant 0 : i32
    %dma_wait3A_271 = arith.constant 0 : i32
    %dma_wait3A_272 = tpu.memref_slice %arg3[%dma_wait3A_270, %dma_wait3A_271] : memref<30128x32xf32, #tpu.memory_space<hbm>> -> memref<30128x32xf32, #tpu.memory_space<hbm>>
    tpu.wait_indirect_dma semaphore(%arg7 : memref<!tpu.dma_semaphore, #tpu.memory_space<semaphore_mem>>) src(%dma_wait3A_272 : memref<30128x32xf32, #tpu.memory_space<hbm>>) dst(%dma_wait3A_267 : memref<128x32xf32, #tpu.memory_space<vmem>>)
    %dma_wait3A_273 = arith.constant 1664 : i32
    %dma_wait3A_274 = arith.constant 0 : i32
    %dma_wait3A_275 = tpu.memref_slice %arg6[%dma_wait3A_273, %dma_wait3A_274] : memref<2688x32xf32, #tpu.memory_space<vmem>> -> memref<128x32xf32, #tpu.memory_space<vmem>>
    %dma_wait3A_276 = arith.constant 1664 : i32
    %dma_wait3A_277 = tpu.memref_slice %arg5[%dma_wait3A_276] : memref<2688xi32, #tpu.memory_space<vmem>> -> memref<128xi32, #tpu.memory_space<vmem>>
    %dma_wait3A_278 = arith.constant 0 : i32
    %dma_wait3A_279 = arith.constant 0 : i32
    %dma_wait3A_280 = tpu.memref_slice %arg3[%dma_wait3A_278, %dma_wait3A_279] : memref<30128x32xf32, #tpu.memory_space<hbm>> -> memref<30128x32xf32, #tpu.memory_space<hbm>>
    tpu.wait_indirect_dma semaphore(%arg7 : memref<!tpu.dma_semaphore, #tpu.memory_space<semaphore_mem>>) src(%dma_wait3A_280 : memref<30128x32xf32, #tpu.memory_space<hbm>>) dst(%dma_wait3A_275 : memref<128x32xf32, #tpu.memory_space<vmem>>)
    %dma_wait3A_281 = arith.constant 1792 : i32
    %dma_wait3A_282 = arith.constant 0 : i32
    %dma_wait3A_283 = tpu.memref_slice %arg6[%dma_wait3A_281, %dma_wait3A_282] : memref<2688x32xf32, #tpu.memory_space<vmem>> -> memref<128x32xf32, #tpu.memory_space<vmem>>
    %dma_wait3A_284 = arith.constant 1792 : i32
    %dma_wait3A_285 = tpu.memref_slice %arg5[%dma_wait3A_284] : memref<2688xi32, #tpu.memory_space<vmem>> -> memref<128xi32, #tpu.memory_space<vmem>>
    %dma_wait3A_286 = arith.constant 0 : i32
    %dma_wait3A_287 = arith.constant 0 : i32
    %dma_wait3A_288 = tpu.memref_slice %arg3[%dma_wait3A_286, %dma_wait3A_287] : memref<30128x32xf32, #tpu.memory_space<hbm>> -> memref<30128x32xf32, #tpu.memory_space<hbm>>
    tpu.wait_indirect_dma semaphore(%arg7 : memref<!tpu.dma_semaphore, #tpu.memory_space<semaphore_mem>>) src(%dma_wait3A_288 : memref<30128x32xf32, #tpu.memory_space<hbm>>) dst(%dma_wait3A_283 : memref<128x32xf32, #tpu.memory_space<vmem>>)
    %dma_wait3A_289 = arith.constant 1920 : i32
    %dma_wait3A_290 = arith.constant 0 : i32
    %dma_wait3A_291 = tpu.memref_slice %arg6[%dma_wait3A_289, %dma_wait3A_290] : memref<2688x32xf32, #tpu.memory_space<vmem>> -> memref<128x32xf32, #tpu.memory_space<vmem>>
    %dma_wait3A_292 = arith.constant 1920 : i32
    %dma_wait3A_293 = tpu.memref_slice %arg5[%dma_wait3A_292] : memref<2688xi32, #tpu.memory_space<vmem>> -> memref<128xi32, #tpu.memory_space<vmem>>
    %dma_wait3A_294 = arith.constant 0 : i32
    %dma_wait3A_295 = arith.constant 0 : i32
    %dma_wait3A_296 = tpu.memref_slice %arg3[%dma_wait3A_294, %dma_wait3A_295] : memref<30128x32xf32, #tpu.memory_space<hbm>> -> memref<30128x32xf32, #tpu.memory_space<hbm>>
    tpu.wait_indirect_dma semaphore(%arg7 : memref<!tpu.dma_semaphore, #tpu.memory_space<semaphore_mem>>) src(%dma_wait3A_296 : memref<30128x32xf32, #tpu.memory_space<hbm>>) dst(%dma_wait3A_291 : memref<128x32xf32, #tpu.memory_space<vmem>>)
    %dma_wait3A_297 = arith.constant 2048 : i32
    %dma_wait3A_298 = arith.constant 0 : i32
    %dma_wait3A_299 = tpu.memref_slice %arg6[%dma_wait3A_297, %dma_wait3A_298] : memref<2688x32xf32, #tpu.memory_space<vmem>> -> memref<128x32xf32, #tpu.memory_space<vmem>>
    %dma_wait3A_300 = arith.constant 2048 : i32
    %dma_wait3A_301 = tpu.memref_slice %arg5[%dma_wait3A_300] : memref<2688xi32, #tpu.memory_space<vmem>> -> memref<128xi32, #tpu.memory_space<vmem>>
    %dma_wait3A_302 = arith.constant 0 : i32
    %dma_wait3A_303 = arith.constant 0 : i32
    %dma_wait3A_304 = tpu.memref_slice %arg3[%dma_wait3A_302, %dma_wait3A_303] : memref<30128x32xf32, #tpu.memory_space<hbm>> -> memref<30128x32xf32, #tpu.memory_space<hbm>>
    tpu.wait_indirect_dma semaphore(%arg7 : memref<!tpu.dma_semaphore, #tpu.memory_space<semaphore_mem>>) src(%dma_wait3A_304 : memref<30128x32xf32, #tpu.memory_space<hbm>>) dst(%dma_wait3A_299 : memref<128x32xf32, #tpu.memory_space<vmem>>)
    %dma_wait3A_305 = arith.constant 2176 : i32
    %dma_wait3A_306 = arith.constant 0 : i32
    %dma_wait3A_307 = tpu.memref_slice %arg6[%dma_wait3A_305, %dma_wait3A_306] : memref<2688x32xf32, #tpu.memory_space<vmem>> -> memref<128x32xf32, #tpu.memory_space<vmem>>
    %dma_wait3A_308 = arith.constant 2176 : i32
    %dma_wait3A_309 = tpu.memref_slice %arg5[%dma_wait3A_308] : memref<2688xi32, #tpu.memory_space<vmem>> -> memref<128xi32, #tpu.memory_space<vmem>>
    %dma_wait3A_310 = arith.constant 0 : i32
    %dma_wait3A_311 = arith.constant 0 : i32
    %dma_wait3A_312 = tpu.memref_slice %arg3[%dma_wait3A_310, %dma_wait3A_311] : memref<30128x32xf32, #tpu.memory_space<hbm>> -> memref<30128x32xf32, #tpu.memory_space<hbm>>
    tpu.wait_indirect_dma semaphore(%arg7 : memref<!tpu.dma_semaphore, #tpu.memory_space<semaphore_mem>>) src(%dma_wait3A_312 : memref<30128x32xf32, #tpu.memory_space<hbm>>) dst(%dma_wait3A_307 : memref<128x32xf32, #tpu.memory_space<vmem>>)
    %dma_wait3A_313 = arith.constant 2304 : i32
    %dma_wait3A_314 = arith.constant 0 : i32
    %dma_wait3A_315 = tpu.memref_slice %arg6[%dma_wait3A_313, %dma_wait3A_314] : memref<2688x32xf32, #tpu.memory_space<vmem>> -> memref<128x32xf32, #tpu.memory_space<vmem>>
    %dma_wait3A_316 = arith.constant 2304 : i32
    %dma_wait3A_317 = tpu.memref_slice %arg5[%dma_wait3A_316] : memref<2688xi32, #tpu.memory_space<vmem>> -> memref<128xi32, #tpu.memory_space<vmem>>
    %dma_wait3A_318 = arith.constant 0 : i32
    %dma_wait3A_319 = arith.constant 0 : i32
    %dma_wait3A_320 = tpu.memref_slice %arg3[%dma_wait3A_318, %dma_wait3A_319] : memref<30128x32xf32, #tpu.memory_space<hbm>> -> memref<30128x32xf32, #tpu.memory_space<hbm>>
    tpu.wait_indirect_dma semaphore(%arg7 : memref<!tpu.dma_semaphore, #tpu.memory_space<semaphore_mem>>) src(%dma_wait3A_320 : memref<30128x32xf32, #tpu.memory_space<hbm>>) dst(%dma_wait3A_315 : memref<128x32xf32, #tpu.memory_space<vmem>>)
    %dma_wait3A_321 = arith.constant 2432 : i32
    %dma_wait3A_322 = arith.constant 0 : i32
    %dma_wait3A_323 = tpu.memref_slice %arg6[%dma_wait3A_321, %dma_wait3A_322] : memref<2688x32xf32, #tpu.memory_space<vmem>> -> memref<128x32xf32, #tpu.memory_space<vmem>>
    %dma_wait3A_324 = arith.constant 2432 : i32
    %dma_wait3A_325 = tpu.memref_slice %arg5[%dma_wait3A_324] : memref<2688xi32, #tpu.memory_space<vmem>> -> memref<128xi32, #tpu.memory_space<vmem>>
    %dma_wait3A_326 = arith.constant 0 : i32
    %dma_wait3A_327 = arith.constant 0 : i32
    %dma_wait3A_328 = tpu.memref_slice %arg3[%dma_wait3A_326, %dma_wait3A_327] : memref<30128x32xf32, #tpu.memory_space<hbm>> -> memref<30128x32xf32, #tpu.memory_space<hbm>>
    tpu.wait_indirect_dma semaphore(%arg7 : memref<!tpu.dma_semaphore, #tpu.memory_space<semaphore_mem>>) src(%dma_wait3A_328 : memref<30128x32xf32, #tpu.memory_space<hbm>>) dst(%dma_wait3A_323 : memref<128x32xf32, #tpu.memory_space<vmem>>)
    %dma_wait3A_329 = arith.constant 2560 : i32
    %dma_wait3A_330 = arith.constant 0 : i32
    %dma_wait3A_331 = tpu.memref_slice %arg6[%dma_wait3A_329, %dma_wait3A_330] : memref<2688x32xf32, #tpu.memory_space<vmem>> -> memref<128x32xf32, #tpu.memory_space<vmem>>
    %dma_wait3A_332 = arith.constant 2560 : i32
    %dma_wait3A_333 = tpu.memref_slice %arg5[%dma_wait3A_332] : memref<2688xi32, #tpu.memory_space<vmem>> -> memref<128xi32, #tpu.memory_space<vmem>>
    %dma_wait3A_334 = arith.constant 0 : i32
    %dma_wait3A_335 = arith.constant 0 : i32
    %dma_wait3A_336 = tpu.memref_slice %arg3[%dma_wait3A_334, %dma_wait3A_335] : memref<30128x32xf32, #tpu.memory_space<hbm>> -> memref<30128x32xf32, #tpu.memory_space<hbm>>
    tpu.wait_indirect_dma semaphore(%arg7 : memref<!tpu.dma_semaphore, #tpu.memory_space<semaphore_mem>>) src(%dma_wait3A_336 : memref<30128x32xf32, #tpu.memory_space<hbm>>) dst(%dma_wait3A_331 : memref<128x32xf32, #tpu.memory_space<vmem>>)
    "tpu.region"() ({
      %run_scoped3A = tpu.sem_alloc : memref<!tpu.dma_semaphore, #tpu.memory_space<semaphore_mem>>
      %dma_start3A_337 = arith.constant 0 : i32
      %dma_start3A_338 = tpu.memref_slice %arg4[%mul3A_2, %dma_start3A_337] : memref<86016x32xf32, #tpu.memory_space<hbm>> -> memref<2688x32xf32, #tpu.memory_space<hbm>>
      %dma_start3A_339 = arith.constant 0 : i32
      %dma_start3A_340 = tpu.memref_slice %arg4[%mul3A_2, %dma_start3A_339] : memref<86016x32xf32, #tpu.memory_space<hbm>> -> memref<2688x32xf32, #tpu.memory_space<hbm>>
      tpu.enqueue_dma source(%arg6 : memref<2688x32xf32, #tpu.memory_space<vmem>>) target(%dma_start3A_340 : memref<2688x32xf32, #tpu.memory_space<hbm>>) target_semaphore(%run_scoped3A : memref<!tpu.dma_semaphore, #tpu.memory_space<semaphore_mem>>)
      %dma_wait3A_341 = arith.constant 0 : i32
      %dma_wait3A_342 = tpu.memref_slice %arg4[%mul3A_2, %dma_wait3A_341] : memref<86016x32xf32, #tpu.memory_space<hbm>> -> memref<2688x32xf32, #tpu.memory_space<hbm>>
      %dma_wait3A_343 = arith.constant 0 : i32
      %dma_wait3A_344 = tpu.memref_slice %arg4[%mul3A_2, %dma_wait3A_343] : memref<86016x32xf32, #tpu.memory_space<hbm>> -> memref<2688x32xf32, #tpu.memory_space<hbm>>
      tpu.wait_dma2 semaphore(%run_scoped3A : memref<!tpu.dma_semaphore, #tpu.memory_space<semaphore_mem>>) src(%arg6 : memref<2688x32xf32, #tpu.memory_space<vmem>>) dst(%dma_wait3A_344 : memref<2688x32xf32, #tpu.memory_space<hbm>>)
      tpu.yield
    }) : () -> ()
    return
  }
}

#map = affine_map<(d0, d1) -> (0)>
#map1 = affine_map<(d0, d1) -> (0, 0, 0)>
#map2 = affine_map<(d0, d1) -> (0, 0)>
module attributes {stable_mosaic.version = 14 : i64} {
  func.func @_sc_pool_body(%arg0: i32, %arg1: i32, %arg2: memref<32768xi32, #tpu.memory_space<hbm>>, %arg3: memref<32x8x128xi32, #tpu.memory_space<hbm>>, %arg4: memref<73728x32xf32, #tpu.memory_space<hbm>>, %arg5: memref<128x32xf32, #tpu.memory_space<hbm>>, %arg6: memref<512x32xf32, #tpu.memory_space<hbm>>, %arg7: memref<2x512x32xf32, #tpu.memory_space<hbm>>, %arg8: memref<2x512x32xf32, #tpu.memory_space<hbm>>, %arg9: memref<1024xi32, #tpu.memory_space<vmem>>, %arg10: memref<8x128xi32, #tpu.memory_space<vmem>>, %arg11: memref<1024x32xf32, #tpu.memory_space<vmem>>, %arg12: memref<128x32xf32, #tpu.memory_space<vmem>>, %arg13: memref<512x32xf32, #tpu.memory_space<vmem_shared>>, %arg14: memref<512x32xf32, #tpu.memory_space<vmem_shared>>, %arg15: memref<!tpu.dma_semaphore, #tpu.memory_space<semaphore_mem>>) attributes {dimension_semantics = [#tpu.dimension_semantics<core_parallel>, #tpu.dimension_semantics<subcore_parallel>], iteration_bounds = array<i64: 2, 16>, scalar_prefetch = 0 : i64, scratch_operands = 7 : i64, tpu.core_type = #tpu.core_type<sc_vector_subcore>, window_params = [{transform_indices = #map}, {transform_indices = #map1}, {transform_indices = #map2}, {transform_indices = #map2}, {transform_indices = #map2}, {transform_indices = #map1}, {transform_indices = #map1}]} {
    %mul3A = arith.constant 2 : i32
    %mul3A_0 = arith.muli %arg1, %mul3A : i32
    %add3A = arith.addi %mul3A_0, %arg0 : i32
    %eq3A = arith.constant 0 : i32
    %eq3A_1 = arith.cmpi eq, %arg1, %eq3A : i32
    %convert_element_type3A = arith.extui %eq3A_1 : i1 to i32
    %cond3A = arith.constant 0 : i32
    %cond3A_2 = arith.cmpi ne, %convert_element_type3A, %cond3A : i32
    scf.if %cond3A_2 {
      "tpu.region"() ({
        %run_scoped3A_152 = tpu.sem_alloc : memref<!tpu.dma_semaphore, #tpu.memory_space<semaphore_mem>>
        tpu.enqueue_dma source(%arg6 : memref<512x32xf32, #tpu.memory_space<hbm>>) target(%arg13 : memref<512x32xf32, #tpu.memory_space<vmem_shared>>) target_semaphore(%run_scoped3A_152 : memref<!tpu.dma_semaphore, #tpu.memory_space<semaphore_mem>>)
        tpu.wait_dma2 semaphore(%run_scoped3A_152 : memref<!tpu.dma_semaphore, #tpu.memory_space<semaphore_mem>>) src(%arg6 : memref<512x32xf32, #tpu.memory_space<hbm>>) dst(%arg13 : memref<512x32xf32, #tpu.memory_space<vmem_shared>>)
        tpu.yield
      }) : () -> ()
      "tpu.region"() ({
        %run_scoped3A_152 = tpu.sem_alloc : memref<!tpu.dma_semaphore, #tpu.memory_space<semaphore_mem>>
        tpu.enqueue_dma source(%arg6 : memref<512x32xf32, #tpu.memory_space<hbm>>) target(%arg14 : memref<512x32xf32, #tpu.memory_space<vmem_shared>>) target_semaphore(%run_scoped3A_152 : memref<!tpu.dma_semaphore, #tpu.memory_space<semaphore_mem>>)
        tpu.wait_dma2 semaphore(%run_scoped3A_152 : memref<!tpu.dma_semaphore, #tpu.memory_space<semaphore_mem>>) src(%arg6 : memref<512x32xf32, #tpu.memory_space<hbm>>) dst(%arg14 : memref<512x32xf32, #tpu.memory_space<vmem_shared>>)
        tpu.yield
      }) : () -> ()
    } else {
    }
    "tpu.region"() ({
      %run_scoped3A_152 = tpu.sem_alloc : memref<!tpu.dma_semaphore, #tpu.memory_space<semaphore_mem>>
      tpu.enqueue_dma source(%arg5 : memref<128x32xf32, #tpu.memory_space<hbm>>) target(%arg12 : memref<128x32xf32, #tpu.memory_space<vmem>>) target_semaphore(%run_scoped3A_152 : memref<!tpu.dma_semaphore, #tpu.memory_space<semaphore_mem>>)
      tpu.wait_dma2 semaphore(%run_scoped3A_152 : memref<!tpu.dma_semaphore, #tpu.memory_space<semaphore_mem>>) src(%arg5 : memref<128x32xf32, #tpu.memory_space<hbm>>) dst(%arg12 : memref<128x32xf32, #tpu.memory_space<vmem>>)
      tpu.yield
    }) : () -> ()
    %mul3A_3 = arith.constant 1024 : i32
    %mul3A_4 = arith.muli %add3A, %mul3A_3 : i32
    "tpu.region"() ({
      %run_scoped3A_152 = tpu.sem_alloc : memref<!tpu.dma_semaphore, #tpu.memory_space<semaphore_mem>>
      %dma_start3A_153 = tpu.memref_slice %arg2[%mul3A_4] : memref<32768xi32, #tpu.memory_space<hbm>> -> memref<1024xi32, #tpu.memory_space<hbm>>
      %dma_start3A_154 = tpu.memref_slice %arg2[%mul3A_4] : memref<32768xi32, #tpu.memory_space<hbm>> -> memref<1024xi32, #tpu.memory_space<hbm>>
      tpu.enqueue_dma source(%dma_start3A_154 : memref<1024xi32, #tpu.memory_space<hbm>>) target(%arg9 : memref<1024xi32, #tpu.memory_space<vmem>>) target_semaphore(%run_scoped3A_152 : memref<!tpu.dma_semaphore, #tpu.memory_space<semaphore_mem>>)
      %dma_wait3A_155 = tpu.memref_slice %arg2[%mul3A_4] : memref<32768xi32, #tpu.memory_space<hbm>> -> memref<1024xi32, #tpu.memory_space<hbm>>
      %dma_wait3A_156 = tpu.memref_slice %arg2[%mul3A_4] : memref<32768xi32, #tpu.memory_space<hbm>> -> memref<1024xi32, #tpu.memory_space<hbm>>
      tpu.wait_dma2 semaphore(%run_scoped3A_152 : memref<!tpu.dma_semaphore, #tpu.memory_space<semaphore_mem>>) src(%dma_wait3A_156 : memref<1024xi32, #tpu.memory_space<hbm>>) dst(%arg9 : memref<1024xi32, #tpu.memory_space<vmem>>)
      tpu.yield
    }) : () -> ()
    "tpu.region"() ({
      %run_scoped3A_152 = tpu.sem_alloc : memref<!tpu.dma_semaphore, #tpu.memory_space<semaphore_mem>>
      %dma_start3A_153 = arith.constant 0 : i32
      %dma_start3A_154 = arith.constant 0 : i32
      %dma_start3A_155 = tpu.memref_slice %arg3[%add3A, %dma_start3A_153, %dma_start3A_154] : memref<32x8x128xi32, #tpu.memory_space<hbm>> -> memref<1x8x128xi32, #tpu.memory_space<hbm>>
      %dma_start3A_156 = tpu.memref_squeeze %dma_start3A_155 : memref<1x8x128xi32, #tpu.memory_space<hbm>> -> memref<8x128xi32, #tpu.memory_space<hbm>>
      %dma_start3A_157 = arith.constant 0 : i32
      %dma_start3A_158 = arith.constant 0 : i32
      %dma_start3A_159 = tpu.memref_slice %arg3[%add3A, %dma_start3A_157, %dma_start3A_158] : memref<32x8x128xi32, #tpu.memory_space<hbm>> -> memref<1x8x128xi32, #tpu.memory_space<hbm>>
      %dma_start3A_160 = tpu.memref_squeeze %dma_start3A_159 : memref<1x8x128xi32, #tpu.memory_space<hbm>> -> memref<8x128xi32, #tpu.memory_space<hbm>>
      tpu.enqueue_dma source(%dma_start3A_160 : memref<8x128xi32, #tpu.memory_space<hbm>>) target(%arg10 : memref<8x128xi32, #tpu.memory_space<vmem>>) target_semaphore(%run_scoped3A_152 : memref<!tpu.dma_semaphore, #tpu.memory_space<semaphore_mem>>)
      %dma_wait3A_161 = arith.constant 0 : i32
      %dma_wait3A_162 = arith.constant 0 : i32
      %dma_wait3A_163 = tpu.memref_slice %arg3[%add3A, %dma_wait3A_161, %dma_wait3A_162] : memref<32x8x128xi32, #tpu.memory_space<hbm>> -> memref<1x8x128xi32, #tpu.memory_space<hbm>>
      %dma_wait3A_164 = tpu.memref_squeeze %dma_wait3A_163 : memref<1x8x128xi32, #tpu.memory_space<hbm>> -> memref<8x128xi32, #tpu.memory_space<hbm>>
      %dma_wait3A_165 = arith.constant 0 : i32
      %dma_wait3A_166 = arith.constant 0 : i32
      %dma_wait3A_167 = tpu.memref_slice %arg3[%add3A, %dma_wait3A_165, %dma_wait3A_166] : memref<32x8x128xi32, #tpu.memory_space<hbm>> -> memref<1x8x128xi32, #tpu.memory_space<hbm>>
      %dma_wait3A_168 = tpu.memref_squeeze %dma_wait3A_167 : memref<1x8x128xi32, #tpu.memory_space<hbm>> -> memref<8x128xi32, #tpu.memory_space<hbm>>
      tpu.wait_dma2 semaphore(%run_scoped3A_152 : memref<!tpu.dma_semaphore, #tpu.memory_space<semaphore_mem>>) src(%dma_wait3A_168 : memref<8x128xi32, #tpu.memory_space<hbm>>) dst(%arg10 : memref<8x128xi32, #tpu.memory_space<vmem>>)
      tpu.yield
    }) : () -> ()
    %barrier3A = arith.constant 0 : index
    tpu.barrier barrier_id(%barrier3A)
    %dma_start3A = arith.constant 0 : i32
    %dma_start3A_5 = arith.constant 0 : i32
    %dma_start3A_6 = tpu.memref_slice %arg11[%dma_start3A, %dma_start3A_5] : memref<1024x32xf32, #tpu.memory_space<vmem>> -> memref<128x32xf32, #tpu.memory_space<vmem>>
    %dma_start3A_7 = arith.constant 0 : i32
    %dma_start3A_8 = tpu.memref_slice %arg9[%dma_start3A_7] : memref<1024xi32, #tpu.memory_space<vmem>> -> memref<128xi32, #tpu.memory_space<vmem>>
    %dma_start3A_9 = arith.constant 0 : i32
    %dma_start3A_10 = arith.constant 0 : i32
    %dma_start3A_11 = tpu.memref_slice %arg4[%dma_start3A_9, %dma_start3A_10] : memref<73728x32xf32, #tpu.memory_space<hbm>> -> memref<73728x32xf32, #tpu.memory_space<hbm>>
    tpu.enqueue_indirect_dma source(%dma_start3A_11 : memref<73728x32xf32, #tpu.memory_space<hbm>>) target(%dma_start3A_6 : memref<128x32xf32, #tpu.memory_space<vmem>>) offsets(%dma_start3A_8 : memref<128xi32, #tpu.memory_space<vmem>>) semaphore(%arg15 : memref<!tpu.dma_semaphore, #tpu.memory_space<semaphore_mem>>)
    %dma_start3A_12 = arith.constant 128 : i32
    %dma_start3A_13 = arith.constant 0 : i32
    %dma_start3A_14 = tpu.memref_slice %arg11[%dma_start3A_12, %dma_start3A_13] : memref<1024x32xf32, #tpu.memory_space<vmem>> -> memref<128x32xf32, #tpu.memory_space<vmem>>
    %dma_start3A_15 = arith.constant 128 : i32
    %dma_start3A_16 = tpu.memref_slice %arg9[%dma_start3A_15] : memref<1024xi32, #tpu.memory_space<vmem>> -> memref<128xi32, #tpu.memory_space<vmem>>
    %dma_start3A_17 = arith.constant 0 : i32
    %dma_start3A_18 = arith.constant 0 : i32
    %dma_start3A_19 = tpu.memref_slice %arg4[%dma_start3A_17, %dma_start3A_18] : memref<73728x32xf32, #tpu.memory_space<hbm>> -> memref<73728x32xf32, #tpu.memory_space<hbm>>
    tpu.enqueue_indirect_dma source(%dma_start3A_19 : memref<73728x32xf32, #tpu.memory_space<hbm>>) target(%dma_start3A_14 : memref<128x32xf32, #tpu.memory_space<vmem>>) offsets(%dma_start3A_16 : memref<128xi32, #tpu.memory_space<vmem>>) semaphore(%arg15 : memref<!tpu.dma_semaphore, #tpu.memory_space<semaphore_mem>>)
    %dma_start3A_20 = arith.constant 256 : i32
    %dma_start3A_21 = arith.constant 0 : i32
    %dma_start3A_22 = tpu.memref_slice %arg11[%dma_start3A_20, %dma_start3A_21] : memref<1024x32xf32, #tpu.memory_space<vmem>> -> memref<128x32xf32, #tpu.memory_space<vmem>>
    %dma_start3A_23 = arith.constant 256 : i32
    %dma_start3A_24 = tpu.memref_slice %arg9[%dma_start3A_23] : memref<1024xi32, #tpu.memory_space<vmem>> -> memref<128xi32, #tpu.memory_space<vmem>>
    %dma_start3A_25 = arith.constant 0 : i32
    %dma_start3A_26 = arith.constant 0 : i32
    %dma_start3A_27 = tpu.memref_slice %arg4[%dma_start3A_25, %dma_start3A_26] : memref<73728x32xf32, #tpu.memory_space<hbm>> -> memref<73728x32xf32, #tpu.memory_space<hbm>>
    tpu.enqueue_indirect_dma source(%dma_start3A_27 : memref<73728x32xf32, #tpu.memory_space<hbm>>) target(%dma_start3A_22 : memref<128x32xf32, #tpu.memory_space<vmem>>) offsets(%dma_start3A_24 : memref<128xi32, #tpu.memory_space<vmem>>) semaphore(%arg15 : memref<!tpu.dma_semaphore, #tpu.memory_space<semaphore_mem>>)
    %dma_start3A_28 = arith.constant 384 : i32
    %dma_start3A_29 = arith.constant 0 : i32
    %dma_start3A_30 = tpu.memref_slice %arg11[%dma_start3A_28, %dma_start3A_29] : memref<1024x32xf32, #tpu.memory_space<vmem>> -> memref<128x32xf32, #tpu.memory_space<vmem>>
    %dma_start3A_31 = arith.constant 384 : i32
    %dma_start3A_32 = tpu.memref_slice %arg9[%dma_start3A_31] : memref<1024xi32, #tpu.memory_space<vmem>> -> memref<128xi32, #tpu.memory_space<vmem>>
    %dma_start3A_33 = arith.constant 0 : i32
    %dma_start3A_34 = arith.constant 0 : i32
    %dma_start3A_35 = tpu.memref_slice %arg4[%dma_start3A_33, %dma_start3A_34] : memref<73728x32xf32, #tpu.memory_space<hbm>> -> memref<73728x32xf32, #tpu.memory_space<hbm>>
    tpu.enqueue_indirect_dma source(%dma_start3A_35 : memref<73728x32xf32, #tpu.memory_space<hbm>>) target(%dma_start3A_30 : memref<128x32xf32, #tpu.memory_space<vmem>>) offsets(%dma_start3A_32 : memref<128xi32, #tpu.memory_space<vmem>>) semaphore(%arg15 : memref<!tpu.dma_semaphore, #tpu.memory_space<semaphore_mem>>)
    %dma_start3A_36 = arith.constant 512 : i32
    %dma_start3A_37 = arith.constant 0 : i32
    %dma_start3A_38 = tpu.memref_slice %arg11[%dma_start3A_36, %dma_start3A_37] : memref<1024x32xf32, #tpu.memory_space<vmem>> -> memref<128x32xf32, #tpu.memory_space<vmem>>
    %dma_start3A_39 = arith.constant 512 : i32
    %dma_start3A_40 = tpu.memref_slice %arg9[%dma_start3A_39] : memref<1024xi32, #tpu.memory_space<vmem>> -> memref<128xi32, #tpu.memory_space<vmem>>
    %dma_start3A_41 = arith.constant 0 : i32
    %dma_start3A_42 = arith.constant 0 : i32
    %dma_start3A_43 = tpu.memref_slice %arg4[%dma_start3A_41, %dma_start3A_42] : memref<73728x32xf32, #tpu.memory_space<hbm>> -> memref<73728x32xf32, #tpu.memory_space<hbm>>
    tpu.enqueue_indirect_dma source(%dma_start3A_43 : memref<73728x32xf32, #tpu.memory_space<hbm>>) target(%dma_start3A_38 : memref<128x32xf32, #tpu.memory_space<vmem>>) offsets(%dma_start3A_40 : memref<128xi32, #tpu.memory_space<vmem>>) semaphore(%arg15 : memref<!tpu.dma_semaphore, #tpu.memory_space<semaphore_mem>>)
    %dma_start3A_44 = arith.constant 640 : i32
    %dma_start3A_45 = arith.constant 0 : i32
    %dma_start3A_46 = tpu.memref_slice %arg11[%dma_start3A_44, %dma_start3A_45] : memref<1024x32xf32, #tpu.memory_space<vmem>> -> memref<128x32xf32, #tpu.memory_space<vmem>>
    %dma_start3A_47 = arith.constant 640 : i32
    %dma_start3A_48 = tpu.memref_slice %arg9[%dma_start3A_47] : memref<1024xi32, #tpu.memory_space<vmem>> -> memref<128xi32, #tpu.memory_space<vmem>>
    %dma_start3A_49 = arith.constant 0 : i32
    %dma_start3A_50 = arith.constant 0 : i32
    %dma_start3A_51 = tpu.memref_slice %arg4[%dma_start3A_49, %dma_start3A_50] : memref<73728x32xf32, #tpu.memory_space<hbm>> -> memref<73728x32xf32, #tpu.memory_space<hbm>>
    tpu.enqueue_indirect_dma source(%dma_start3A_51 : memref<73728x32xf32, #tpu.memory_space<hbm>>) target(%dma_start3A_46 : memref<128x32xf32, #tpu.memory_space<vmem>>) offsets(%dma_start3A_48 : memref<128xi32, #tpu.memory_space<vmem>>) semaphore(%arg15 : memref<!tpu.dma_semaphore, #tpu.memory_space<semaphore_mem>>)
    %dma_start3A_52 = arith.constant 768 : i32
    %dma_start3A_53 = arith.constant 0 : i32
    %dma_start3A_54 = tpu.memref_slice %arg11[%dma_start3A_52, %dma_start3A_53] : memref<1024x32xf32, #tpu.memory_space<vmem>> -> memref<128x32xf32, #tpu.memory_space<vmem>>
    %dma_start3A_55 = arith.constant 768 : i32
    %dma_start3A_56 = tpu.memref_slice %arg9[%dma_start3A_55] : memref<1024xi32, #tpu.memory_space<vmem>> -> memref<128xi32, #tpu.memory_space<vmem>>
    %dma_start3A_57 = arith.constant 0 : i32
    %dma_start3A_58 = arith.constant 0 : i32
    %dma_start3A_59 = tpu.memref_slice %arg4[%dma_start3A_57, %dma_start3A_58] : memref<73728x32xf32, #tpu.memory_space<hbm>> -> memref<73728x32xf32, #tpu.memory_space<hbm>>
    tpu.enqueue_indirect_dma source(%dma_start3A_59 : memref<73728x32xf32, #tpu.memory_space<hbm>>) target(%dma_start3A_54 : memref<128x32xf32, #tpu.memory_space<vmem>>) offsets(%dma_start3A_56 : memref<128xi32, #tpu.memory_space<vmem>>) semaphore(%arg15 : memref<!tpu.dma_semaphore, #tpu.memory_space<semaphore_mem>>)
    %dma_start3A_60 = arith.constant 896 : i32
    %dma_start3A_61 = arith.constant 0 : i32
    %dma_start3A_62 = tpu.memref_slice %arg11[%dma_start3A_60, %dma_start3A_61] : memref<1024x32xf32, #tpu.memory_space<vmem>> -> memref<128x32xf32, #tpu.memory_space<vmem>>
    %dma_start3A_63 = arith.constant 896 : i32
    %dma_start3A_64 = tpu.memref_slice %arg9[%dma_start3A_63] : memref<1024xi32, #tpu.memory_space<vmem>> -> memref<128xi32, #tpu.memory_space<vmem>>
    %dma_start3A_65 = arith.constant 0 : i32
    %dma_start3A_66 = arith.constant 0 : i32
    %dma_start3A_67 = tpu.memref_slice %arg4[%dma_start3A_65, %dma_start3A_66] : memref<73728x32xf32, #tpu.memory_space<hbm>> -> memref<73728x32xf32, #tpu.memory_space<hbm>>
    tpu.enqueue_indirect_dma source(%dma_start3A_67 : memref<73728x32xf32, #tpu.memory_space<hbm>>) target(%dma_start3A_62 : memref<128x32xf32, #tpu.memory_space<vmem>>) offsets(%dma_start3A_64 : memref<128xi32, #tpu.memory_space<vmem>>) semaphore(%arg15 : memref<!tpu.dma_semaphore, #tpu.memory_space<semaphore_mem>>)
    %dma_wait3A = arith.constant 0 : i32
    %dma_wait3A_68 = arith.constant 0 : i32
    %dma_wait3A_69 = tpu.memref_slice %arg11[%dma_wait3A, %dma_wait3A_68] : memref<1024x32xf32, #tpu.memory_space<vmem>> -> memref<128x32xf32, #tpu.memory_space<vmem>>
    %dma_wait3A_70 = arith.constant 0 : i32
    %dma_wait3A_71 = tpu.memref_slice %arg9[%dma_wait3A_70] : memref<1024xi32, #tpu.memory_space<vmem>> -> memref<128xi32, #tpu.memory_space<vmem>>
    %dma_wait3A_72 = arith.constant 0 : i32
    %dma_wait3A_73 = arith.constant 0 : i32
    %dma_wait3A_74 = tpu.memref_slice %arg4[%dma_wait3A_72, %dma_wait3A_73] : memref<73728x32xf32, #tpu.memory_space<hbm>> -> memref<73728x32xf32, #tpu.memory_space<hbm>>
    tpu.wait_indirect_dma semaphore(%arg15 : memref<!tpu.dma_semaphore, #tpu.memory_space<semaphore_mem>>) src(%dma_wait3A_74 : memref<73728x32xf32, #tpu.memory_space<hbm>>) dst(%dma_wait3A_69 : memref<128x32xf32, #tpu.memory_space<vmem>>)
    %dma_wait3A_75 = arith.constant 128 : i32
    %dma_wait3A_76 = arith.constant 0 : i32
    %dma_wait3A_77 = tpu.memref_slice %arg11[%dma_wait3A_75, %dma_wait3A_76] : memref<1024x32xf32, #tpu.memory_space<vmem>> -> memref<128x32xf32, #tpu.memory_space<vmem>>
    %dma_wait3A_78 = arith.constant 128 : i32
    %dma_wait3A_79 = tpu.memref_slice %arg9[%dma_wait3A_78] : memref<1024xi32, #tpu.memory_space<vmem>> -> memref<128xi32, #tpu.memory_space<vmem>>
    %dma_wait3A_80 = arith.constant 0 : i32
    %dma_wait3A_81 = arith.constant 0 : i32
    %dma_wait3A_82 = tpu.memref_slice %arg4[%dma_wait3A_80, %dma_wait3A_81] : memref<73728x32xf32, #tpu.memory_space<hbm>> -> memref<73728x32xf32, #tpu.memory_space<hbm>>
    tpu.wait_indirect_dma semaphore(%arg15 : memref<!tpu.dma_semaphore, #tpu.memory_space<semaphore_mem>>) src(%dma_wait3A_82 : memref<73728x32xf32, #tpu.memory_space<hbm>>) dst(%dma_wait3A_77 : memref<128x32xf32, #tpu.memory_space<vmem>>)
    %dma_wait3A_83 = arith.constant 256 : i32
    %dma_wait3A_84 = arith.constant 0 : i32
    %dma_wait3A_85 = tpu.memref_slice %arg11[%dma_wait3A_83, %dma_wait3A_84] : memref<1024x32xf32, #tpu.memory_space<vmem>> -> memref<128x32xf32, #tpu.memory_space<vmem>>
    %dma_wait3A_86 = arith.constant 256 : i32
    %dma_wait3A_87 = tpu.memref_slice %arg9[%dma_wait3A_86] : memref<1024xi32, #tpu.memory_space<vmem>> -> memref<128xi32, #tpu.memory_space<vmem>>
    %dma_wait3A_88 = arith.constant 0 : i32
    %dma_wait3A_89 = arith.constant 0 : i32
    %dma_wait3A_90 = tpu.memref_slice %arg4[%dma_wait3A_88, %dma_wait3A_89] : memref<73728x32xf32, #tpu.memory_space<hbm>> -> memref<73728x32xf32, #tpu.memory_space<hbm>>
    tpu.wait_indirect_dma semaphore(%arg15 : memref<!tpu.dma_semaphore, #tpu.memory_space<semaphore_mem>>) src(%dma_wait3A_90 : memref<73728x32xf32, #tpu.memory_space<hbm>>) dst(%dma_wait3A_85 : memref<128x32xf32, #tpu.memory_space<vmem>>)
    %dma_wait3A_91 = arith.constant 384 : i32
    %dma_wait3A_92 = arith.constant 0 : i32
    %dma_wait3A_93 = tpu.memref_slice %arg11[%dma_wait3A_91, %dma_wait3A_92] : memref<1024x32xf32, #tpu.memory_space<vmem>> -> memref<128x32xf32, #tpu.memory_space<vmem>>
    %dma_wait3A_94 = arith.constant 384 : i32
    %dma_wait3A_95 = tpu.memref_slice %arg9[%dma_wait3A_94] : memref<1024xi32, #tpu.memory_space<vmem>> -> memref<128xi32, #tpu.memory_space<vmem>>
    %dma_wait3A_96 = arith.constant 0 : i32
    %dma_wait3A_97 = arith.constant 0 : i32
    %dma_wait3A_98 = tpu.memref_slice %arg4[%dma_wait3A_96, %dma_wait3A_97] : memref<73728x32xf32, #tpu.memory_space<hbm>> -> memref<73728x32xf32, #tpu.memory_space<hbm>>
    tpu.wait_indirect_dma semaphore(%arg15 : memref<!tpu.dma_semaphore, #tpu.memory_space<semaphore_mem>>) src(%dma_wait3A_98 : memref<73728x32xf32, #tpu.memory_space<hbm>>) dst(%dma_wait3A_93 : memref<128x32xf32, #tpu.memory_space<vmem>>)
    %dma_wait3A_99 = arith.constant 512 : i32
    %dma_wait3A_100 = arith.constant 0 : i32
    %dma_wait3A_101 = tpu.memref_slice %arg11[%dma_wait3A_99, %dma_wait3A_100] : memref<1024x32xf32, #tpu.memory_space<vmem>> -> memref<128x32xf32, #tpu.memory_space<vmem>>
    %dma_wait3A_102 = arith.constant 512 : i32
    %dma_wait3A_103 = tpu.memref_slice %arg9[%dma_wait3A_102] : memref<1024xi32, #tpu.memory_space<vmem>> -> memref<128xi32, #tpu.memory_space<vmem>>
    %dma_wait3A_104 = arith.constant 0 : i32
    %dma_wait3A_105 = arith.constant 0 : i32
    %dma_wait3A_106 = tpu.memref_slice %arg4[%dma_wait3A_104, %dma_wait3A_105] : memref<73728x32xf32, #tpu.memory_space<hbm>> -> memref<73728x32xf32, #tpu.memory_space<hbm>>
    tpu.wait_indirect_dma semaphore(%arg15 : memref<!tpu.dma_semaphore, #tpu.memory_space<semaphore_mem>>) src(%dma_wait3A_106 : memref<73728x32xf32, #tpu.memory_space<hbm>>) dst(%dma_wait3A_101 : memref<128x32xf32, #tpu.memory_space<vmem>>)
    %dma_wait3A_107 = arith.constant 640 : i32
    %dma_wait3A_108 = arith.constant 0 : i32
    %dma_wait3A_109 = tpu.memref_slice %arg11[%dma_wait3A_107, %dma_wait3A_108] : memref<1024x32xf32, #tpu.memory_space<vmem>> -> memref<128x32xf32, #tpu.memory_space<vmem>>
    %dma_wait3A_110 = arith.constant 640 : i32
    %dma_wait3A_111 = tpu.memref_slice %arg9[%dma_wait3A_110] : memref<1024xi32, #tpu.memory_space<vmem>> -> memref<128xi32, #tpu.memory_space<vmem>>
    %dma_wait3A_112 = arith.constant 0 : i32
    %dma_wait3A_113 = arith.constant 0 : i32
    %dma_wait3A_114 = tpu.memref_slice %arg4[%dma_wait3A_112, %dma_wait3A_113] : memref<73728x32xf32, #tpu.memory_space<hbm>> -> memref<73728x32xf32, #tpu.memory_space<hbm>>
    tpu.wait_indirect_dma semaphore(%arg15 : memref<!tpu.dma_semaphore, #tpu.memory_space<semaphore_mem>>) src(%dma_wait3A_114 : memref<73728x32xf32, #tpu.memory_space<hbm>>) dst(%dma_wait3A_109 : memref<128x32xf32, #tpu.memory_space<vmem>>)
    %dma_wait3A_115 = arith.constant 768 : i32
    %dma_wait3A_116 = arith.constant 0 : i32
    %dma_wait3A_117 = tpu.memref_slice %arg11[%dma_wait3A_115, %dma_wait3A_116] : memref<1024x32xf32, #tpu.memory_space<vmem>> -> memref<128x32xf32, #tpu.memory_space<vmem>>
    %dma_wait3A_118 = arith.constant 768 : i32
    %dma_wait3A_119 = tpu.memref_slice %arg9[%dma_wait3A_118] : memref<1024xi32, #tpu.memory_space<vmem>> -> memref<128xi32, #tpu.memory_space<vmem>>
    %dma_wait3A_120 = arith.constant 0 : i32
    %dma_wait3A_121 = arith.constant 0 : i32
    %dma_wait3A_122 = tpu.memref_slice %arg4[%dma_wait3A_120, %dma_wait3A_121] : memref<73728x32xf32, #tpu.memory_space<hbm>> -> memref<73728x32xf32, #tpu.memory_space<hbm>>
    tpu.wait_indirect_dma semaphore(%arg15 : memref<!tpu.dma_semaphore, #tpu.memory_space<semaphore_mem>>) src(%dma_wait3A_122 : memref<73728x32xf32, #tpu.memory_space<hbm>>) dst(%dma_wait3A_117 : memref<128x32xf32, #tpu.memory_space<vmem>>)
    %dma_wait3A_123 = arith.constant 896 : i32
    %dma_wait3A_124 = arith.constant 0 : i32
    %dma_wait3A_125 = tpu.memref_slice %arg11[%dma_wait3A_123, %dma_wait3A_124] : memref<1024x32xf32, #tpu.memory_space<vmem>> -> memref<128x32xf32, #tpu.memory_space<vmem>>
    %dma_wait3A_126 = arith.constant 896 : i32
    %dma_wait3A_127 = tpu.memref_slice %arg9[%dma_wait3A_126] : memref<1024xi32, #tpu.memory_space<vmem>> -> memref<128xi32, #tpu.memory_space<vmem>>
    %dma_wait3A_128 = arith.constant 0 : i32
    %dma_wait3A_129 = arith.constant 0 : i32
    %dma_wait3A_130 = tpu.memref_slice %arg4[%dma_wait3A_128, %dma_wait3A_129] : memref<73728x32xf32, #tpu.memory_space<hbm>> -> memref<73728x32xf32, #tpu.memory_space<hbm>>
    tpu.wait_indirect_dma semaphore(%arg15 : memref<!tpu.dma_semaphore, #tpu.memory_space<semaphore_mem>>) src(%dma_wait3A_130 : memref<73728x32xf32, #tpu.memory_space<hbm>>) dst(%dma_wait3A_125 : memref<128x32xf32, #tpu.memory_space<vmem>>)
    %run_scoped3A = arith.constant 0 : i32
    "tpu.region"() ({
      %run_scoped3A_152 = tpu.sem_alloc : memref<!tpu.dma_semaphore, #tpu.memory_space<semaphore_mem>>
      %dma_start3A_153 = arith.constant 0 : i32
      %dma_start3A_154 = arith.constant 0 : i32
      %dma_start3A_155 = tpu.memref_slice %arg11[%dma_start3A_153, %dma_start3A_154] : memref<1024x32xf32, #tpu.memory_space<vmem>> -> memref<128x32xf32, #tpu.memory_space<vmem>>
      %dma_start3A_156 = arith.constant 0 : i32
      %dma_start3A_157 = tpu.memref_slice %arg10[%run_scoped3A, %dma_start3A_156] : memref<8x128xi32, #tpu.memory_space<vmem>> -> memref<1x128xi32, #tpu.memory_space<vmem>>
      %dma_start3A_158 = tpu.memref_squeeze %dma_start3A_157 : memref<1x128xi32, #tpu.memory_space<vmem>> -> memref<128xi32, #tpu.memory_space<vmem>>
      %dma_start3A_159 = arith.constant 0 : i32
      %dma_start3A_160 = arith.constant 0 : i32
      %dma_start3A_161 = tpu.memref_slice %arg13[%dma_start3A_159, %dma_start3A_160] : memref<512x32xf32, #tpu.memory_space<vmem_shared>> -> memref<512x32xf32, #tpu.memory_space<vmem_shared>>
      tpu.enqueue_indirect_dma source(%dma_start3A_155 : memref<128x32xf32, #tpu.memory_space<vmem>>) target(%dma_start3A_161 : memref<512x32xf32, #tpu.memory_space<vmem_shared>>) offsets(%dma_start3A_158 : memref<128xi32, #tpu.memory_space<vmem>>) semaphore(%run_scoped3A_152 : memref<!tpu.dma_semaphore, #tpu.memory_space<semaphore_mem>>) {add = true}
      %dma_wait3A_162 = arith.constant 0 : i32
      %dma_wait3A_163 = arith.constant 0 : i32
      %dma_wait3A_164 = tpu.memref_slice %arg11[%dma_wait3A_162, %dma_wait3A_163] : memref<1024x32xf32, #tpu.memory_space<vmem>> -> memref<128x32xf32, #tpu.memory_space<vmem>>
      %dma_wait3A_165 = arith.constant 0 : i32
      %dma_wait3A_166 = tpu.memref_slice %arg10[%run_scoped3A, %dma_wait3A_165] : memref<8x128xi32, #tpu.memory_space<vmem>> -> memref<1x128xi32, #tpu.memory_space<vmem>>
      %dma_wait3A_167 = tpu.memref_squeeze %dma_wait3A_166 : memref<1x128xi32, #tpu.memory_space<vmem>> -> memref<128xi32, #tpu.memory_space<vmem>>
      %dma_wait3A_168 = arith.constant 0 : i32
      %dma_wait3A_169 = arith.constant 0 : i32
      %dma_wait3A_170 = tpu.memref_slice %arg13[%dma_wait3A_168, %dma_wait3A_169] : memref<512x32xf32, #tpu.memory_space<vmem_shared>> -> memref<512x32xf32, #tpu.memory_space<vmem_shared>>
      tpu.wait_indirect_dma semaphore(%run_scoped3A_152 : memref<!tpu.dma_semaphore, #tpu.memory_space<semaphore_mem>>) src(%dma_wait3A_164 : memref<128x32xf32, #tpu.memory_space<vmem>>) dst(%dma_wait3A_170 : memref<512x32xf32, #tpu.memory_space<vmem_shared>>)
      tpu.yield
    }) : () -> ()
    %run_scoped3A_131 = arith.constant 0 : i32
    "tpu.region"() ({
      %run_scoped3A_152 = tpu.sem_alloc : memref<!tpu.dma_semaphore, #tpu.memory_space<semaphore_mem>>
      %dma_start3A_153 = arith.constant 0 : i32
      %dma_start3A_154 = tpu.memref_slice %arg10[%run_scoped3A_131, %dma_start3A_153] : memref<8x128xi32, #tpu.memory_space<vmem>> -> memref<1x128xi32, #tpu.memory_space<vmem>>
      %dma_start3A_155 = tpu.memref_squeeze %dma_start3A_154 : memref<1x128xi32, #tpu.memory_space<vmem>> -> memref<128xi32, #tpu.memory_space<vmem>>
      %dma_start3A_156 = arith.constant 0 : i32
      %dma_start3A_157 = arith.constant 0 : i32
      %dma_start3A_158 = tpu.memref_slice %arg14[%dma_start3A_156, %dma_start3A_157] : memref<512x32xf32, #tpu.memory_space<vmem_shared>> -> memref<512x32xf32, #tpu.memory_space<vmem_shared>>
      tpu.enqueue_indirect_dma source(%arg12 : memref<128x32xf32, #tpu.memory_space<vmem>>) target(%dma_start3A_158 : memref<512x32xf32, #tpu.memory_space<vmem_shared>>) offsets(%dma_start3A_155 : memref<128xi32, #tpu.memory_space<vmem>>) semaphore(%run_scoped3A_152 : memref<!tpu.dma_semaphore, #tpu.memory_space<semaphore_mem>>) {add = true}
      %dma_wait3A_159 = arith.constant 0 : i32
      %dma_wait3A_160 = tpu.memref_slice %arg10[%run_scoped3A_131, %dma_wait3A_159] : memref<8x128xi32, #tpu.memory_space<vmem>> -> memref<1x128xi32, #tpu.memory_space<vmem>>
      %dma_wait3A_161 = tpu.memref_squeeze %dma_wait3A_160 : memref<1x128xi32, #tpu.memory_space<vmem>> -> memref<128xi32, #tpu.memory_space<vmem>>
      %dma_wait3A_162 = arith.constant 0 : i32
      %dma_wait3A_163 = arith.constant 0 : i32
      %dma_wait3A_164 = tpu.memref_slice %arg14[%dma_wait3A_162, %dma_wait3A_163] : memref<512x32xf32, #tpu.memory_space<vmem_shared>> -> memref<512x32xf32, #tpu.memory_space<vmem_shared>>
      tpu.wait_indirect_dma semaphore(%run_scoped3A_152 : memref<!tpu.dma_semaphore, #tpu.memory_space<semaphore_mem>>) src(%arg12 : memref<128x32xf32, #tpu.memory_space<vmem>>) dst(%dma_wait3A_164 : memref<512x32xf32, #tpu.memory_space<vmem_shared>>)
      tpu.yield
    }) : () -> ()
    %run_scoped3A_132 = arith.constant 1 : i32
    "tpu.region"() ({
      %run_scoped3A_152 = tpu.sem_alloc : memref<!tpu.dma_semaphore, #tpu.memory_space<semaphore_mem>>
      %dma_start3A_153 = arith.constant 128 : i32
      %dma_start3A_154 = arith.constant 0 : i32
      %dma_start3A_155 = tpu.memref_slice %arg11[%dma_start3A_153, %dma_start3A_154] : memref<1024x32xf32, #tpu.memory_space<vmem>> -> memref<128x32xf32, #tpu.memory_space<vmem>>
      %dma_start3A_156 = arith.constant 0 : i32
      %dma_start3A_157 = tpu.memref_slice %arg10[%run_scoped3A_132, %dma_start3A_156] : memref<8x128xi32, #tpu.memory_space<vmem>> -> memref<1x128xi32, #tpu.memory_space<vmem>>
      %dma_start3A_158 = tpu.memref_squeeze %dma_start3A_157 : memref<1x128xi32, #tpu.memory_space<vmem>> -> memref<128xi32, #tpu.memory_space<vmem>>
      %dma_start3A_159 = arith.constant 0 : i32
      %dma_start3A_160 = arith.constant 0 : i32
      %dma_start3A_161 = tpu.memref_slice %arg13[%dma_start3A_159, %dma_start3A_160] : memref<512x32xf32, #tpu.memory_space<vmem_shared>> -> memref<512x32xf32, #tpu.memory_space<vmem_shared>>
      tpu.enqueue_indirect_dma source(%dma_start3A_155 : memref<128x32xf32, #tpu.memory_space<vmem>>) target(%dma_start3A_161 : memref<512x32xf32, #tpu.memory_space<vmem_shared>>) offsets(%dma_start3A_158 : memref<128xi32, #tpu.memory_space<vmem>>) semaphore(%run_scoped3A_152 : memref<!tpu.dma_semaphore, #tpu.memory_space<semaphore_mem>>) {add = true}
      %dma_wait3A_162 = arith.constant 128 : i32
      %dma_wait3A_163 = arith.constant 0 : i32
      %dma_wait3A_164 = tpu.memref_slice %arg11[%dma_wait3A_162, %dma_wait3A_163] : memref<1024x32xf32, #tpu.memory_space<vmem>> -> memref<128x32xf32, #tpu.memory_space<vmem>>
      %dma_wait3A_165 = arith.constant 0 : i32
      %dma_wait3A_166 = tpu.memref_slice %arg10[%run_scoped3A_132, %dma_wait3A_165] : memref<8x128xi32, #tpu.memory_space<vmem>> -> memref<1x128xi32, #tpu.memory_space<vmem>>
      %dma_wait3A_167 = tpu.memref_squeeze %dma_wait3A_166 : memref<1x128xi32, #tpu.memory_space<vmem>> -> memref<128xi32, #tpu.memory_space<vmem>>
      %dma_wait3A_168 = arith.constant 0 : i32
      %dma_wait3A_169 = arith.constant 0 : i32
      %dma_wait3A_170 = tpu.memref_slice %arg13[%dma_wait3A_168, %dma_wait3A_169] : memref<512x32xf32, #tpu.memory_space<vmem_shared>> -> memref<512x32xf32, #tpu.memory_space<vmem_shared>>
      tpu.wait_indirect_dma semaphore(%run_scoped3A_152 : memref<!tpu.dma_semaphore, #tpu.memory_space<semaphore_mem>>) src(%dma_wait3A_164 : memref<128x32xf32, #tpu.memory_space<vmem>>) dst(%dma_wait3A_170 : memref<512x32xf32, #tpu.memory_space<vmem_shared>>)
      tpu.yield
    }) : () -> ()
    %run_scoped3A_133 = arith.constant 1 : i32
    "tpu.region"() ({
      %run_scoped3A_152 = tpu.sem_alloc : memref<!tpu.dma_semaphore, #tpu.memory_space<semaphore_mem>>
      %dma_start3A_153 = arith.constant 0 : i32
      %dma_start3A_154 = tpu.memref_slice %arg10[%run_scoped3A_133, %dma_start3A_153] : memref<8x128xi32, #tpu.memory_space<vmem>> -> memref<1x128xi32, #tpu.memory_space<vmem>>
      %dma_start3A_155 = tpu.memref_squeeze %dma_start3A_154 : memref<1x128xi32, #tpu.memory_space<vmem>> -> memref<128xi32, #tpu.memory_space<vmem>>
      %dma_start3A_156 = arith.constant 0 : i32
      %dma_start3A_157 = arith.constant 0 : i32
      %dma_start3A_158 = tpu.memref_slice %arg14[%dma_start3A_156, %dma_start3A_157] : memref<512x32xf32, #tpu.memory_space<vmem_shared>> -> memref<512x32xf32, #tpu.memory_space<vmem_shared>>
      tpu.enqueue_indirect_dma source(%arg12 : memref<128x32xf32, #tpu.memory_space<vmem>>) target(%dma_start3A_158 : memref<512x32xf32, #tpu.memory_space<vmem_shared>>) offsets(%dma_start3A_155 : memref<128xi32, #tpu.memory_space<vmem>>) semaphore(%run_scoped3A_152 : memref<!tpu.dma_semaphore, #tpu.memory_space<semaphore_mem>>) {add = true}
      %dma_wait3A_159 = arith.constant 0 : i32
      %dma_wait3A_160 = tpu.memref_slice %arg10[%run_scoped3A_133, %dma_wait3A_159] : memref<8x128xi32, #tpu.memory_space<vmem>> -> memref<1x128xi32, #tpu.memory_space<vmem>>
      %dma_wait3A_161 = tpu.memref_squeeze %dma_wait3A_160 : memref<1x128xi32, #tpu.memory_space<vmem>> -> memref<128xi32, #tpu.memory_space<vmem>>
      %dma_wait3A_162 = arith.constant 0 : i32
      %dma_wait3A_163 = arith.constant 0 : i32
      %dma_wait3A_164 = tpu.memref_slice %arg14[%dma_wait3A_162, %dma_wait3A_163] : memref<512x32xf32, #tpu.memory_space<vmem_shared>> -> memref<512x32xf32, #tpu.memory_space<vmem_shared>>
      tpu.wait_indirect_dma semaphore(%run_scoped3A_152 : memref<!tpu.dma_semaphore, #tpu.memory_space<semaphore_mem>>) src(%arg12 : memref<128x32xf32, #tpu.memory_space<vmem>>) dst(%dma_wait3A_164 : memref<512x32xf32, #tpu.memory_space<vmem_shared>>)
      tpu.yield
    }) : () -> ()
    %run_scoped3A_134 = arith.constant 2 : i32
    "tpu.region"() ({
      %run_scoped3A_152 = tpu.sem_alloc : memref<!tpu.dma_semaphore, #tpu.memory_space<semaphore_mem>>
      %dma_start3A_153 = arith.constant 256 : i32
      %dma_start3A_154 = arith.constant 0 : i32
      %dma_start3A_155 = tpu.memref_slice %arg11[%dma_start3A_153, %dma_start3A_154] : memref<1024x32xf32, #tpu.memory_space<vmem>> -> memref<128x32xf32, #tpu.memory_space<vmem>>
      %dma_start3A_156 = arith.constant 0 : i32
      %dma_start3A_157 = tpu.memref_slice %arg10[%run_scoped3A_134, %dma_start3A_156] : memref<8x128xi32, #tpu.memory_space<vmem>> -> memref<1x128xi32, #tpu.memory_space<vmem>>
      %dma_start3A_158 = tpu.memref_squeeze %dma_start3A_157 : memref<1x128xi32, #tpu.memory_space<vmem>> -> memref<128xi32, #tpu.memory_space<vmem>>
      %dma_start3A_159 = arith.constant 0 : i32
      %dma_start3A_160 = arith.constant 0 : i32
      %dma_start3A_161 = tpu.memref_slice %arg13[%dma_start3A_159, %dma_start3A_160] : memref<512x32xf32, #tpu.memory_space<vmem_shared>> -> memref<512x32xf32, #tpu.memory_space<vmem_shared>>
      tpu.enqueue_indirect_dma source(%dma_start3A_155 : memref<128x32xf32, #tpu.memory_space<vmem>>) target(%dma_start3A_161 : memref<512x32xf32, #tpu.memory_space<vmem_shared>>) offsets(%dma_start3A_158 : memref<128xi32, #tpu.memory_space<vmem>>) semaphore(%run_scoped3A_152 : memref<!tpu.dma_semaphore, #tpu.memory_space<semaphore_mem>>) {add = true}
      %dma_wait3A_162 = arith.constant 256 : i32
      %dma_wait3A_163 = arith.constant 0 : i32
      %dma_wait3A_164 = tpu.memref_slice %arg11[%dma_wait3A_162, %dma_wait3A_163] : memref<1024x32xf32, #tpu.memory_space<vmem>> -> memref<128x32xf32, #tpu.memory_space<vmem>>
      %dma_wait3A_165 = arith.constant 0 : i32
      %dma_wait3A_166 = tpu.memref_slice %arg10[%run_scoped3A_134, %dma_wait3A_165] : memref<8x128xi32, #tpu.memory_space<vmem>> -> memref<1x128xi32, #tpu.memory_space<vmem>>
      %dma_wait3A_167 = tpu.memref_squeeze %dma_wait3A_166 : memref<1x128xi32, #tpu.memory_space<vmem>> -> memref<128xi32, #tpu.memory_space<vmem>>
      %dma_wait3A_168 = arith.constant 0 : i32
      %dma_wait3A_169 = arith.constant 0 : i32
      %dma_wait3A_170 = tpu.memref_slice %arg13[%dma_wait3A_168, %dma_wait3A_169] : memref<512x32xf32, #tpu.memory_space<vmem_shared>> -> memref<512x32xf32, #tpu.memory_space<vmem_shared>>
      tpu.wait_indirect_dma semaphore(%run_scoped3A_152 : memref<!tpu.dma_semaphore, #tpu.memory_space<semaphore_mem>>) src(%dma_wait3A_164 : memref<128x32xf32, #tpu.memory_space<vmem>>) dst(%dma_wait3A_170 : memref<512x32xf32, #tpu.memory_space<vmem_shared>>)
      tpu.yield
    }) : () -> ()
    %run_scoped3A_135 = arith.constant 2 : i32
    "tpu.region"() ({
      %run_scoped3A_152 = tpu.sem_alloc : memref<!tpu.dma_semaphore, #tpu.memory_space<semaphore_mem>>
      %dma_start3A_153 = arith.constant 0 : i32
      %dma_start3A_154 = tpu.memref_slice %arg10[%run_scoped3A_135, %dma_start3A_153] : memref<8x128xi32, #tpu.memory_space<vmem>> -> memref<1x128xi32, #tpu.memory_space<vmem>>
      %dma_start3A_155 = tpu.memref_squeeze %dma_start3A_154 : memref<1x128xi32, #tpu.memory_space<vmem>> -> memref<128xi32, #tpu.memory_space<vmem>>
      %dma_start3A_156 = arith.constant 0 : i32
      %dma_start3A_157 = arith.constant 0 : i32
      %dma_start3A_158 = tpu.memref_slice %arg14[%dma_start3A_156, %dma_start3A_157] : memref<512x32xf32, #tpu.memory_space<vmem_shared>> -> memref<512x32xf32, #tpu.memory_space<vmem_shared>>
      tpu.enqueue_indirect_dma source(%arg12 : memref<128x32xf32, #tpu.memory_space<vmem>>) target(%dma_start3A_158 : memref<512x32xf32, #tpu.memory_space<vmem_shared>>) offsets(%dma_start3A_155 : memref<128xi32, #tpu.memory_space<vmem>>) semaphore(%run_scoped3A_152 : memref<!tpu.dma_semaphore, #tpu.memory_space<semaphore_mem>>) {add = true}
      %dma_wait3A_159 = arith.constant 0 : i32
      %dma_wait3A_160 = tpu.memref_slice %arg10[%run_scoped3A_135, %dma_wait3A_159] : memref<8x128xi32, #tpu.memory_space<vmem>> -> memref<1x128xi32, #tpu.memory_space<vmem>>
      %dma_wait3A_161 = tpu.memref_squeeze %dma_wait3A_160 : memref<1x128xi32, #tpu.memory_space<vmem>> -> memref<128xi32, #tpu.memory_space<vmem>>
      %dma_wait3A_162 = arith.constant 0 : i32
      %dma_wait3A_163 = arith.constant 0 : i32
      %dma_wait3A_164 = tpu.memref_slice %arg14[%dma_wait3A_162, %dma_wait3A_163] : memref<512x32xf32, #tpu.memory_space<vmem_shared>> -> memref<512x32xf32, #tpu.memory_space<vmem_shared>>
      tpu.wait_indirect_dma semaphore(%run_scoped3A_152 : memref<!tpu.dma_semaphore, #tpu.memory_space<semaphore_mem>>) src(%arg12 : memref<128x32xf32, #tpu.memory_space<vmem>>) dst(%dma_wait3A_164 : memref<512x32xf32, #tpu.memory_space<vmem_shared>>)
      tpu.yield
    }) : () -> ()
    %run_scoped3A_136 = arith.constant 3 : i32
    "tpu.region"() ({
      %run_scoped3A_152 = tpu.sem_alloc : memref<!tpu.dma_semaphore, #tpu.memory_space<semaphore_mem>>
      %dma_start3A_153 = arith.constant 384 : i32
      %dma_start3A_154 = arith.constant 0 : i32
      %dma_start3A_155 = tpu.memref_slice %arg11[%dma_start3A_153, %dma_start3A_154] : memref<1024x32xf32, #tpu.memory_space<vmem>> -> memref<128x32xf32, #tpu.memory_space<vmem>>
      %dma_start3A_156 = arith.constant 0 : i32
      %dma_start3A_157 = tpu.memref_slice %arg10[%run_scoped3A_136, %dma_start3A_156] : memref<8x128xi32, #tpu.memory_space<vmem>> -> memref<1x128xi32, #tpu.memory_space<vmem>>
      %dma_start3A_158 = tpu.memref_squeeze %dma_start3A_157 : memref<1x128xi32, #tpu.memory_space<vmem>> -> memref<128xi32, #tpu.memory_space<vmem>>
      %dma_start3A_159 = arith.constant 0 : i32
      %dma_start3A_160 = arith.constant 0 : i32
      %dma_start3A_161 = tpu.memref_slice %arg13[%dma_start3A_159, %dma_start3A_160] : memref<512x32xf32, #tpu.memory_space<vmem_shared>> -> memref<512x32xf32, #tpu.memory_space<vmem_shared>>
      tpu.enqueue_indirect_dma source(%dma_start3A_155 : memref<128x32xf32, #tpu.memory_space<vmem>>) target(%dma_start3A_161 : memref<512x32xf32, #tpu.memory_space<vmem_shared>>) offsets(%dma_start3A_158 : memref<128xi32, #tpu.memory_space<vmem>>) semaphore(%run_scoped3A_152 : memref<!tpu.dma_semaphore, #tpu.memory_space<semaphore_mem>>) {add = true}
      %dma_wait3A_162 = arith.constant 384 : i32
      %dma_wait3A_163 = arith.constant 0 : i32
      %dma_wait3A_164 = tpu.memref_slice %arg11[%dma_wait3A_162, %dma_wait3A_163] : memref<1024x32xf32, #tpu.memory_space<vmem>> -> memref<128x32xf32, #tpu.memory_space<vmem>>
      %dma_wait3A_165 = arith.constant 0 : i32
      %dma_wait3A_166 = tpu.memref_slice %arg10[%run_scoped3A_136, %dma_wait3A_165] : memref<8x128xi32, #tpu.memory_space<vmem>> -> memref<1x128xi32, #tpu.memory_space<vmem>>
      %dma_wait3A_167 = tpu.memref_squeeze %dma_wait3A_166 : memref<1x128xi32, #tpu.memory_space<vmem>> -> memref<128xi32, #tpu.memory_space<vmem>>
      %dma_wait3A_168 = arith.constant 0 : i32
      %dma_wait3A_169 = arith.constant 0 : i32
      %dma_wait3A_170 = tpu.memref_slice %arg13[%dma_wait3A_168, %dma_wait3A_169] : memref<512x32xf32, #tpu.memory_space<vmem_shared>> -> memref<512x32xf32, #tpu.memory_space<vmem_shared>>
      tpu.wait_indirect_dma semaphore(%run_scoped3A_152 : memref<!tpu.dma_semaphore, #tpu.memory_space<semaphore_mem>>) src(%dma_wait3A_164 : memref<128x32xf32, #tpu.memory_space<vmem>>) dst(%dma_wait3A_170 : memref<512x32xf32, #tpu.memory_space<vmem_shared>>)
      tpu.yield
    }) : () -> ()
    %run_scoped3A_137 = arith.constant 3 : i32
    "tpu.region"() ({
      %run_scoped3A_152 = tpu.sem_alloc : memref<!tpu.dma_semaphore, #tpu.memory_space<semaphore_mem>>
      %dma_start3A_153 = arith.constant 0 : i32
      %dma_start3A_154 = tpu.memref_slice %arg10[%run_scoped3A_137, %dma_start3A_153] : memref<8x128xi32, #tpu.memory_space<vmem>> -> memref<1x128xi32, #tpu.memory_space<vmem>>
      %dma_start3A_155 = tpu.memref_squeeze %dma_start3A_154 : memref<1x128xi32, #tpu.memory_space<vmem>> -> memref<128xi32, #tpu.memory_space<vmem>>
      %dma_start3A_156 = arith.constant 0 : i32
      %dma_start3A_157 = arith.constant 0 : i32
      %dma_start3A_158 = tpu.memref_slice %arg14[%dma_start3A_156, %dma_start3A_157] : memref<512x32xf32, #tpu.memory_space<vmem_shared>> -> memref<512x32xf32, #tpu.memory_space<vmem_shared>>
      tpu.enqueue_indirect_dma source(%arg12 : memref<128x32xf32, #tpu.memory_space<vmem>>) target(%dma_start3A_158 : memref<512x32xf32, #tpu.memory_space<vmem_shared>>) offsets(%dma_start3A_155 : memref<128xi32, #tpu.memory_space<vmem>>) semaphore(%run_scoped3A_152 : memref<!tpu.dma_semaphore, #tpu.memory_space<semaphore_mem>>) {add = true}
      %dma_wait3A_159 = arith.constant 0 : i32
      %dma_wait3A_160 = tpu.memref_slice %arg10[%run_scoped3A_137, %dma_wait3A_159] : memref<8x128xi32, #tpu.memory_space<vmem>> -> memref<1x128xi32, #tpu.memory_space<vmem>>
      %dma_wait3A_161 = tpu.memref_squeeze %dma_wait3A_160 : memref<1x128xi32, #tpu.memory_space<vmem>> -> memref<128xi32, #tpu.memory_space<vmem>>
      %dma_wait3A_162 = arith.constant 0 : i32
      %dma_wait3A_163 = arith.constant 0 : i32
      %dma_wait3A_164 = tpu.memref_slice %arg14[%dma_wait3A_162, %dma_wait3A_163] : memref<512x32xf32, #tpu.memory_space<vmem_shared>> -> memref<512x32xf32, #tpu.memory_space<vmem_shared>>
      tpu.wait_indirect_dma semaphore(%run_scoped3A_152 : memref<!tpu.dma_semaphore, #tpu.memory_space<semaphore_mem>>) src(%arg12 : memref<128x32xf32, #tpu.memory_space<vmem>>) dst(%dma_wait3A_164 : memref<512x32xf32, #tpu.memory_space<vmem_shared>>)
      tpu.yield
    }) : () -> ()
    %run_scoped3A_138 = arith.constant 4 : i32
    "tpu.region"() ({
      %run_scoped3A_152 = tpu.sem_alloc : memref<!tpu.dma_semaphore, #tpu.memory_space<semaphore_mem>>
      %dma_start3A_153 = arith.constant 512 : i32
      %dma_start3A_154 = arith.constant 0 : i32
      %dma_start3A_155 = tpu.memref_slice %arg11[%dma_start3A_153, %dma_start3A_154] : memref<1024x32xf32, #tpu.memory_space<vmem>> -> memref<128x32xf32, #tpu.memory_space<vmem>>
      %dma_start3A_156 = arith.constant 0 : i32
      %dma_start3A_157 = tpu.memref_slice %arg10[%run_scoped3A_138, %dma_start3A_156] : memref<8x128xi32, #tpu.memory_space<vmem>> -> memref<1x128xi32, #tpu.memory_space<vmem>>
      %dma_start3A_158 = tpu.memref_squeeze %dma_start3A_157 : memref<1x128xi32, #tpu.memory_space<vmem>> -> memref<128xi32, #tpu.memory_space<vmem>>
      %dma_start3A_159 = arith.constant 0 : i32
      %dma_start3A_160 = arith.constant 0 : i32
      %dma_start3A_161 = tpu.memref_slice %arg13[%dma_start3A_159, %dma_start3A_160] : memref<512x32xf32, #tpu.memory_space<vmem_shared>> -> memref<512x32xf32, #tpu.memory_space<vmem_shared>>
      tpu.enqueue_indirect_dma source(%dma_start3A_155 : memref<128x32xf32, #tpu.memory_space<vmem>>) target(%dma_start3A_161 : memref<512x32xf32, #tpu.memory_space<vmem_shared>>) offsets(%dma_start3A_158 : memref<128xi32, #tpu.memory_space<vmem>>) semaphore(%run_scoped3A_152 : memref<!tpu.dma_semaphore, #tpu.memory_space<semaphore_mem>>) {add = true}
      %dma_wait3A_162 = arith.constant 512 : i32
      %dma_wait3A_163 = arith.constant 0 : i32
      %dma_wait3A_164 = tpu.memref_slice %arg11[%dma_wait3A_162, %dma_wait3A_163] : memref<1024x32xf32, #tpu.memory_space<vmem>> -> memref<128x32xf32, #tpu.memory_space<vmem>>
      %dma_wait3A_165 = arith.constant 0 : i32
      %dma_wait3A_166 = tpu.memref_slice %arg10[%run_scoped3A_138, %dma_wait3A_165] : memref<8x128xi32, #tpu.memory_space<vmem>> -> memref<1x128xi32, #tpu.memory_space<vmem>>
      %dma_wait3A_167 = tpu.memref_squeeze %dma_wait3A_166 : memref<1x128xi32, #tpu.memory_space<vmem>> -> memref<128xi32, #tpu.memory_space<vmem>>
      %dma_wait3A_168 = arith.constant 0 : i32
      %dma_wait3A_169 = arith.constant 0 : i32
      %dma_wait3A_170 = tpu.memref_slice %arg13[%dma_wait3A_168, %dma_wait3A_169] : memref<512x32xf32, #tpu.memory_space<vmem_shared>> -> memref<512x32xf32, #tpu.memory_space<vmem_shared>>
      tpu.wait_indirect_dma semaphore(%run_scoped3A_152 : memref<!tpu.dma_semaphore, #tpu.memory_space<semaphore_mem>>) src(%dma_wait3A_164 : memref<128x32xf32, #tpu.memory_space<vmem>>) dst(%dma_wait3A_170 : memref<512x32xf32, #tpu.memory_space<vmem_shared>>)
      tpu.yield
    }) : () -> ()
    %run_scoped3A_139 = arith.constant 4 : i32
    "tpu.region"() ({
      %run_scoped3A_152 = tpu.sem_alloc : memref<!tpu.dma_semaphore, #tpu.memory_space<semaphore_mem>>
      %dma_start3A_153 = arith.constant 0 : i32
      %dma_start3A_154 = tpu.memref_slice %arg10[%run_scoped3A_139, %dma_start3A_153] : memref<8x128xi32, #tpu.memory_space<vmem>> -> memref<1x128xi32, #tpu.memory_space<vmem>>
      %dma_start3A_155 = tpu.memref_squeeze %dma_start3A_154 : memref<1x128xi32, #tpu.memory_space<vmem>> -> memref<128xi32, #tpu.memory_space<vmem>>
      %dma_start3A_156 = arith.constant 0 : i32
      %dma_start3A_157 = arith.constant 0 : i32
      %dma_start3A_158 = tpu.memref_slice %arg14[%dma_start3A_156, %dma_start3A_157] : memref<512x32xf32, #tpu.memory_space<vmem_shared>> -> memref<512x32xf32, #tpu.memory_space<vmem_shared>>
      tpu.enqueue_indirect_dma source(%arg12 : memref<128x32xf32, #tpu.memory_space<vmem>>) target(%dma_start3A_158 : memref<512x32xf32, #tpu.memory_space<vmem_shared>>) offsets(%dma_start3A_155 : memref<128xi32, #tpu.memory_space<vmem>>) semaphore(%run_scoped3A_152 : memref<!tpu.dma_semaphore, #tpu.memory_space<semaphore_mem>>) {add = true}
      %dma_wait3A_159 = arith.constant 0 : i32
      %dma_wait3A_160 = tpu.memref_slice %arg10[%run_scoped3A_139, %dma_wait3A_159] : memref<8x128xi32, #tpu.memory_space<vmem>> -> memref<1x128xi32, #tpu.memory_space<vmem>>
      %dma_wait3A_161 = tpu.memref_squeeze %dma_wait3A_160 : memref<1x128xi32, #tpu.memory_space<vmem>> -> memref<128xi32, #tpu.memory_space<vmem>>
      %dma_wait3A_162 = arith.constant 0 : i32
      %dma_wait3A_163 = arith.constant 0 : i32
      %dma_wait3A_164 = tpu.memref_slice %arg14[%dma_wait3A_162, %dma_wait3A_163] : memref<512x32xf32, #tpu.memory_space<vmem_shared>> -> memref<512x32xf32, #tpu.memory_space<vmem_shared>>
      tpu.wait_indirect_dma semaphore(%run_scoped3A_152 : memref<!tpu.dma_semaphore, #tpu.memory_space<semaphore_mem>>) src(%arg12 : memref<128x32xf32, #tpu.memory_space<vmem>>) dst(%dma_wait3A_164 : memref<512x32xf32, #tpu.memory_space<vmem_shared>>)
      tpu.yield
    }) : () -> ()
    %run_scoped3A_140 = arith.constant 5 : i32
    "tpu.region"() ({
      %run_scoped3A_152 = tpu.sem_alloc : memref<!tpu.dma_semaphore, #tpu.memory_space<semaphore_mem>>
      %dma_start3A_153 = arith.constant 640 : i32
      %dma_start3A_154 = arith.constant 0 : i32
      %dma_start3A_155 = tpu.memref_slice %arg11[%dma_start3A_153, %dma_start3A_154] : memref<1024x32xf32, #tpu.memory_space<vmem>> -> memref<128x32xf32, #tpu.memory_space<vmem>>
      %dma_start3A_156 = arith.constant 0 : i32
      %dma_start3A_157 = tpu.memref_slice %arg10[%run_scoped3A_140, %dma_start3A_156] : memref<8x128xi32, #tpu.memory_space<vmem>> -> memref<1x128xi32, #tpu.memory_space<vmem>>
      %dma_start3A_158 = tpu.memref_squeeze %dma_start3A_157 : memref<1x128xi32, #tpu.memory_space<vmem>> -> memref<128xi32, #tpu.memory_space<vmem>>
      %dma_start3A_159 = arith.constant 0 : i32
      %dma_start3A_160 = arith.constant 0 : i32
      %dma_start3A_161 = tpu.memref_slice %arg13[%dma_start3A_159, %dma_start3A_160] : memref<512x32xf32, #tpu.memory_space<vmem_shared>> -> memref<512x32xf32, #tpu.memory_space<vmem_shared>>
      tpu.enqueue_indirect_dma source(%dma_start3A_155 : memref<128x32xf32, #tpu.memory_space<vmem>>) target(%dma_start3A_161 : memref<512x32xf32, #tpu.memory_space<vmem_shared>>) offsets(%dma_start3A_158 : memref<128xi32, #tpu.memory_space<vmem>>) semaphore(%run_scoped3A_152 : memref<!tpu.dma_semaphore, #tpu.memory_space<semaphore_mem>>) {add = true}
      %dma_wait3A_162 = arith.constant 640 : i32
      %dma_wait3A_163 = arith.constant 0 : i32
      %dma_wait3A_164 = tpu.memref_slice %arg11[%dma_wait3A_162, %dma_wait3A_163] : memref<1024x32xf32, #tpu.memory_space<vmem>> -> memref<128x32xf32, #tpu.memory_space<vmem>>
      %dma_wait3A_165 = arith.constant 0 : i32
      %dma_wait3A_166 = tpu.memref_slice %arg10[%run_scoped3A_140, %dma_wait3A_165] : memref<8x128xi32, #tpu.memory_space<vmem>> -> memref<1x128xi32, #tpu.memory_space<vmem>>
      %dma_wait3A_167 = tpu.memref_squeeze %dma_wait3A_166 : memref<1x128xi32, #tpu.memory_space<vmem>> -> memref<128xi32, #tpu.memory_space<vmem>>
      %dma_wait3A_168 = arith.constant 0 : i32
      %dma_wait3A_169 = arith.constant 0 : i32
      %dma_wait3A_170 = tpu.memref_slice %arg13[%dma_wait3A_168, %dma_wait3A_169] : memref<512x32xf32, #tpu.memory_space<vmem_shared>> -> memref<512x32xf32, #tpu.memory_space<vmem_shared>>
      tpu.wait_indirect_dma semaphore(%run_scoped3A_152 : memref<!tpu.dma_semaphore, #tpu.memory_space<semaphore_mem>>) src(%dma_wait3A_164 : memref<128x32xf32, #tpu.memory_space<vmem>>) dst(%dma_wait3A_170 : memref<512x32xf32, #tpu.memory_space<vmem_shared>>)
      tpu.yield
    }) : () -> ()
    %run_scoped3A_141 = arith.constant 5 : i32
    "tpu.region"() ({
      %run_scoped3A_152 = tpu.sem_alloc : memref<!tpu.dma_semaphore, #tpu.memory_space<semaphore_mem>>
      %dma_start3A_153 = arith.constant 0 : i32
      %dma_start3A_154 = tpu.memref_slice %arg10[%run_scoped3A_141, %dma_start3A_153] : memref<8x128xi32, #tpu.memory_space<vmem>> -> memref<1x128xi32, #tpu.memory_space<vmem>>
      %dma_start3A_155 = tpu.memref_squeeze %dma_start3A_154 : memref<1x128xi32, #tpu.memory_space<vmem>> -> memref<128xi32, #tpu.memory_space<vmem>>
      %dma_start3A_156 = arith.constant 0 : i32
      %dma_start3A_157 = arith.constant 0 : i32
      %dma_start3A_158 = tpu.memref_slice %arg14[%dma_start3A_156, %dma_start3A_157] : memref<512x32xf32, #tpu.memory_space<vmem_shared>> -> memref<512x32xf32, #tpu.memory_space<vmem_shared>>
      tpu.enqueue_indirect_dma source(%arg12 : memref<128x32xf32, #tpu.memory_space<vmem>>) target(%dma_start3A_158 : memref<512x32xf32, #tpu.memory_space<vmem_shared>>) offsets(%dma_start3A_155 : memref<128xi32, #tpu.memory_space<vmem>>) semaphore(%run_scoped3A_152 : memref<!tpu.dma_semaphore, #tpu.memory_space<semaphore_mem>>) {add = true}
      %dma_wait3A_159 = arith.constant 0 : i32
      %dma_wait3A_160 = tpu.memref_slice %arg10[%run_scoped3A_141, %dma_wait3A_159] : memref<8x128xi32, #tpu.memory_space<vmem>> -> memref<1x128xi32, #tpu.memory_space<vmem>>
      %dma_wait3A_161 = tpu.memref_squeeze %dma_wait3A_160 : memref<1x128xi32, #tpu.memory_space<vmem>> -> memref<128xi32, #tpu.memory_space<vmem>>
      %dma_wait3A_162 = arith.constant 0 : i32
      %dma_wait3A_163 = arith.constant 0 : i32
      %dma_wait3A_164 = tpu.memref_slice %arg14[%dma_wait3A_162, %dma_wait3A_163] : memref<512x32xf32, #tpu.memory_space<vmem_shared>> -> memref<512x32xf32, #tpu.memory_space<vmem_shared>>
      tpu.wait_indirect_dma semaphore(%run_scoped3A_152 : memref<!tpu.dma_semaphore, #tpu.memory_space<semaphore_mem>>) src(%arg12 : memref<128x32xf32, #tpu.memory_space<vmem>>) dst(%dma_wait3A_164 : memref<512x32xf32, #tpu.memory_space<vmem_shared>>)
      tpu.yield
    }) : () -> ()
    %run_scoped3A_142 = arith.constant 6 : i32
    "tpu.region"() ({
      %run_scoped3A_152 = tpu.sem_alloc : memref<!tpu.dma_semaphore, #tpu.memory_space<semaphore_mem>>
      %dma_start3A_153 = arith.constant 768 : i32
      %dma_start3A_154 = arith.constant 0 : i32
      %dma_start3A_155 = tpu.memref_slice %arg11[%dma_start3A_153, %dma_start3A_154] : memref<1024x32xf32, #tpu.memory_space<vmem>> -> memref<128x32xf32, #tpu.memory_space<vmem>>
      %dma_start3A_156 = arith.constant 0 : i32
      %dma_start3A_157 = tpu.memref_slice %arg10[%run_scoped3A_142, %dma_start3A_156] : memref<8x128xi32, #tpu.memory_space<vmem>> -> memref<1x128xi32, #tpu.memory_space<vmem>>
      %dma_start3A_158 = tpu.memref_squeeze %dma_start3A_157 : memref<1x128xi32, #tpu.memory_space<vmem>> -> memref<128xi32, #tpu.memory_space<vmem>>
      %dma_start3A_159 = arith.constant 0 : i32
      %dma_start3A_160 = arith.constant 0 : i32
      %dma_start3A_161 = tpu.memref_slice %arg13[%dma_start3A_159, %dma_start3A_160] : memref<512x32xf32, #tpu.memory_space<vmem_shared>> -> memref<512x32xf32, #tpu.memory_space<vmem_shared>>
      tpu.enqueue_indirect_dma source(%dma_start3A_155 : memref<128x32xf32, #tpu.memory_space<vmem>>) target(%dma_start3A_161 : memref<512x32xf32, #tpu.memory_space<vmem_shared>>) offsets(%dma_start3A_158 : memref<128xi32, #tpu.memory_space<vmem>>) semaphore(%run_scoped3A_152 : memref<!tpu.dma_semaphore, #tpu.memory_space<semaphore_mem>>) {add = true}
      %dma_wait3A_162 = arith.constant 768 : i32
      %dma_wait3A_163 = arith.constant 0 : i32
      %dma_wait3A_164 = tpu.memref_slice %arg11[%dma_wait3A_162, %dma_wait3A_163] : memref<1024x32xf32, #tpu.memory_space<vmem>> -> memref<128x32xf32, #tpu.memory_space<vmem>>
      %dma_wait3A_165 = arith.constant 0 : i32
      %dma_wait3A_166 = tpu.memref_slice %arg10[%run_scoped3A_142, %dma_wait3A_165] : memref<8x128xi32, #tpu.memory_space<vmem>> -> memref<1x128xi32, #tpu.memory_space<vmem>>
      %dma_wait3A_167 = tpu.memref_squeeze %dma_wait3A_166 : memref<1x128xi32, #tpu.memory_space<vmem>> -> memref<128xi32, #tpu.memory_space<vmem>>
      %dma_wait3A_168 = arith.constant 0 : i32
      %dma_wait3A_169 = arith.constant 0 : i32
      %dma_wait3A_170 = tpu.memref_slice %arg13[%dma_wait3A_168, %dma_wait3A_169] : memref<512x32xf32, #tpu.memory_space<vmem_shared>> -> memref<512x32xf32, #tpu.memory_space<vmem_shared>>
      tpu.wait_indirect_dma semaphore(%run_scoped3A_152 : memref<!tpu.dma_semaphore, #tpu.memory_space<semaphore_mem>>) src(%dma_wait3A_164 : memref<128x32xf32, #tpu.memory_space<vmem>>) dst(%dma_wait3A_170 : memref<512x32xf32, #tpu.memory_space<vmem_shared>>)
      tpu.yield
    }) : () -> ()
    %run_scoped3A_143 = arith.constant 6 : i32
    "tpu.region"() ({
      %run_scoped3A_152 = tpu.sem_alloc : memref<!tpu.dma_semaphore, #tpu.memory_space<semaphore_mem>>
      %dma_start3A_153 = arith.constant 0 : i32
      %dma_start3A_154 = tpu.memref_slice %arg10[%run_scoped3A_143, %dma_start3A_153] : memref<8x128xi32, #tpu.memory_space<vmem>> -> memref<1x128xi32, #tpu.memory_space<vmem>>
      %dma_start3A_155 = tpu.memref_squeeze %dma_start3A_154 : memref<1x128xi32, #tpu.memory_space<vmem>> -> memref<128xi32, #tpu.memory_space<vmem>>
      %dma_start3A_156 = arith.constant 0 : i32
      %dma_start3A_157 = arith.constant 0 : i32
      %dma_start3A_158 = tpu.memref_slice %arg14[%dma_start3A_156, %dma_start3A_157] : memref<512x32xf32, #tpu.memory_space<vmem_shared>> -> memref<512x32xf32, #tpu.memory_space<vmem_shared>>
      tpu.enqueue_indirect_dma source(%arg12 : memref<128x32xf32, #tpu.memory_space<vmem>>) target(%dma_start3A_158 : memref<512x32xf32, #tpu.memory_space<vmem_shared>>) offsets(%dma_start3A_155 : memref<128xi32, #tpu.memory_space<vmem>>) semaphore(%run_scoped3A_152 : memref<!tpu.dma_semaphore, #tpu.memory_space<semaphore_mem>>) {add = true}
      %dma_wait3A_159 = arith.constant 0 : i32
      %dma_wait3A_160 = tpu.memref_slice %arg10[%run_scoped3A_143, %dma_wait3A_159] : memref<8x128xi32, #tpu.memory_space<vmem>> -> memref<1x128xi32, #tpu.memory_space<vmem>>
      %dma_wait3A_161 = tpu.memref_squeeze %dma_wait3A_160 : memref<1x128xi32, #tpu.memory_space<vmem>> -> memref<128xi32, #tpu.memory_space<vmem>>
      %dma_wait3A_162 = arith.constant 0 : i32
      %dma_wait3A_163 = arith.constant 0 : i32
      %dma_wait3A_164 = tpu.memref_slice %arg14[%dma_wait3A_162, %dma_wait3A_163] : memref<512x32xf32, #tpu.memory_space<vmem_shared>> -> memref<512x32xf32, #tpu.memory_space<vmem_shared>>
      tpu.wait_indirect_dma semaphore(%run_scoped3A_152 : memref<!tpu.dma_semaphore, #tpu.memory_space<semaphore_mem>>) src(%arg12 : memref<128x32xf32, #tpu.memory_space<vmem>>) dst(%dma_wait3A_164 : memref<512x32xf32, #tpu.memory_space<vmem_shared>>)
      tpu.yield
    }) : () -> ()
    %run_scoped3A_144 = arith.constant 7 : i32
    "tpu.region"() ({
      %run_scoped3A_152 = tpu.sem_alloc : memref<!tpu.dma_semaphore, #tpu.memory_space<semaphore_mem>>
      %dma_start3A_153 = arith.constant 896 : i32
      %dma_start3A_154 = arith.constant 0 : i32
      %dma_start3A_155 = tpu.memref_slice %arg11[%dma_start3A_153, %dma_start3A_154] : memref<1024x32xf32, #tpu.memory_space<vmem>> -> memref<128x32xf32, #tpu.memory_space<vmem>>
      %dma_start3A_156 = arith.constant 0 : i32
      %dma_start3A_157 = tpu.memref_slice %arg10[%run_scoped3A_144, %dma_start3A_156] : memref<8x128xi32, #tpu.memory_space<vmem>> -> memref<1x128xi32, #tpu.memory_space<vmem>>
      %dma_start3A_158 = tpu.memref_squeeze %dma_start3A_157 : memref<1x128xi32, #tpu.memory_space<vmem>> -> memref<128xi32, #tpu.memory_space<vmem>>
      %dma_start3A_159 = arith.constant 0 : i32
      %dma_start3A_160 = arith.constant 0 : i32
      %dma_start3A_161 = tpu.memref_slice %arg13[%dma_start3A_159, %dma_start3A_160] : memref<512x32xf32, #tpu.memory_space<vmem_shared>> -> memref<512x32xf32, #tpu.memory_space<vmem_shared>>
      tpu.enqueue_indirect_dma source(%dma_start3A_155 : memref<128x32xf32, #tpu.memory_space<vmem>>) target(%dma_start3A_161 : memref<512x32xf32, #tpu.memory_space<vmem_shared>>) offsets(%dma_start3A_158 : memref<128xi32, #tpu.memory_space<vmem>>) semaphore(%run_scoped3A_152 : memref<!tpu.dma_semaphore, #tpu.memory_space<semaphore_mem>>) {add = true}
      %dma_wait3A_162 = arith.constant 896 : i32
      %dma_wait3A_163 = arith.constant 0 : i32
      %dma_wait3A_164 = tpu.memref_slice %arg11[%dma_wait3A_162, %dma_wait3A_163] : memref<1024x32xf32, #tpu.memory_space<vmem>> -> memref<128x32xf32, #tpu.memory_space<vmem>>
      %dma_wait3A_165 = arith.constant 0 : i32
      %dma_wait3A_166 = tpu.memref_slice %arg10[%run_scoped3A_144, %dma_wait3A_165] : memref<8x128xi32, #tpu.memory_space<vmem>> -> memref<1x128xi32, #tpu.memory_space<vmem>>
      %dma_wait3A_167 = tpu.memref_squeeze %dma_wait3A_166 : memref<1x128xi32, #tpu.memory_space<vmem>> -> memref<128xi32, #tpu.memory_space<vmem>>
      %dma_wait3A_168 = arith.constant 0 : i32
      %dma_wait3A_169 = arith.constant 0 : i32
      %dma_wait3A_170 = tpu.memref_slice %arg13[%dma_wait3A_168, %dma_wait3A_169] : memref<512x32xf32, #tpu.memory_space<vmem_shared>> -> memref<512x32xf32, #tpu.memory_space<vmem_shared>>
      tpu.wait_indirect_dma semaphore(%run_scoped3A_152 : memref<!tpu.dma_semaphore, #tpu.memory_space<semaphore_mem>>) src(%dma_wait3A_164 : memref<128x32xf32, #tpu.memory_space<vmem>>) dst(%dma_wait3A_170 : memref<512x32xf32, #tpu.memory_space<vmem_shared>>)
      tpu.yield
    }) : () -> ()
    %run_scoped3A_145 = arith.constant 7 : i32
    "tpu.region"() ({
      %run_scoped3A_152 = tpu.sem_alloc : memref<!tpu.dma_semaphore, #tpu.memory_space<semaphore_mem>>
      %dma_start3A_153 = arith.constant 0 : i32
      %dma_start3A_154 = tpu.memref_slice %arg10[%run_scoped3A_145, %dma_start3A_153] : memref<8x128xi32, #tpu.memory_space<vmem>> -> memref<1x128xi32, #tpu.memory_space<vmem>>
      %dma_start3A_155 = tpu.memref_squeeze %dma_start3A_154 : memref<1x128xi32, #tpu.memory_space<vmem>> -> memref<128xi32, #tpu.memory_space<vmem>>
      %dma_start3A_156 = arith.constant 0 : i32
      %dma_start3A_157 = arith.constant 0 : i32
      %dma_start3A_158 = tpu.memref_slice %arg14[%dma_start3A_156, %dma_start3A_157] : memref<512x32xf32, #tpu.memory_space<vmem_shared>> -> memref<512x32xf32, #tpu.memory_space<vmem_shared>>
      tpu.enqueue_indirect_dma source(%arg12 : memref<128x32xf32, #tpu.memory_space<vmem>>) target(%dma_start3A_158 : memref<512x32xf32, #tpu.memory_space<vmem_shared>>) offsets(%dma_start3A_155 : memref<128xi32, #tpu.memory_space<vmem>>) semaphore(%run_scoped3A_152 : memref<!tpu.dma_semaphore, #tpu.memory_space<semaphore_mem>>) {add = true}
      %dma_wait3A_159 = arith.constant 0 : i32
      %dma_wait3A_160 = tpu.memref_slice %arg10[%run_scoped3A_145, %dma_wait3A_159] : memref<8x128xi32, #tpu.memory_space<vmem>> -> memref<1x128xi32, #tpu.memory_space<vmem>>
      %dma_wait3A_161 = tpu.memref_squeeze %dma_wait3A_160 : memref<1x128xi32, #tpu.memory_space<vmem>> -> memref<128xi32, #tpu.memory_space<vmem>>
      %dma_wait3A_162 = arith.constant 0 : i32
      %dma_wait3A_163 = arith.constant 0 : i32
      %dma_wait3A_164 = tpu.memref_slice %arg14[%dma_wait3A_162, %dma_wait3A_163] : memref<512x32xf32, #tpu.memory_space<vmem_shared>> -> memref<512x32xf32, #tpu.memory_space<vmem_shared>>
      tpu.wait_indirect_dma semaphore(%run_scoped3A_152 : memref<!tpu.dma_semaphore, #tpu.memory_space<semaphore_mem>>) src(%arg12 : memref<128x32xf32, #tpu.memory_space<vmem>>) dst(%dma_wait3A_164 : memref<512x32xf32, #tpu.memory_space<vmem_shared>>)
      tpu.yield
    }) : () -> ()
    %barrier3A_146 = arith.constant 0 : index
    tpu.barrier barrier_id(%barrier3A_146)
    %eq3A_147 = arith.constant 0 : i32
    %eq3A_148 = arith.cmpi eq, %arg1, %eq3A_147 : i32
    %convert_element_type3A_149 = arith.extui %eq3A_148 : i1 to i32
    %cond3A_150 = arith.constant 0 : i32
    %cond3A_151 = arith.cmpi ne, %convert_element_type3A_149, %cond3A_150 : i32
    scf.if %cond3A_151 {
      "tpu.region"() ({
        %run_scoped3A_152 = tpu.sem_alloc : memref<!tpu.dma_semaphore, #tpu.memory_space<semaphore_mem>>
        %dma_start3A_153 = arith.constant 0 : i32
        %dma_start3A_154 = arith.constant 0 : i32
        %dma_start3A_155 = tpu.memref_slice %arg7[%arg0, %dma_start3A_153, %dma_start3A_154] : memref<2x512x32xf32, #tpu.memory_space<hbm>> -> memref<1x512x32xf32, #tpu.memory_space<hbm>>
        %dma_start3A_156 = tpu.memref_squeeze %dma_start3A_155 : memref<1x512x32xf32, #tpu.memory_space<hbm>> -> memref<512x32xf32, #tpu.memory_space<hbm>>
        tpu.enqueue_dma source(%arg13 : memref<512x32xf32, #tpu.memory_space<vmem_shared>>) target(%dma_start3A_156 : memref<512x32xf32, #tpu.memory_space<hbm>>) target_semaphore(%run_scoped3A_152 : memref<!tpu.dma_semaphore, #tpu.memory_space<semaphore_mem>>)
        %dma_wait3A_157 = arith.constant 0 : i32
        %dma_wait3A_158 = arith.constant 0 : i32
        %dma_wait3A_159 = tpu.memref_slice %arg7[%arg0, %dma_wait3A_157, %dma_wait3A_158] : memref<2x512x32xf32, #tpu.memory_space<hbm>> -> memref<1x512x32xf32, #tpu.memory_space<hbm>>
        %dma_wait3A_160 = tpu.memref_squeeze %dma_wait3A_159 : memref<1x512x32xf32, #tpu.memory_space<hbm>> -> memref<512x32xf32, #tpu.memory_space<hbm>>
        tpu.wait_dma2 semaphore(%run_scoped3A_152 : memref<!tpu.dma_semaphore, #tpu.memory_space<semaphore_mem>>) src(%arg13 : memref<512x32xf32, #tpu.memory_space<vmem_shared>>) dst(%dma_wait3A_160 : memref<512x32xf32, #tpu.memory_space<hbm>>)
        tpu.yield
      }) : () -> ()
      "tpu.region"() ({
        %run_scoped3A_152 = tpu.sem_alloc : memref<!tpu.dma_semaphore, #tpu.memory_space<semaphore_mem>>
        %dma_start3A_153 = arith.constant 0 : i32
        %dma_start3A_154 = arith.constant 0 : i32
        %dma_start3A_155 = tpu.memref_slice %arg8[%arg0, %dma_start3A_153, %dma_start3A_154] : memref<2x512x32xf32, #tpu.memory_space<hbm>> -> memref<1x512x32xf32, #tpu.memory_space<hbm>>
        %dma_start3A_156 = tpu.memref_squeeze %dma_start3A_155 : memref<1x512x32xf32, #tpu.memory_space<hbm>> -> memref<512x32xf32, #tpu.memory_space<hbm>>
        tpu.enqueue_dma source(%arg14 : memref<512x32xf32, #tpu.memory_space<vmem_shared>>) target(%dma_start3A_156 : memref<512x32xf32, #tpu.memory_space<hbm>>) target_semaphore(%run_scoped3A_152 : memref<!tpu.dma_semaphore, #tpu.memory_space<semaphore_mem>>)
        %dma_wait3A_157 = arith.constant 0 : i32
        %dma_wait3A_158 = arith.constant 0 : i32
        %dma_wait3A_159 = tpu.memref_slice %arg8[%arg0, %dma_wait3A_157, %dma_wait3A_158] : memref<2x512x32xf32, #tpu.memory_space<hbm>> -> memref<1x512x32xf32, #tpu.memory_space<hbm>>
        %dma_wait3A_160 = tpu.memref_squeeze %dma_wait3A_159 : memref<1x512x32xf32, #tpu.memory_space<hbm>> -> memref<512x32xf32, #tpu.memory_space<hbm>>
        tpu.wait_dma2 semaphore(%run_scoped3A_152 : memref<!tpu.dma_semaphore, #tpu.memory_space<semaphore_mem>>) src(%arg14 : memref<512x32xf32, #tpu.memory_space<vmem_shared>>) dst(%dma_wait3A_160 : memref<512x32xf32, #tpu.memory_space<hbm>>)
        tpu.yield
      }) : () -> ()
    } else {
    }
    return
  }
}

module attributes {stable_mosaic.version = 14 : i64} {
  func.func @_conv1_body(%arg0: i32, %arg1: memref<1x336x512xf32, #tpu.memory_space<vmem>>, %arg2: memref<1x288x1024xf32, #tpu.memory_space<vmem>>, %arg3: memref<9x512x1024xf32, #tpu.memory_space<vmem>>, %arg4: memref<1x1024xf32, #tpu.memory_space<vmem>>, %arg5: memref<1x336x1024xf32, #tpu.memory_space<vmem>>, %arg6: memref<288x1024xf32, #tpu.memory_space<vmem>>) attributes {dimension_semantics = [#tpu.dimension_semantics<arbitrary>], iteration_bounds = array<i64: 16>, scalar_prefetch = 0 : i64, scratch_operands = 1 : i64, tpu.core_type = #tpu.core_type<tc>, window_params = [{transform_indices = @transform_0, window_bounds = array<i64: 1, 336, 512>}, {transform_indices = @transform_1, window_bounds = array<i64: 1, 288, 1024>}, {pipeline_mode = #tpu.pipeline_mode<synchronous>, transform_indices = @transform_2, window_bounds = array<i64: 9, 512, 1024>}, {pipeline_mode = #tpu.pipeline_mode<synchronous>, transform_indices = @transform_3, window_bounds = array<i64: 1, 1024>}, {transform_indices = @transform_4, window_bounds = array<i64: 1, 336, 1024>}]} {
    %get3A = arith.constant 0 : index
    %get3A_0 = arith.constant 0 : index
    %get3A_1 = vector.load %arg4[%get3A, %get3A_0] : memref<1x1024xf32, #tpu.memory_space<vmem>>, vector<1x1024xf32>
    %broadcast_in_dim3A = vector.shape_cast %get3A_1 : vector<1x1024xf32> to vector<1x1024xf32>
    %broadcast_in_dim3A_2 = vector.broadcast %broadcast_in_dim3A : vector<1x1024xf32> to vector<288x1024xf32>
    %swap3A = arith.constant 0 : index
    %swap3A_3 = arith.constant 0 : index
    %swap3A_4 = vector.load %arg6[%swap3A, %swap3A_3] : memref<288x1024xf32, #tpu.memory_space<vmem>>, vector<288x1024xf32>
    tpu.vector_store %arg6[%swap3A, %swap3A_3], %broadcast_in_dim3A_2 {strides = array<i32>} : memref<288x1024xf32, #tpu.memory_space<vmem>>, vector<288x1024xf32>,
    %get3A_5 = arith.constant 0 : index
    %get3A_6 = arith.constant 5 : index
    %get3A_7 = arith.constant 0 : index
    %get3A_8 = vector.load %arg1[%get3A_5, %get3A_6, %get3A_7] : memref<1x336x512xf32, #tpu.memory_space<vmem>>, vector<1x288x512xf32>
    %get3A_9 = vector.shape_cast %get3A_8 : vector<1x288x512xf32> to vector<288x512xf32>
    %get3A_10 = arith.constant 0 : index
    %get3A_11 = arith.constant 0 : index
    %get3A_12 = vector.load %arg6[%get3A_10, %get3A_11] : memref<288x1024xf32, #tpu.memory_space<vmem>>, vector<288x1024xf32>
    %get3A_13 = arith.constant 0 : index
    %get3A_14 = arith.constant 0 : index
    %get3A_15 = arith.constant 0 : index
    %get3A_16 = vector.load %arg3[%get3A_13, %get3A_14, %get3A_15] : memref<9x512x1024xf32, #tpu.memory_space<vmem>>, vector<1x512x1024xf32>
    %get3A_17 = vector.shape_cast %get3A_16 : vector<1x512x1024xf32> to vector<512x1024xf32>
    %dot_general3A = arith.constant dense<0.000000e+00> : vector<288x1024xf32>
    %dot_general3A_18 = tpu.matmul %get3A_9, %get3A_17, %dot_general3A {dimension_numbers = #tpu.dot_dimension_numbers<[1], [0], [0], [1], [0, 0, 1, 1], [], []>, transpose_lhs_hint = false} : vector<288x512xf32>, vector<512x1024xf32>, vector<288x1024xf32> -> vector<288x1024xf32>
    %add3A = arith.addf %get3A_12, %dot_general3A_18 : vector<288x1024xf32>
    %swap3A_19 = arith.constant 0 : index
    %swap3A_20 = arith.constant 0 : index
    %swap3A_21 = vector.load %arg6[%swap3A_19, %swap3A_20] : memref<288x1024xf32, #tpu.memory_space<vmem>>, vector<288x1024xf32>
    tpu.vector_store %arg6[%swap3A_19, %swap3A_20], %add3A {strides = array<i32>} : memref<288x1024xf32, #tpu.memory_space<vmem>>, vector<288x1024xf32>,
    %get3A_22 = arith.constant 0 : index
    %get3A_23 = arith.constant 6 : index
    %get3A_24 = arith.constant 0 : index
    %get3A_25 = vector.load %arg1[%get3A_22, %get3A_23, %get3A_24] : memref<1x336x512xf32, #tpu.memory_space<vmem>>, vector<1x288x512xf32>
    %get3A_26 = vector.shape_cast %get3A_25 : vector<1x288x512xf32> to vector<288x512xf32>
    %get3A_27 = arith.constant 0 : index
    %get3A_28 = arith.constant 0 : index
    %get3A_29 = vector.load %arg6[%get3A_27, %get3A_28] : memref<288x1024xf32, #tpu.memory_space<vmem>>, vector<288x1024xf32>
    %get3A_30 = arith.constant 1 : index
    %get3A_31 = arith.constant 0 : index
    %get3A_32 = arith.constant 0 : index
    %get3A_33 = vector.load %arg3[%get3A_30, %get3A_31, %get3A_32] : memref<9x512x1024xf32, #tpu.memory_space<vmem>>, vector<1x512x1024xf32>
    %get3A_34 = vector.shape_cast %get3A_33 : vector<1x512x1024xf32> to vector<512x1024xf32>
    %dot_general3A_35 = arith.constant dense<0.000000e+00> : vector<288x1024xf32>
    %dot_general3A_36 = tpu.matmul %get3A_26, %get3A_34, %dot_general3A_35 {dimension_numbers = #tpu.dot_dimension_numbers<[1], [0], [0], [1], [0, 0, 1, 1], [], []>, transpose_lhs_hint = false} : vector<288x512xf32>, vector<512x1024xf32>, vector<288x1024xf32> -> vector<288x1024xf32>
    %add3A_37 = arith.addf %get3A_29, %dot_general3A_36 : vector<288x1024xf32>
    %swap3A_38 = arith.constant 0 : index
    %swap3A_39 = arith.constant 0 : index
    %swap3A_40 = vector.load %arg6[%swap3A_38, %swap3A_39] : memref<288x1024xf32, #tpu.memory_space<vmem>>, vector<288x1024xf32>
    tpu.vector_store %arg6[%swap3A_38, %swap3A_39], %add3A_37 {strides = array<i32>} : memref<288x1024xf32, #tpu.memory_space<vmem>>, vector<288x1024xf32>,
    %get3A_41 = arith.constant 0 : index
    %get3A_42 = arith.constant 7 : index
    %get3A_43 = arith.constant 0 : index
    %get3A_44 = vector.load %arg1[%get3A_41, %get3A_42, %get3A_43] : memref<1x336x512xf32, #tpu.memory_space<vmem>>, vector<1x288x512xf32>
    %get3A_45 = vector.shape_cast %get3A_44 : vector<1x288x512xf32> to vector<288x512xf32>
    %get3A_46 = arith.constant 0 : index
    %get3A_47 = arith.constant 0 : index
    %get3A_48 = vector.load %arg6[%get3A_46, %get3A_47] : memref<288x1024xf32, #tpu.memory_space<vmem>>, vector<288x1024xf32>
    %get3A_49 = arith.constant 2 : index
    %get3A_50 = arith.constant 0 : index
    %get3A_51 = arith.constant 0 : index
    %get3A_52 = vector.load %arg3[%get3A_49, %get3A_50, %get3A_51] : memref<9x512x1024xf32, #tpu.memory_space<vmem>>, vector<1x512x1024xf32>
    %get3A_53 = vector.shape_cast %get3A_52 : vector<1x512x1024xf32> to vector<512x1024xf32>
    %dot_general3A_54 = arith.constant dense<0.000000e+00> : vector<288x1024xf32>
    %dot_general3A_55 = tpu.matmul %get3A_45, %get3A_53, %dot_general3A_54 {dimension_numbers = #tpu.dot_dimension_numbers<[1], [0], [0], [1], [0, 0, 1, 1], [], []>, transpose_lhs_hint = false} : vector<288x512xf32>, vector<512x1024xf32>, vector<288x1024xf32> -> vector<288x1024xf32>
    %add3A_56 = arith.addf %get3A_48, %dot_general3A_55 : vector<288x1024xf32>
    %swap3A_57 = arith.constant 0 : index
    %swap3A_58 = arith.constant 0 : index
    %swap3A_59 = vector.load %arg6[%swap3A_57, %swap3A_58] : memref<288x1024xf32, #tpu.memory_space<vmem>>, vector<288x1024xf32>
    tpu.vector_store %arg6[%swap3A_57, %swap3A_58], %add3A_56 {strides = array<i32>} : memref<288x1024xf32, #tpu.memory_space<vmem>>, vector<288x1024xf32>,
    %get3A_60 = arith.constant 0 : index
    %get3A_61 = arith.constant 23 : index
    %get3A_62 = arith.constant 0 : index
    %get3A_63 = vector.load %arg1[%get3A_60, %get3A_61, %get3A_62] : memref<1x336x512xf32, #tpu.memory_space<vmem>>, vector<1x288x512xf32>
    %get3A_64 = vector.shape_cast %get3A_63 : vector<1x288x512xf32> to vector<288x512xf32>
    %get3A_65 = arith.constant 0 : index
    %get3A_66 = arith.constant 0 : index
    %get3A_67 = vector.load %arg6[%get3A_65, %get3A_66] : memref<288x1024xf32, #tpu.memory_space<vmem>>, vector<288x1024xf32>
    %get3A_68 = arith.constant 3 : index
    %get3A_69 = arith.constant 0 : index
    %get3A_70 = arith.constant 0 : index
    %get3A_71 = vector.load %arg3[%get3A_68, %get3A_69, %get3A_70] : memref<9x512x1024xf32, #tpu.memory_space<vmem>>, vector<1x512x1024xf32>
    %get3A_72 = vector.shape_cast %get3A_71 : vector<1x512x1024xf32> to vector<512x1024xf32>
    %dot_general3A_73 = arith.constant dense<0.000000e+00> : vector<288x1024xf32>
    %dot_general3A_74 = tpu.matmul %get3A_64, %get3A_72, %dot_general3A_73 {dimension_numbers = #tpu.dot_dimension_numbers<[1], [0], [0], [1], [0, 0, 1, 1], [], []>, transpose_lhs_hint = false} : vector<288x512xf32>, vector<512x1024xf32>, vector<288x1024xf32> -> vector<288x1024xf32>
    %add3A_75 = arith.addf %get3A_67, %dot_general3A_74 : vector<288x1024xf32>
    %swap3A_76 = arith.constant 0 : index
    %swap3A_77 = arith.constant 0 : index
    %swap3A_78 = vector.load %arg6[%swap3A_76, %swap3A_77] : memref<288x1024xf32, #tpu.memory_space<vmem>>, vector<288x1024xf32>
    tpu.vector_store %arg6[%swap3A_76, %swap3A_77], %add3A_75 {strides = array<i32>} : memref<288x1024xf32, #tpu.memory_space<vmem>>, vector<288x1024xf32>,
    %get3A_79 = arith.constant 0 : index
    %get3A_80 = arith.constant 24 : index
    %get3A_81 = arith.constant 0 : index
    %get3A_82 = vector.load %arg1[%get3A_79, %get3A_80, %get3A_81] : memref<1x336x512xf32, #tpu.memory_space<vmem>>, vector<1x288x512xf32>
    %get3A_83 = vector.shape_cast %get3A_82 : vector<1x288x512xf32> to vector<288x512xf32>
    %get3A_84 = arith.constant 0 : index
    %get3A_85 = arith.constant 0 : index
    %get3A_86 = vector.load %arg6[%get3A_84, %get3A_85] : memref<288x1024xf32, #tpu.memory_space<vmem>>, vector<288x1024xf32>
    %get3A_87 = arith.constant 4 : index
    %get3A_88 = arith.constant 0 : index
    %get3A_89 = arith.constant 0 : index
    %get3A_90 = vector.load %arg3[%get3A_87, %get3A_88, %get3A_89] : memref<9x512x1024xf32, #tpu.memory_space<vmem>>, vector<1x512x1024xf32>
    %get3A_91 = vector.shape_cast %get3A_90 : vector<1x512x1024xf32> to vector<512x1024xf32>
    %dot_general3A_92 = arith.constant dense<0.000000e+00> : vector<288x1024xf32>
    %dot_general3A_93 = tpu.matmul %get3A_83, %get3A_91, %dot_general3A_92 {dimension_numbers = #tpu.dot_dimension_numbers<[1], [0], [0], [1], [0, 0, 1, 1], [], []>, transpose_lhs_hint = false} : vector<288x512xf32>, vector<512x1024xf32>, vector<288x1024xf32> -> vector<288x1024xf32>
    %add3A_94 = arith.addf %get3A_86, %dot_general3A_93 : vector<288x1024xf32>
    %swap3A_95 = arith.constant 0 : index
    %swap3A_96 = arith.constant 0 : index
    %swap3A_97 = vector.load %arg6[%swap3A_95, %swap3A_96] : memref<288x1024xf32, #tpu.memory_space<vmem>>, vector<288x1024xf32>
    tpu.vector_store %arg6[%swap3A_95, %swap3A_96], %add3A_94 {strides = array<i32>} : memref<288x1024xf32, #tpu.memory_space<vmem>>, vector<288x1024xf32>,
    %get3A_98 = arith.constant 0 : index
    %get3A_99 = arith.constant 25 : index
    %get3A_100 = arith.constant 0 : index
    %get3A_101 = vector.load %arg1[%get3A_98, %get3A_99, %get3A_100] : memref<1x336x512xf32, #tpu.memory_space<vmem>>, vector<1x288x512xf32>
    %get3A_102 = vector.shape_cast %get3A_101 : vector<1x288x512xf32> to vector<288x512xf32>
    %get3A_103 = arith.constant 0 : index
    %get3A_104 = arith.constant 0 : index
    %get3A_105 = vector.load %arg6[%get3A_103, %get3A_104] : memref<288x1024xf32, #tpu.memory_space<vmem>>, vector<288x1024xf32>
    %get3A_106 = arith.constant 5 : index
    %get3A_107 = arith.constant 0 : index
    %get3A_108 = arith.constant 0 : index
    %get3A_109 = vector.load %arg3[%get3A_106, %get3A_107, %get3A_108] : memref<9x512x1024xf32, #tpu.memory_space<vmem>>, vector<1x512x1024xf32>
    %get3A_110 = vector.shape_cast %get3A_109 : vector<1x512x1024xf32> to vector<512x1024xf32>
    %dot_general3A_111 = arith.constant dense<0.000000e+00> : vector<288x1024xf32>
    %dot_general3A_112 = tpu.matmul %get3A_102, %get3A_110, %dot_general3A_111 {dimension_numbers = #tpu.dot_dimension_numbers<[1], [0], [0], [1], [0, 0, 1, 1], [], []>, transpose_lhs_hint = false} : vector<288x512xf32>, vector<512x1024xf32>, vector<288x1024xf32> -> vector<288x1024xf32>
    %add3A_113 = arith.addf %get3A_105, %dot_general3A_112 : vector<288x1024xf32>
    %swap3A_114 = arith.constant 0 : index
    %swap3A_115 = arith.constant 0 : index
    %swap3A_116 = vector.load %arg6[%swap3A_114, %swap3A_115] : memref<288x1024xf32, #tpu.memory_space<vmem>>, vector<288x1024xf32>
    tpu.vector_store %arg6[%swap3A_114, %swap3A_115], %add3A_113 {strides = array<i32>} : memref<288x1024xf32, #tpu.memory_space<vmem>>, vector<288x1024xf32>,
    %get3A_117 = arith.constant 0 : index
    %get3A_118 = arith.constant 41 : index
    %get3A_119 = arith.constant 0 : index
    %get3A_120 = vector.load %arg1[%get3A_117, %get3A_118, %get3A_119] : memref<1x336x512xf32, #tpu.memory_space<vmem>>, vector<1x288x512xf32>
    %get3A_121 = vector.shape_cast %get3A_120 : vector<1x288x512xf32> to vector<288x512xf32>
    %get3A_122 = arith.constant 0 : index
    %get3A_123 = arith.constant 0 : index
    %get3A_124 = vector.load %arg6[%get3A_122, %get3A_123] : memref<288x1024xf32, #tpu.memory_space<vmem>>, vector<288x1024xf32>
    %get3A_125 = arith.constant 6 : index
    %get3A_126 = arith.constant 0 : index
    %get3A_127 = arith.constant 0 : index
    %get3A_128 = vector.load %arg3[%get3A_125, %get3A_126, %get3A_127] : memref<9x512x1024xf32, #tpu.memory_space<vmem>>, vector<1x512x1024xf32>
    %get3A_129 = vector.shape_cast %get3A_128 : vector<1x512x1024xf32> to vector<512x1024xf32>
    %dot_general3A_130 = arith.constant dense<0.000000e+00> : vector<288x1024xf32>
    %dot_general3A_131 = tpu.matmul %get3A_121, %get3A_129, %dot_general3A_130 {dimension_numbers = #tpu.dot_dimension_numbers<[1], [0], [0], [1], [0, 0, 1, 1], [], []>, transpose_lhs_hint = false} : vector<288x512xf32>, vector<512x1024xf32>, vector<288x1024xf32> -> vector<288x1024xf32>
    %add3A_132 = arith.addf %get3A_124, %dot_general3A_131 : vector<288x1024xf32>
    %swap3A_133 = arith.constant 0 : index
    %swap3A_134 = arith.constant 0 : index
    %swap3A_135 = vector.load %arg6[%swap3A_133, %swap3A_134] : memref<288x1024xf32, #tpu.memory_space<vmem>>, vector<288x1024xf32>
    tpu.vector_store %arg6[%swap3A_133, %swap3A_134], %add3A_132 {strides = array<i32>} : memref<288x1024xf32, #tpu.memory_space<vmem>>, vector<288x1024xf32>,
    %get3A_136 = arith.constant 0 : index
    %get3A_137 = arith.constant 42 : index
    %get3A_138 = arith.constant 0 : index
    %get3A_139 = vector.load %arg1[%get3A_136, %get3A_137, %get3A_138] : memref<1x336x512xf32, #tpu.memory_space<vmem>>, vector<1x288x512xf32>
    %get3A_140 = vector.shape_cast %get3A_139 : vector<1x288x512xf32> to vector<288x512xf32>
    %get3A_141 = arith.constant 0 : index
    %get3A_142 = arith.constant 0 : index
    %get3A_143 = vector.load %arg6[%get3A_141, %get3A_142] : memref<288x1024xf32, #tpu.memory_space<vmem>>, vector<288x1024xf32>
    %get3A_144 = arith.constant 7 : index
    %get3A_145 = arith.constant 0 : index
    %get3A_146 = arith.constant 0 : index
    %get3A_147 = vector.load %arg3[%get3A_144, %get3A_145, %get3A_146] : memref<9x512x1024xf32, #tpu.memory_space<vmem>>, vector<1x512x1024xf32>
    %get3A_148 = vector.shape_cast %get3A_147 : vector<1x512x1024xf32> to vector<512x1024xf32>
    %dot_general3A_149 = arith.constant dense<0.000000e+00> : vector<288x1024xf32>
    %dot_general3A_150 = tpu.matmul %get3A_140, %get3A_148, %dot_general3A_149 {dimension_numbers = #tpu.dot_dimension_numbers<[1], [0], [0], [1], [0, 0, 1, 1], [], []>, transpose_lhs_hint = false} : vector<288x512xf32>, vector<512x1024xf32>, vector<288x1024xf32> -> vector<288x1024xf32>
    %add3A_151 = arith.addf %get3A_143, %dot_general3A_150 : vector<288x1024xf32>
    %swap3A_152 = arith.constant 0 : index
    %swap3A_153 = arith.constant 0 : index
    %swap3A_154 = vector.load %arg6[%swap3A_152, %swap3A_153] : memref<288x1024xf32, #tpu.memory_space<vmem>>, vector<288x1024xf32>
    tpu.vector_store %arg6[%swap3A_152, %swap3A_153], %add3A_151 {strides = array<i32>} : memref<288x1024xf32, #tpu.memory_space<vmem>>, vector<288x1024xf32>,
    %get3A_155 = arith.constant 0 : index
    %get3A_156 = arith.constant 43 : index
    %get3A_157 = arith.constant 0 : index
    %get3A_158 = vector.load %arg1[%get3A_155, %get3A_156, %get3A_157] : memref<1x336x512xf32, #tpu.memory_space<vmem>>, vector<1x288x512xf32>
    %get3A_159 = vector.shape_cast %get3A_158 : vector<1x288x512xf32> to vector<288x512xf32>
    %get3A_160 = arith.constant 0 : index
    %get3A_161 = arith.constant 0 : index
    %get3A_162 = vector.load %arg6[%get3A_160, %get3A_161] : memref<288x1024xf32, #tpu.memory_space<vmem>>, vector<288x1024xf32>
    %get3A_163 = arith.constant 8 : index
    %get3A_164 = arith.constant 0 : index
    %get3A_165 = arith.constant 0 : index
    %get3A_166 = vector.load %arg3[%get3A_163, %get3A_164, %get3A_165] : memref<9x512x1024xf32, #tpu.memory_space<vmem>>, vector<1x512x1024xf32>
    %get3A_167 = vector.shape_cast %get3A_166 : vector<1x512x1024xf32> to vector<512x1024xf32>
    %dot_general3A_168 = arith.constant dense<0.000000e+00> : vector<288x1024xf32>
    %dot_general3A_169 = tpu.matmul %get3A_159, %get3A_167, %dot_general3A_168 {dimension_numbers = #tpu.dot_dimension_numbers<[1], [0], [0], [1], [0, 0, 1, 1], [], []>, transpose_lhs_hint = false} : vector<288x512xf32>, vector<512x1024xf32>, vector<288x1024xf32> -> vector<288x1024xf32>
    %add3A_170 = arith.addf %get3A_162, %dot_general3A_169 : vector<288x1024xf32>
    %swap3A_171 = arith.constant 0 : index
    %swap3A_172 = arith.constant 0 : index
    %swap3A_173 = vector.load %arg6[%swap3A_171, %swap3A_172] : memref<288x1024xf32, #tpu.memory_space<vmem>>, vector<288x1024xf32>
    tpu.vector_store %arg6[%swap3A_171, %swap3A_172], %add3A_170 {strides = array<i32>} : memref<288x1024xf32, #tpu.memory_space<vmem>>, vector<288x1024xf32>,
    %get3A_174 = arith.constant 0 : index
    %get3A_175 = arith.constant 0 : index
    %get3A_176 = vector.load %arg6[%get3A_174, %get3A_175] : memref<288x1024xf32, #tpu.memory_space<vmem>>, vector<288x1024xf32>
    %max3A = arith.constant 0.000000e+00 : f32
    %max3A_177 = vector.broadcast %max3A : f32 to vector<288x1024xf32>
    %max3A_178 = arith.maximumf %get3A_176, %max3A_177 : vector<288x1024xf32>
    %get3A_179 = arith.constant 0 : index
    %get3A_180 = arith.constant 0 : index
    %get3A_181 = arith.constant 0 : index
    %get3A_182 = vector.load %arg2[%get3A_179, %get3A_180, %get3A_181] : memref<1x288x1024xf32, #tpu.memory_space<vmem>>, vector<1x288x1024xf32>
    %get3A_183 = vector.shape_cast %get3A_182 : vector<1x288x1024xf32> to vector<288x1024xf32>
    %mul3A = arith.mulf %max3A_178, %get3A_183 : vector<288x1024xf32>
    %broadcast_in_dim3A_184 = arith.constant 0.000000e+00 : f32
    %broadcast_in_dim3A_185 = vector.broadcast %broadcast_in_dim3A_184 : f32 to vector<24x1024xf32>
    %swap3A_186 = arith.constant 0 : index
    %swap3A_187 = arith.constant 0 : index
    %swap3A_188 = arith.constant 0 : index
    %swap3A_189 = vector.load %arg5[%swap3A_186, %swap3A_187, %swap3A_188] : memref<1x336x1024xf32, #tpu.memory_space<vmem>>, vector<1x24x1024xf32>
    %swap3A_190 = vector.shape_cast %swap3A_189 : vector<1x24x1024xf32> to vector<24x1024xf32>
    %swap3A_191 = vector.shape_cast %broadcast_in_dim3A_185 : vector<24x1024xf32> to vector<1x24x1024xf32>
    tpu.vector_store %arg5[%swap3A_186, %swap3A_187, %swap3A_188], %swap3A_191 {strides = array<i32>} : memref<1x336x1024xf32, #tpu.memory_space<vmem>>, vector<1x24x1024xf32>,
    %broadcast_in_dim3A_192 = arith.constant 0.000000e+00 : f32
    %broadcast_in_dim3A_193 = vector.broadcast %broadcast_in_dim3A_192 : f32 to vector<24x1024xf32>
    %swap3A_194 = arith.constant 0 : index
    %swap3A_195 = arith.constant 312 : index
    %swap3A_196 = arith.constant 0 : index
    %swap3A_197 = vector.load %arg5[%swap3A_194, %swap3A_195, %swap3A_196] : memref<1x336x1024xf32, #tpu.memory_space<vmem>>, vector<1x24x1024xf32>
    %swap3A_198 = vector.shape_cast %swap3A_197 : vector<1x24x1024xf32> to vector<24x1024xf32>
    %swap3A_199 = vector.shape_cast %broadcast_in_dim3A_193 : vector<24x1024xf32> to vector<1x24x1024xf32>
    tpu.vector_store %arg5[%swap3A_194, %swap3A_195, %swap3A_196], %swap3A_199 {strides = array<i32>} : memref<1x336x1024xf32, #tpu.memory_space<vmem>>, vector<1x24x1024xf32>,
    %swap3A_200 = arith.constant 0 : index
    %swap3A_201 = arith.constant 24 : index
    %swap3A_202 = arith.constant 0 : index
    %swap3A_203 = vector.load %arg5[%swap3A_200, %swap3A_201, %swap3A_202] : memref<1x336x1024xf32, #tpu.memory_space<vmem>>, vector<1x288x1024xf32>
    %swap3A_204 = vector.shape_cast %swap3A_203 : vector<1x288x1024xf32> to vector<288x1024xf32>
    %swap3A_205 = vector.shape_cast %mul3A : vector<288x1024xf32> to vector<1x288x1024xf32>
    tpu.vector_store %arg5[%swap3A_200, %swap3A_201, %swap3A_202], %swap3A_205 {strides = array<i32>} : memref<1x336x1024xf32, #tpu.memory_space<vmem>>, vector<1x288x1024xf32>,
    return
  }
  func.func @transform_0(%arg0: i32) -> (i32, i32, i32) {
    %c0_i32 = arith.constant 0 : i32
    %c0_i32_0 = arith.constant 0 : i32
    %c0_i32_1 = arith.constant 0 : i32
    return %arg0, %c0_i32, %c0_i32_0 : i32, i32, i32
  }
  func.func @transform_1(%arg0: i32) -> (i32, i32, i32) {
    %c0_i32 = arith.constant 0 : i32
    %c0_i32_0 = arith.constant 0 : i32
    %c0_i32_1 = arith.constant 0 : i32
    return %arg0, %c0_i32, %c0_i32_0 : i32, i32, i32
  }
  func.func @transform_2(%arg0: i32) -> (i32, i32, i32) {
    %c0_i32 = arith.constant 0 : i32
    %c0_i32_0 = arith.constant 0 : i32
    %c0_i32_1 = arith.constant 0 : i32
    %c0_i32_2 = arith.constant 0 : i32
    return %c0_i32, %c0_i32_0, %c0_i32_1 : i32, i32, i32
  }
  func.func @transform_3(%arg0: i32) -> (i32, i32) {
    %c0_i32 = arith.constant 0 : i32
    %c0_i32_0 = arith.constant 0 : i32
    %c0_i32_1 = arith.constant 0 : i32
    return %c0_i32, %c0_i32_0 : i32, i32
  }
  func.func @transform_4(%arg0: i32) -> (i32, i32, i32) {
    %c0_i32 = arith.constant 0 : i32
    %c0_i32_0 = arith.constant 0 : i32
    %c0_i32_1 = arith.constant 0 : i32
    return %arg0, %c0_i32, %c0_i32_0 : i32, i32, i32
  }
}

module attributes {stable_mosaic.version = 14 : i64} {
  func.func @_conv2_body(%arg0: i32, %arg1: memref<1x336x1024xf32, #tpu.memory_space<vmem>>, %arg2: memref<9x1024x512xf32, #tpu.memory_space<vmem>>, %arg3: memref<1x512xf32, #tpu.memory_space<vmem>>, %arg4: memref<1x288x512xf32, #tpu.memory_space<vmem>>, %arg5: memref<288x512xf32, #tpu.memory_space<vmem>>) attributes {dimension_semantics = [#tpu.dimension_semantics<arbitrary>], iteration_bounds = array<i64: 16>, scalar_prefetch = 0 : i64, scratch_operands = 1 : i64, tpu.core_type = #tpu.core_type<tc>, window_params = [{transform_indices = @transform_0, window_bounds = array<i64: 1, 336, 1024>}, {pipeline_mode = #tpu.pipeline_mode<synchronous>, transform_indices = @transform_1, window_bounds = array<i64: 9, 1024, 512>}, {pipeline_mode = #tpu.pipeline_mode<synchronous>, transform_indices = @transform_2, window_bounds = array<i64: 1, 512>}, {transform_indices = @transform_3, window_bounds = array<i64: 1, 288, 512>}]} {
    %get3A = arith.constant 0 : index
    %get3A_0 = arith.constant 0 : index
    %get3A_1 = vector.load %arg3[%get3A, %get3A_0] : memref<1x512xf32, #tpu.memory_space<vmem>>, vector<1x512xf32>
    %broadcast_in_dim3A = vector.shape_cast %get3A_1 : vector<1x512xf32> to vector<1x512xf32>
    %broadcast_in_dim3A_2 = vector.broadcast %broadcast_in_dim3A : vector<1x512xf32> to vector<288x512xf32>
    %swap3A = arith.constant 0 : index
    %swap3A_3 = arith.constant 0 : index
    %swap3A_4 = vector.load %arg5[%swap3A, %swap3A_3] : memref<288x512xf32, #tpu.memory_space<vmem>>, vector<288x512xf32>
    tpu.vector_store %arg5[%swap3A, %swap3A_3], %broadcast_in_dim3A_2 {strides = array<i32>} : memref<288x512xf32, #tpu.memory_space<vmem>>, vector<288x512xf32>,
    %get3A_5 = arith.constant 0 : index
    %get3A_6 = arith.constant 5 : index
    %get3A_7 = arith.constant 0 : index
    %get3A_8 = vector.load %arg1[%get3A_5, %get3A_6, %get3A_7] : memref<1x336x1024xf32, #tpu.memory_space<vmem>>, vector<1x288x1024xf32>
    %get3A_9 = vector.shape_cast %get3A_8 : vector<1x288x1024xf32> to vector<288x1024xf32>
    %get3A_10 = arith.constant 0 : index
    %get3A_11 = arith.constant 0 : index
    %get3A_12 = vector.load %arg5[%get3A_10, %get3A_11] : memref<288x512xf32, #tpu.memory_space<vmem>>, vector<288x512xf32>
    %get3A_13 = arith.constant 0 : index
    %get3A_14 = arith.constant 0 : index
    %get3A_15 = arith.constant 0 : index
    %get3A_16 = vector.load %arg2[%get3A_13, %get3A_14, %get3A_15] : memref<9x1024x512xf32, #tpu.memory_space<vmem>>, vector<1x1024x512xf32>
    %get3A_17 = vector.shape_cast %get3A_16 : vector<1x1024x512xf32> to vector<1024x512xf32>
    %dot_general3A = arith.constant dense<0.000000e+00> : vector<288x512xf32>
    %dot_general3A_18 = tpu.matmul %get3A_9, %get3A_17, %dot_general3A {dimension_numbers = #tpu.dot_dimension_numbers<[1], [0], [0], [1], [0, 0, 1, 1], [], []>, transpose_lhs_hint = false} : vector<288x1024xf32>, vector<1024x512xf32>, vector<288x512xf32> -> vector<288x512xf32>
    %add3A = arith.addf %get3A_12, %dot_general3A_18 : vector<288x512xf32>
    %swap3A_19 = arith.constant 0 : index
    %swap3A_20 = arith.constant 0 : index
    %swap3A_21 = vector.load %arg5[%swap3A_19, %swap3A_20] : memref<288x512xf32, #tpu.memory_space<vmem>>, vector<288x512xf32>
    tpu.vector_store %arg5[%swap3A_19, %swap3A_20], %add3A {strides = array<i32>} : memref<288x512xf32, #tpu.memory_space<vmem>>, vector<288x512xf32>,
    %get3A_22 = arith.constant 0 : index
    %get3A_23 = arith.constant 6 : index
    %get3A_24 = arith.constant 0 : index
    %get3A_25 = vector.load %arg1[%get3A_22, %get3A_23, %get3A_24] : memref<1x336x1024xf32, #tpu.memory_space<vmem>>, vector<1x288x1024xf32>
    %get3A_26 = vector.shape_cast %get3A_25 : vector<1x288x1024xf32> to vector<288x1024xf32>
    %get3A_27 = arith.constant 0 : index
    %get3A_28 = arith.constant 0 : index
    %get3A_29 = vector.load %arg5[%get3A_27, %get3A_28] : memref<288x512xf32, #tpu.memory_space<vmem>>, vector<288x512xf32>
    %get3A_30 = arith.constant 1 : index
    %get3A_31 = arith.constant 0 : index
    %get3A_32 = arith.constant 0 : index
    %get3A_33 = vector.load %arg2[%get3A_30, %get3A_31, %get3A_32] : memref<9x1024x512xf32, #tpu.memory_space<vmem>>, vector<1x1024x512xf32>
    %get3A_34 = vector.shape_cast %get3A_33 : vector<1x1024x512xf32> to vector<1024x512xf32>
    %dot_general3A_35 = arith.constant dense<0.000000e+00> : vector<288x512xf32>
    %dot_general3A_36 = tpu.matmul %get3A_26, %get3A_34, %dot_general3A_35 {dimension_numbers = #tpu.dot_dimension_numbers<[1], [0], [0], [1], [0, 0, 1, 1], [], []>, transpose_lhs_hint = false} : vector<288x1024xf32>, vector<1024x512xf32>, vector<288x512xf32> -> vector<288x512xf32>
    %add3A_37 = arith.addf %get3A_29, %dot_general3A_36 : vector<288x512xf32>
    %swap3A_38 = arith.constant 0 : index
    %swap3A_39 = arith.constant 0 : index
    %swap3A_40 = vector.load %arg5[%swap3A_38, %swap3A_39] : memref<288x512xf32, #tpu.memory_space<vmem>>, vector<288x512xf32>
    tpu.vector_store %arg5[%swap3A_38, %swap3A_39], %add3A_37 {strides = array<i32>} : memref<288x512xf32, #tpu.memory_space<vmem>>, vector<288x512xf32>,
    %get3A_41 = arith.constant 0 : index
    %get3A_42 = arith.constant 7 : index
    %get3A_43 = arith.constant 0 : index
    %get3A_44 = vector.load %arg1[%get3A_41, %get3A_42, %get3A_43] : memref<1x336x1024xf32, #tpu.memory_space<vmem>>, vector<1x288x1024xf32>
    %get3A_45 = vector.shape_cast %get3A_44 : vector<1x288x1024xf32> to vector<288x1024xf32>
    %get3A_46 = arith.constant 0 : index
    %get3A_47 = arith.constant 0 : index
    %get3A_48 = vector.load %arg5[%get3A_46, %get3A_47] : memref<288x512xf32, #tpu.memory_space<vmem>>, vector<288x512xf32>
    %get3A_49 = arith.constant 2 : index
    %get3A_50 = arith.constant 0 : index
    %get3A_51 = arith.constant 0 : index
    %get3A_52 = vector.load %arg2[%get3A_49, %get3A_50, %get3A_51] : memref<9x1024x512xf32, #tpu.memory_space<vmem>>, vector<1x1024x512xf32>
    %get3A_53 = vector.shape_cast %get3A_52 : vector<1x1024x512xf32> to vector<1024x512xf32>
    %dot_general3A_54 = arith.constant dense<0.000000e+00> : vector<288x512xf32>
    %dot_general3A_55 = tpu.matmul %get3A_45, %get3A_53, %dot_general3A_54 {dimension_numbers = #tpu.dot_dimension_numbers<[1], [0], [0], [1], [0, 0, 1, 1], [], []>, transpose_lhs_hint = false} : vector<288x1024xf32>, vector<1024x512xf32>, vector<288x512xf32> -> vector<288x512xf32>
    %add3A_56 = arith.addf %get3A_48, %dot_general3A_55 : vector<288x512xf32>
    %swap3A_57 = arith.constant 0 : index
    %swap3A_58 = arith.constant 0 : index
    %swap3A_59 = vector.load %arg5[%swap3A_57, %swap3A_58] : memref<288x512xf32, #tpu.memory_space<vmem>>, vector<288x512xf32>
    tpu.vector_store %arg5[%swap3A_57, %swap3A_58], %add3A_56 {strides = array<i32>} : memref<288x512xf32, #tpu.memory_space<vmem>>, vector<288x512xf32>,
    %get3A_60 = arith.constant 0 : index
    %get3A_61 = arith.constant 23 : index
    %get3A_62 = arith.constant 0 : index
    %get3A_63 = vector.load %arg1[%get3A_60, %get3A_61, %get3A_62] : memref<1x336x1024xf32, #tpu.memory_space<vmem>>, vector<1x288x1024xf32>
    %get3A_64 = vector.shape_cast %get3A_63 : vector<1x288x1024xf32> to vector<288x1024xf32>
    %get3A_65 = arith.constant 0 : index
    %get3A_66 = arith.constant 0 : index
    %get3A_67 = vector.load %arg5[%get3A_65, %get3A_66] : memref<288x512xf32, #tpu.memory_space<vmem>>, vector<288x512xf32>
    %get3A_68 = arith.constant 3 : index
    %get3A_69 = arith.constant 0 : index
    %get3A_70 = arith.constant 0 : index
    %get3A_71 = vector.load %arg2[%get3A_68, %get3A_69, %get3A_70] : memref<9x1024x512xf32, #tpu.memory_space<vmem>>, vector<1x1024x512xf32>
    %get3A_72 = vector.shape_cast %get3A_71 : vector<1x1024x512xf32> to vector<1024x512xf32>
    %dot_general3A_73 = arith.constant dense<0.000000e+00> : vector<288x512xf32>
    %dot_general3A_74 = tpu.matmul %get3A_64, %get3A_72, %dot_general3A_73 {dimension_numbers = #tpu.dot_dimension_numbers<[1], [0], [0], [1], [0, 0, 1, 1], [], []>, transpose_lhs_hint = false} : vector<288x1024xf32>, vector<1024x512xf32>, vector<288x512xf32> -> vector<288x512xf32>
    %add3A_75 = arith.addf %get3A_67, %dot_general3A_74 : vector<288x512xf32>
    %swap3A_76 = arith.constant 0 : index
    %swap3A_77 = arith.constant 0 : index
    %swap3A_78 = vector.load %arg5[%swap3A_76, %swap3A_77] : memref<288x512xf32, #tpu.memory_space<vmem>>, vector<288x512xf32>
    tpu.vector_store %arg5[%swap3A_76, %swap3A_77], %add3A_75 {strides = array<i32>} : memref<288x512xf32, #tpu.memory_space<vmem>>, vector<288x512xf32>,
    %get3A_79 = arith.constant 0 : index
    %get3A_80 = arith.constant 24 : index
    %get3A_81 = arith.constant 0 : index
    %get3A_82 = vector.load %arg1[%get3A_79, %get3A_80, %get3A_81] : memref<1x336x1024xf32, #tpu.memory_space<vmem>>, vector<1x288x1024xf32>
    %get3A_83 = vector.shape_cast %get3A_82 : vector<1x288x1024xf32> to vector<288x1024xf32>
    %get3A_84 = arith.constant 0 : index
    %get3A_85 = arith.constant 0 : index
    %get3A_86 = vector.load %arg5[%get3A_84, %get3A_85] : memref<288x512xf32, #tpu.memory_space<vmem>>, vector<288x512xf32>
    %get3A_87 = arith.constant 4 : index
    %get3A_88 = arith.constant 0 : index
    %get3A_89 = arith.constant 0 : index
    %get3A_90 = vector.load %arg2[%get3A_87, %get3A_88, %get3A_89] : memref<9x1024x512xf32, #tpu.memory_space<vmem>>, vector<1x1024x512xf32>
    %get3A_91 = vector.shape_cast %get3A_90 : vector<1x1024x512xf32> to vector<1024x512xf32>
    %dot_general3A_92 = arith.constant dense<0.000000e+00> : vector<288x512xf32>
    %dot_general3A_93 = tpu.matmul %get3A_83, %get3A_91, %dot_general3A_92 {dimension_numbers = #tpu.dot_dimension_numbers<[1], [0], [0], [1], [0, 0, 1, 1], [], []>, transpose_lhs_hint = false} : vector<288x1024xf32>, vector<1024x512xf32>, vector<288x512xf32> -> vector<288x512xf32>
    %add3A_94 = arith.addf %get3A_86, %dot_general3A_93 : vector<288x512xf32>
    %swap3A_95 = arith.constant 0 : index
    %swap3A_96 = arith.constant 0 : index
    %swap3A_97 = vector.load %arg5[%swap3A_95, %swap3A_96] : memref<288x512xf32, #tpu.memory_space<vmem>>, vector<288x512xf32>
    tpu.vector_store %arg5[%swap3A_95, %swap3A_96], %add3A_94 {strides = array<i32>} : memref<288x512xf32, #tpu.memory_space<vmem>>, vector<288x512xf32>,
    %get3A_98 = arith.constant 0 : index
    %get3A_99 = arith.constant 25 : index
    %get3A_100 = arith.constant 0 : index
    %get3A_101 = vector.load %arg1[%get3A_98, %get3A_99, %get3A_100] : memref<1x336x1024xf32, #tpu.memory_space<vmem>>, vector<1x288x1024xf32>
    %get3A_102 = vector.shape_cast %get3A_101 : vector<1x288x1024xf32> to vector<288x1024xf32>
    %get3A_103 = arith.constant 0 : index
    %get3A_104 = arith.constant 0 : index
    %get3A_105 = vector.load %arg5[%get3A_103, %get3A_104] : memref<288x512xf32, #tpu.memory_space<vmem>>, vector<288x512xf32>
    %get3A_106 = arith.constant 5 : index
    %get3A_107 = arith.constant 0 : index
    %get3A_108 = arith.constant 0 : index
    %get3A_109 = vector.load %arg2[%get3A_106, %get3A_107, %get3A_108] : memref<9x1024x512xf32, #tpu.memory_space<vmem>>, vector<1x1024x512xf32>
    %get3A_110 = vector.shape_cast %get3A_109 : vector<1x1024x512xf32> to vector<1024x512xf32>
    %dot_general3A_111 = arith.constant dense<0.000000e+00> : vector<288x512xf32>
    %dot_general3A_112 = tpu.matmul %get3A_102, %get3A_110, %dot_general3A_111 {dimension_numbers = #tpu.dot_dimension_numbers<[1], [0], [0], [1], [0, 0, 1, 1], [], []>, transpose_lhs_hint = false} : vector<288x1024xf32>, vector<1024x512xf32>, vector<288x512xf32> -> vector<288x512xf32>
    %add3A_113 = arith.addf %get3A_105, %dot_general3A_112 : vector<288x512xf32>
    %swap3A_114 = arith.constant 0 : index
    %swap3A_115 = arith.constant 0 : index
    %swap3A_116 = vector.load %arg5[%swap3A_114, %swap3A_115] : memref<288x512xf32, #tpu.memory_space<vmem>>, vector<288x512xf32>
    tpu.vector_store %arg5[%swap3A_114, %swap3A_115], %add3A_113 {strides = array<i32>} : memref<288x512xf32, #tpu.memory_space<vmem>>, vector<288x512xf32>,
    %get3A_117 = arith.constant 0 : index
    %get3A_118 = arith.constant 41 : index
    %get3A_119 = arith.constant 0 : index
    %get3A_120 = vector.load %arg1[%get3A_117, %get3A_118, %get3A_119] : memref<1x336x1024xf32, #tpu.memory_space<vmem>>, vector<1x288x1024xf32>
    %get3A_121 = vector.shape_cast %get3A_120 : vector<1x288x1024xf32> to vector<288x1024xf32>
    %get3A_122 = arith.constant 0 : index
    %get3A_123 = arith.constant 0 : index
    %get3A_124 = vector.load %arg5[%get3A_122, %get3A_123] : memref<288x512xf32, #tpu.memory_space<vmem>>, vector<288x512xf32>
    %get3A_125 = arith.constant 6 : index
    %get3A_126 = arith.constant 0 : index
    %get3A_127 = arith.constant 0 : index
    %get3A_128 = vector.load %arg2[%get3A_125, %get3A_126, %get3A_127] : memref<9x1024x512xf32, #tpu.memory_space<vmem>>, vector<1x1024x512xf32>
    %get3A_129 = vector.shape_cast %get3A_128 : vector<1x1024x512xf32> to vector<1024x512xf32>
    %dot_general3A_130 = arith.constant dense<0.000000e+00> : vector<288x512xf32>
    %dot_general3A_131 = tpu.matmul %get3A_121, %get3A_129, %dot_general3A_130 {dimension_numbers = #tpu.dot_dimension_numbers<[1], [0], [0], [1], [0, 0, 1, 1], [], []>, transpose_lhs_hint = false} : vector<288x1024xf32>, vector<1024x512xf32>, vector<288x512xf32> -> vector<288x512xf32>
    %add3A_132 = arith.addf %get3A_124, %dot_general3A_131 : vector<288x512xf32>
    %swap3A_133 = arith.constant 0 : index
    %swap3A_134 = arith.constant 0 : index
    %swap3A_135 = vector.load %arg5[%swap3A_133, %swap3A_134] : memref<288x512xf32, #tpu.memory_space<vmem>>, vector<288x512xf32>
    tpu.vector_store %arg5[%swap3A_133, %swap3A_134], %add3A_132 {strides = array<i32>} : memref<288x512xf32, #tpu.memory_space<vmem>>, vector<288x512xf32>,
    %get3A_136 = arith.constant 0 : index
    %get3A_137 = arith.constant 42 : index
    %get3A_138 = arith.constant 0 : index
    %get3A_139 = vector.load %arg1[%get3A_136, %get3A_137, %get3A_138] : memref<1x336x1024xf32, #tpu.memory_space<vmem>>, vector<1x288x1024xf32>
    %get3A_140 = vector.shape_cast %get3A_139 : vector<1x288x1024xf32> to vector<288x1024xf32>
    %get3A_141 = arith.constant 0 : index
    %get3A_142 = arith.constant 0 : index
    %get3A_143 = vector.load %arg5[%get3A_141, %get3A_142] : memref<288x512xf32, #tpu.memory_space<vmem>>, vector<288x512xf32>
    %get3A_144 = arith.constant 7 : index
    %get3A_145 = arith.constant 0 : index
    %get3A_146 = arith.constant 0 : index
    %get3A_147 = vector.load %arg2[%get3A_144, %get3A_145, %get3A_146] : memref<9x1024x512xf32, #tpu.memory_space<vmem>>, vector<1x1024x512xf32>
    %get3A_148 = vector.shape_cast %get3A_147 : vector<1x1024x512xf32> to vector<1024x512xf32>
    %dot_general3A_149 = arith.constant dense<0.000000e+00> : vector<288x512xf32>
    %dot_general3A_150 = tpu.matmul %get3A_140, %get3A_148, %dot_general3A_149 {dimension_numbers = #tpu.dot_dimension_numbers<[1], [0], [0], [1], [0, 0, 1, 1], [], []>, transpose_lhs_hint = false} : vector<288x1024xf32>, vector<1024x512xf32>, vector<288x512xf32> -> vector<288x512xf32>
    %add3A_151 = arith.addf %get3A_143, %dot_general3A_150 : vector<288x512xf32>
    %swap3A_152 = arith.constant 0 : index
    %swap3A_153 = arith.constant 0 : index
    %swap3A_154 = vector.load %arg5[%swap3A_152, %swap3A_153] : memref<288x512xf32, #tpu.memory_space<vmem>>, vector<288x512xf32>
    tpu.vector_store %arg5[%swap3A_152, %swap3A_153], %add3A_151 {strides = array<i32>} : memref<288x512xf32, #tpu.memory_space<vmem>>, vector<288x512xf32>,
    %get3A_155 = arith.constant 0 : index
    %get3A_156 = arith.constant 43 : index
    %get3A_157 = arith.constant 0 : index
    %get3A_158 = vector.load %arg1[%get3A_155, %get3A_156, %get3A_157] : memref<1x336x1024xf32, #tpu.memory_space<vmem>>, vector<1x288x1024xf32>
    %get3A_159 = vector.shape_cast %get3A_158 : vector<1x288x1024xf32> to vector<288x1024xf32>
    %get3A_160 = arith.constant 0 : index
    %get3A_161 = arith.constant 0 : index
    %get3A_162 = vector.load %arg5[%get3A_160, %get3A_161] : memref<288x512xf32, #tpu.memory_space<vmem>>, vector<288x512xf32>
    %get3A_163 = arith.constant 8 : index
    %get3A_164 = arith.constant 0 : index
    %get3A_165 = arith.constant 0 : index
    %get3A_166 = vector.load %arg2[%get3A_163, %get3A_164, %get3A_165] : memref<9x1024x512xf32, #tpu.memory_space<vmem>>, vector<1x1024x512xf32>
    %get3A_167 = vector.shape_cast %get3A_166 : vector<1x1024x512xf32> to vector<1024x512xf32>
    %dot_general3A_168 = arith.constant dense<0.000000e+00> : vector<288x512xf32>
    %dot_general3A_169 = tpu.matmul %get3A_159, %get3A_167, %dot_general3A_168 {dimension_numbers = #tpu.dot_dimension_numbers<[1], [0], [0], [1], [0, 0, 1, 1], [], []>, transpose_lhs_hint = false} : vector<288x1024xf32>, vector<1024x512xf32>, vector<288x512xf32> -> vector<288x512xf32>
    %add3A_170 = arith.addf %get3A_162, %dot_general3A_169 : vector<288x512xf32>
    %swap3A_171 = arith.constant 0 : index
    %swap3A_172 = arith.constant 0 : index
    %swap3A_173 = vector.load %arg5[%swap3A_171, %swap3A_172] : memref<288x512xf32, #tpu.memory_space<vmem>>, vector<288x512xf32>
    tpu.vector_store %arg5[%swap3A_171, %swap3A_172], %add3A_170 {strides = array<i32>} : memref<288x512xf32, #tpu.memory_space<vmem>>, vector<288x512xf32>,
    %get3A_174 = arith.constant 0 : index
    %get3A_175 = arith.constant 0 : index
    %get3A_176 = vector.load %arg5[%get3A_174, %get3A_175] : memref<288x512xf32, #tpu.memory_space<vmem>>, vector<288x512xf32>
    %max3A = arith.constant 0.000000e+00 : f32
    %max3A_177 = vector.broadcast %max3A : f32 to vector<288x512xf32>
    %max3A_178 = arith.maximumf %get3A_176, %max3A_177 : vector<288x512xf32>
    %reshape3A = vector.shape_cast %max3A_178 : vector<288x512xf32> to vector<1x288x512xf32>
    %swap3A_179 = arith.constant 0 : index
    %swap3A_180 = arith.constant 0 : index
    %swap3A_181 = arith.constant 0 : index
    %swap3A_182 = vector.load %arg4[%swap3A_179, %swap3A_180, %swap3A_181] : memref<1x288x512xf32, #tpu.memory_space<vmem>>, vector<1x288x512xf32>
    tpu.vector_store %arg4[%swap3A_179, %swap3A_180, %swap3A_181], %reshape3A {strides = array<i32>} : memref<1x288x512xf32, #tpu.memory_space<vmem>>, vector<1x288x512xf32>,
    return
  }
  func.func @transform_0(%arg0: i32) -> (i32, i32, i32) {
    %c0_i32 = arith.constant 0 : i32
    %c0_i32_0 = arith.constant 0 : i32
    %c0_i32_1 = arith.constant 0 : i32
    return %arg0, %c0_i32, %c0_i32_0 : i32, i32, i32
  }
  func.func @transform_1(%arg0: i32) -> (i32, i32, i32) {
    %c0_i32 = arith.constant 0 : i32
    %c0_i32_0 = arith.constant 0 : i32
    %c0_i32_1 = arith.constant 0 : i32
    %c0_i32_2 = arith.constant 0 : i32
    return %c0_i32, %c0_i32_0, %c0_i32_1 : i32, i32, i32
  }
  func.func @transform_2(%arg0: i32) -> (i32, i32) {
    %c0_i32 = arith.constant 0 : i32
    %c0_i32_0 = arith.constant 0 : i32
    %c0_i32_1 = arith.constant 0 : i32
    return %c0_i32, %c0_i32_0 : i32, i32
  }
  func.func @transform_3(%arg0: i32) -> (i32, i32, i32) {
    %c0_i32 = arith.constant 0 : i32
    %c0_i32_0 = arith.constant 0 : i32
    %c0_i32_1 = arith.constant 0 : i32
    return %arg0, %c0_i32, %c0_i32_0 : i32, i32, i32
  }
}

module attributes {stable_mosaic.version = 14 : i64} {
  func.func @_finalize_body(%arg0: memref<2x512x32xf32, #tpu.memory_space<vmem>>, %arg1: memref<2x512x32xf32, #tpu.memory_space<vmem>>, %arg2: memref<512x32xf32, #tpu.memory_space<vmem>>) attributes {dimension_semantics = [], scalar_prefetch = 0 : i64, scratch_operands = 0 : i64, tpu.core_type = #tpu.core_type<tc>} {
    %get3A = arith.constant 0 : index
    %get3A_0 = arith.constant 0 : index
    %get3A_1 = arith.constant 0 : index
    %get3A_2 = vector.load %arg0[%get3A, %get3A_0, %get3A_1] : memref<2x512x32xf32, #tpu.memory_space<vmem>>, vector<1x512x32xf32>
    %get3A_3 = vector.shape_cast %get3A_2 : vector<1x512x32xf32> to vector<512x32xf32>
    %get3A_4 = arith.constant 1 : index
    %get3A_5 = arith.constant 0 : index
    %get3A_6 = arith.constant 0 : index
    %get3A_7 = vector.load %arg0[%get3A_4, %get3A_5, %get3A_6] : memref<2x512x32xf32, #tpu.memory_space<vmem>>, vector<1x512x32xf32>
    %get3A_8 = vector.shape_cast %get3A_7 : vector<1x512x32xf32> to vector<512x32xf32>
    %add3A = arith.addf %get3A_3, %get3A_8 : vector<512x32xf32>
    %get3A_9 = arith.constant 0 : index
    %get3A_10 = arith.constant 0 : index
    %get3A_11 = arith.constant 0 : index
    %get3A_12 = vector.load %arg1[%get3A_9, %get3A_10, %get3A_11] : memref<2x512x32xf32, #tpu.memory_space<vmem>>, vector<1x512x32xf32>
    %get3A_13 = vector.shape_cast %get3A_12 : vector<1x512x32xf32> to vector<512x32xf32>
    %get3A_14 = arith.constant 1 : index
    %get3A_15 = arith.constant 0 : index
    %get3A_16 = arith.constant 0 : index
    %get3A_17 = vector.load %arg1[%get3A_14, %get3A_15, %get3A_16] : memref<2x512x32xf32, #tpu.memory_space<vmem>>, vector<1x512x32xf32>
    %get3A_18 = vector.shape_cast %get3A_17 : vector<1x512x32xf32> to vector<512x32xf32>
    %add3A_19 = arith.addf %get3A_13, %get3A_18 : vector<512x32xf32>
    %gt3A = arith.constant 0.000000e+00 : f32
    %gt3A_20 = vector.broadcast %gt3A : f32 to vector<512x32xf32>
    %gt3A_21 = arith.cmpf ogt, %add3A_19, %gt3A_20 : vector<512x32xf32>
    %max3A = arith.constant 1.000000e+00 : f32
    %max3A_22 = vector.broadcast %max3A : f32 to vector<512x32xf32>
    %max3A_23 = arith.maximumf %add3A_19, %max3A_22 : vector<512x32xf32>
    %div3A = arith.divf %add3A, %max3A_23 : vector<512x32xf32>
    %jit3A = arith.constant 0.000000e+00 : f32
    %broadcast_in_dim3A = vector.broadcast %jit3A : f32 to vector<512x32xf32>
    %select_n3A = arith.select %gt3A_21, %div3A, %broadcast_in_dim3A : vector<512x32xi1>, vector<512x32xf32>
    %swap3A = arith.constant 0 : index
    %swap3A_24 = arith.constant 0 : index
    %swap3A_25 = vector.load %arg2[%swap3A, %swap3A_24] : memref<512x32xf32, #tpu.memory_space<vmem>>, vector<512x32xf32>
    tpu.vector_store %arg2[%swap3A, %swap3A_24], %select_n3A {strides = array<i32>} : memref<512x32xf32, #tpu.memory_space<vmem>>, vector<512x32xf32>,
    return
  }
}

</mosaic_0001>

<sc_bundles>
// kernel: kernel.10.cloned.1.call-start
scs
__scs_entry_jumppad:
0x0: {  	(pc) =	sbr.rel $0x88, $3  }
0x1: {  	(tag) =	ssettag $0x0;
	lr =	simm.s32 $0x1  }
0x2: {  	[smem:$0x3F9A] =	sst lr;
	_ =	strace $0xD0000000  }
0x3: {  	_ = 	snop  }
0x4: {  	_ = 	snop  }
0x5: {  	_ = 	snop  }
0x6: {  	_ = 	snop  }
0x7: {  	_ = 	snop  }
__scs_overlays_trampoline_lowered:
0x8: {  	[smem:$0x3FA9] =	sst s0  }
0x9: {  	[smem:$0x3FAA] =	sst s1  }
0xa: {  	[smem:$0x3FAB] =	sst s2  }
0xb: {  	[smem:$0x3FAC] =	sst s3  }
0xc: {  	[smem:$0x3FAD] =	sst s4  }
0xd: {  	[smem:$0x3FAE] =	sst s5  }
0xe: {  	[smem:$0x3FAF] =	sst s6  }
0xf: {  	[smem:$0x3FB0] =	sst s7  }
0x10: {  	[smem:$0x3FB1] =	sst s8  }
0x11: {  	[smem:$0x3FB2] =	sst s9;
	s0 =	simm.s32 @!p0 $0x0  }
0x12: {  	s1 =	sld [smem:$0x3F98];
	s0 =	simm.s32 @p0 $0x1  }
0x13: {  	[smem:$0x3FB3] =	sst s0;
	s0 =	simm.s32 @!p1 $0x0  }
0x14: {  	s2 =	sld [smem:$0x3F97];
	s0 =	simm.s32 @p1 $0x1  }
0x15: {  	[smem:$0x3FB4] =	sst s0;
	s0 =	simm.s32 @!p2 $0x0  }
0x16: {  	s3 =	sld [smem:$0x3FDB];
	s0 =	simm.s32 @p2 $0x1  }
0x17: {  	s4 =	simm.s32 $0x1BF5;
	[smem:$0x3FB6] =	sst s0  }
0x18: {  	s0 =	sld [smem:$0x3F99];
	_ =	swait.ge [sflag:s4], $0x0  }
0x19: {  	s7 =	sld [smem:$0x3F9A]  }
0x1a: {  	s8 =	sadd.s32 $0xFFFFE003, lr  }
0x1b: {  	s9 =	sadd.s32 $0xFFFFFEF7, lr;
	s5 =	simm.s32 $0xFFFFFFFF;
	p2 =	slt.u32 s8, $0xFFFFF086  }
0x1c: {  	p1 =	slt.u32 s9, $0xF7A;
	s5 =	simm.s32 @!p2 $0x0  }
0x1d: {  	s5 =	simm.s32 @p1 $0x1;
	p0 =	seq.s32 s7, s2  }
0x1e: {  	s7 =	smul.u32 @!p0 $0xF7A, s2;
	p2 =	seq.s32 @!p0 s5, $0x0  }
0x1f: {  	s9 =	smul.u32 $0xF7A, s1;
	s8 =	simm.s32 @!p0 $0x1BF5;
	p2 =	por !p2, p0  }
0x20: {  	[sflag:s8] =	ssyncset.s32 @!p0 $0xFFFFF086;
	s6 =	sadd.s32 @!p0 s3, s7;
	s7 =	simm.s32 @!p0 $0x108  }
0x21: {  	s3 =	sadd.s32 s3, s9;
	s6 =	sadd.s32 @!p0 $0x88, s6;
	s7 =	simm.s32 @p2 $0x1082  }
0x22: {  	[simem:s7], [sflag:s8] =	dma.local @!p0 [hbm:s6], $0xF7A  }
0x23: {  	s9 =	sor.u32 $0xD0000000, s2;
	s6 =	simm.s32 $0x108;
	_ =	swait.ge @!p0 [sflag:s8], $0x0  }
0x24: {  	s3 =	sadd.s32 $0x88, s3;
	s6 =	simm.s32 @!p1 $0x1082;
	[sflag:s4] =	ssyncset.s32 $0xFFFFF086  }
0x25: {  	[simem:s6], [sflag:s4] =	dma.local [hbm:s3], $0xF7A  }
0x26: {  	[smem:$0x3F9A] =	sst s1;
	(tag) =	ssettag s2;
	_ =	strace s9  }
0x27: {  	s1 =	sld [smem:$0x3FAA]  }
0x28: {  	s2 =	sld [smem:$0x3FAB]  }
0x29: {  	s4 =	sld [smem:$0x3FAD]  }
0x2a: {  	p0 =	seq.s32 s5, $0x0;
	s5 =	sld [smem:$0x3FAE]  }
0x2b: {  	s6 =	sld [smem:$0x3FAF]  }
0x2c: {  	s7 =	sld [smem:$0x3FB0]  }
0x2d: {  	s3 =	simm.s32 $0x108;
	s8 =	sld [smem:$0x3FB1]  }
0x2e: {  	s3 =	simm.s32 @!p0 $0x1082;
	s9 =	sld [smem:$0x3FB2]  }
0x2f: {  	lr =	sadd.s32 s0, s3;
	s0 =	sld [smem:$0x3FA9]  }
0x30: {  	s3 =	sld [smem:$0x3FAC]  }
0x31: {  	[smem:$0x3FB5] =	sst s10  }
0x32: {  	s10 =	sld [smem:$0x3FB3];
	_ =	sdelay $0x3  }
0x33: {  	p0 =	seq.s32 s10, $0x1;
	s10 =	sld [smem:$0x3FB5];
	_ =	sdelay $0x3  }
0x34: {  	[smem:$0x3FB5] =	sst s10  }
0x35: {  	s10 =	sld [smem:$0x3FB4];
	_ =	sdelay $0x3  }
0x36: {  	p1 =	seq.s32 s10, $0x1;
	s10 =	sld [smem:$0x3FB5];
	_ =	sdelay $0x3  }
0x37: {  	[smem:$0x3FB5] =	sst s10  }
0x38: {  	s10 =	sld [smem:$0x3FB6]  }
0x39: {  	_ = 	snop;
	(pc) =	sbr.ind lr, $3  }
0x3a: {  	_ = 	snop  }
0x3b: {  	_ = 	snop  }
0x3c: {  	p2 =	seq.s32 s10, $0x1;
	s10 =	sld [smem:$0x3FB5]  }
0x3d: {  	_ =	shalt  }
0x3e: {  	_ =	shalt  }
0x3f: {  	_ =	shalt  }
0x40: {  	_ =	shalt  }
0x41: {  	_ =	shalt  }
0x42: {  	_ =	shalt  }
0x43: {  	_ =	shalt  }
0x44: {  	_ =	shalt  }
0x45: {  	_ =	shalt  }
0x46: {  	_ =	shalt  }
0x47: {  	_ =	shalt  }
0x48: {  	_ =	shalt  }
0x49: {  	_ =	shalt  }
0x4a: {  	_ =	shalt  }
0x4b: {  	_ =	shalt  }
0x4c: {  	_ =	shalt  }
0x4d: {  	_ =	shalt  }
0x4e: {  	_ =	shalt  }
0x4f: {  	_ =	shalt  }
0x50: {  	_ =	shalt  }
0x51: {  	_ =	shalt  }
0x52: {  	_ =	shalt  }
0x53: {  	_ =	shalt  }
0x54: {  	_ =	shalt  }
0x55: {  	_ =	shalt  }
0x56: {  	_ =	shalt  }
0x57: {  	_ =	shalt  }
0x58: {  	_ =	shalt  }
0x59: {  	_ =	shalt  }
0x5a: {  	_ =	shalt  }
0x5b: {  	_ =	shalt  }
0x5c: {  	_ =	shalt  }
0x5d: {  	_ =	shalt  }
0x5e: {  	_ =	shalt  }
0x5f: {  	_ =	shalt  }
0x60: {  	_ =	shalt  }
0x61: {  	_ =	shalt  }
0x62: {  	_ =	shalt  }
0x63: {  	_ =	shalt  }
0x64: {  	_ =	shalt  }
0x65: {  	_ =	shalt  }
0x66: {  	_ =	shalt  }
0x67: {  	_ =	shalt  }
0x68: {  	_ =	shalt  }
0x69: {  	_ =	shalt  }
0x6a: {  	_ =	shalt  }
0x6b: {  	_ =	shalt  }
0x6c: {  	_ =	shalt  }
0x6d: {  	_ =	shalt  }
0x6e: {  	_ =	shalt  }
0x6f: {  	_ =	shalt  }
0x70: {  	_ =	shalt  }
0x71: {  	_ =	shalt  }
0x72: {  	_ =	shalt  }
0x73: {  	_ =	shalt  }
0x74: {  	_ =	shalt  }
0x75: {  	_ =	shalt  }
0x76: {  	_ =	shalt  }
0x77: {  	_ =	shalt  }
0x78: {  	_ =	shalt  }
0x79: {  	_ =	shalt  }
0x7a: {  	_ =	shalt  }
0x7b: {  	_ =	shalt  }
0x7c: {  	_ =	shalt  }
0x7d: {  	_ =	shalt  }
0x7e: {  	_ =	shalt  }
0x7f: {  	_ =	shalt  }
0x80: {  	_ =	shalt  }
0x81: {  	_ =	shalt  }
0x82: {  	_ =	shalt  }
0x83: {  	_ =	shalt  }
0x84: {  	_ =	shalt  }
0x85: {  	_ =	shalt  }
0x86: {  	_ =	shalt  }
0x87: {  	_ =	shalt  }
.Lfunc_end0:
.L_simem_size_0:
called_computation.2_lowered:
.L_overlay_start_0:
0x88: {  	s2 =	sld [smem:$0x3FD9]  }
0x89: {  	s3 =	sld [smem:$0x3FFE];
	_ =	sdelay $0x1  }
0x8a: {  	s1 =	srdreg.scid  }
0x8b: {  	s0 =	sand.u32 $0x1, s1  }
0x8c: {  	s17 =	sshll.u32 s0, $0xA;
	s2 =	sadd.s32 s3, s2  }
0x8d: {  	s2 =	sadd.s32 s2, s17  }
0x8e: {  	[smem:$0x3FC1] =	sst s2  }
0x8f: {  	_ = 	snop  }
0x90: {  	s2 =	sld [smem:$0x3FD0];
	(tm) =	ssettm $0x1  }
0x91: {  	s18 =	sld [smem:$0x3FFB];
	_ =	sdelay $0x3  }
0x92: {  	_ =	strace s18  }
0x93: {  	s3 =	sld [smem:$0x3FFC];
	_ =	sdelay $0x3  }
0x94: {  	_ =	strace s3  }
0x95: {  	s3 =	sld [smem:$0x3FFD];
	_ =	sdelay $0x3  }
0x96: {  	_ =	strace s3  }
0x97: {  	_ =	strace $0x8FFFFFFF  }
0x98: {  	s19 =	sld [smem:$0x3FDB];
	_ =	sdelay $0x1  }
0x99: {  	s4 =	simm.s32 $_scs_section_size  }
0x9a: {  	s5 =	simm.s32 $_size__tile_overlayer_lowered;
	s6 =	simm.s32 $_tile_overlayer_lowered  }
0x9b: {  	s22 =	simm.s32 $0x1BFF;
	s21 =	sshll.u32 s6, $0x1;
	s3 =	sadd.s32 s4, s19  }
0x9c: {  	s7 =	simm.s32 $0x0;
	s20 =	sshll.u32 s5, $0x1;
	s5 =	sadd.s32 s21, s3  }
0x9d: {  	[timem:s7], [sflag:s22] =	dma.local [hbm:s5], s20  }
0x9e: {  	_ =	swait.ge [sflag:s22], s20  }
0x9f: {  	s4 =	ssub.s32 $0x0, s20;
	[sflag:s22] =	ssyncset.done $0x0  }
0xa0: {  	[sflag:s22] =	ssyncadd.s32 s4;
	_ =	sdelay $0x1  }
0xa1: {  	s23 =	simm.s32 $0x1B8B  }
0xa2: {  	_ =	swait.ge [sflag:s23], $0x1  }
0xa3: {  	[sflag:s23] =	ssyncset.done $0x0  }
0xa4: {  	s25 =	simm.s32 $0x1B8E;
	s24 =	sld [smem:$0x3FFE];
	[sflag:s23] =	ssyncadd.s32 $0xFFFFFFFF  }
0xa5: {  	s26 =	simm.s32 $execute0_lowered;
	[smem:$0x3FD2] =	sst s25  }
0xa6: {  	s5 =	sshll.u32 s26, $0x1;
	_ =	strace $0x8000004C;
	[dreg:$0x1] =	wrdreg $0xFFFFFFFF  }
0xa7: {  	s28 =	simm.s32 $_size_execute0_lowered;
	s3 =	sadd.s32 s3, s5;
	[dreg:$0x0] =	wrdreg $0x0  }
0xa8: {  	s5 =	sshll.u32 s28, $0x1;
	[dreg:$0x2] =	wrdreg s3  }
0xa9: {  	[dreg:$0x3] =	wrdreg s5  }
0xaa: {  	[dreg:$0x4] =	wrdreg $0xC0  }
0xab: {  	_ =	task [dreg:s7], $0x5FFFF  }
0xac: {  	[dreg:$0x1] =	wrdreg $0xFFFFFFFF  }
0xad: {  	[dreg:$0x0] =	wrdreg $0x60  }
0xae: {  	[dreg:$0x2] =	wrdreg s24  }
0xaf: {  	[dreg:$0x3] =	wrdreg s2  }
0xb0: {  	[dreg:$0x4] =	wrdreg $0x98000  }
0xb1: {  	[dreg:$0x5] =	wrdreg $0x9C000  }
0xb2: {  	[dreg:$0x6] =	wrdreg $0x9  }
0xb3: {  	_ =	task.clear_ibuf [dreg:s7], $0x7FFFF;
	_ =	strace $0x9000004C  }
0xb4: {  	s29 =	simm.s32 $0x9;
	_ =	strace $0x8000004E  }
0xb5: {  	_ =	swait.ge [sflag:s29], $0x1  }
0xb6: {  	[sflag:s29] =	ssyncadd.s32 $0xFFFFFFFF  }
0xb7: {  	_ =	strace $0x9000004E  }
0xb8: {  	_ =	sfence  }
0xb9: {  	s30 =	sld [smem:$0x0];
	_ =	sdelay $0x2  }
0xba: {  	s31 =	sshll.u32 s1, $0xD;
	s1 =	sshrl.u32 s1, $0x2  }
0xbb: {  	s3 =	sand.u32 $0x4000, s31;
	s1 =	sadd.s32 s1, s30  }
0xbc: {  	s0 =	sor.u32 s3, s0;
	s1 =	sshll.u32 s1, $0x11  }
0xbd: {  	s0 =	sor.u32 s1, s0  }
0xbe: {  	s0 =	sadd.s32 $0x8F2B, s0  }
0xbf: {  	[sflag:s0] =	ssyncadd.remote.s32 $0x1  }
0xc0: {  	_ =	sfence.sel $0xFFFF  }
0xc1: {  	[dreg:$0x0] =	wrdreg $0xFFFFFFFF;
	(pc) =	sbr.abs _section_cstart, $3  }
0xc2: {  	[dreg:$0x1] =	wrdreg $0xFFFFFFFF  }
0xc3: {  	_ =	task.clear_ibuf [dreg:s7], $0x2FFFF;
	_ =	strace $0x9FFFFFFF  }
0xc4: {  	(tm) =	ssettm $0x7FFFFFFF  }
0xc5: {  	_ =	shalt  }
tec
execute0_lowered:
.L_overlay_start_1:
0x0: {  	(tag) =	ssettag $0x1  }
0x1: {  	s3 =	rddreg [dreg:$0x0]  }
0x2: {  	s26 =	rddreg [dreg:$0x1]  }
0x3: {  	s2 =	rddreg [dreg:$0x2]  }
0x4: {  	s1 =	rddreg [dreg:$0x3];
	s4 =	srdreg.scid  }
0x5: {  	s31 =	rddreg [dreg:$0x4];
	s5 =	stileid.u32  }
0x6: {  	s24 =	simm.s32 $0x0;
	s18 =	simm.s32 $0x400;
	s16 =	simm.s32 $0x100  }
0x7: {  	s21 =	simm.s32 $0x800;
	s17 =	simm.s32 $0x180;
	s20 =	simm.s32 $0x1800  }
0x8: {  	s19 =	simm.s32 $0x200;
	s23 =	simm.s32 $0x280;
	s25 =	simm.s32 $0x300  }
0x9: {  	s30 =	simm.s32 $0x380;
	[smem:$0x7FF] =	sst s24;
	s12 =	sadd.s32 $0x4AA00, s3  }
0xa: {  	s11 =	simm.s32 $0x5800;
	_ =	strace $0x8000004D;
	[dreg:$0x5] =	wrdreg s12  }
0xb: {  	s9 =	simm.s32 $0x6800;
	s28 =	simm.s32 $0x1;
	[dreg:$0xa] =	wrdreg s16  }
0xc: {  	p1 =	por $0x0, $0x0;
	s4 =	sand.u32 $0x1, s4;
	[dreg:$0xb] =	wrdreg s17  }
0xd: {  	s6 =	sshll.u32 s5, $0x8;
	s22 =	sadd.s32 $0x2A00, s3;
	[dreg:$0xc] =	wrdreg s19  }
0xe: {  	p0 =	sne.s32 s5, $0x0;
	s5 =	simm.s32 $0x2;
	[dreg:$0xd] =	wrdreg s23  }
0xf: {  	s7 =	sshll.u32 s4, $0x7;
	s13 =	sshll.u32 s4, $0xB;
	[dreg:$0xe] =	wrdreg s25  }
0x10: {  	s4 =	ssub.s32 $0x2, s4;
	s17 =	simm.s32 $0x2800;
	[dreg:$0xf] =	wrdreg s30  }
0x11: {  	s25 =	simm.s32 $0x480;
	s23 =	simm.s32 $0x500;
	s8 =	sshrl.u32 s4, $0x1  }
0x12: {  	s19 =	simm.s32 $0x580;
	s16 =	simm.s32 $0x600;
	s4 =	ssub.s32 s4, s8  }
0x13: {  	s12 =	simm.s32 $0x700;
	s6 =	sor.u32 s7, s6;
	s10 =	smax.u32 s4, $0x1  }
0x14: {  	s7 =	simm.s32 $0x80;
	s6 =	sadd.s32 s6, s3;
	s8 =	sadd.s32 $0xFFFFFFFF, s10  }
0x15: {  	s3 =	sadd.s32 s13, s3;
	s14 =	sadd.s32 $0xA00, s6;
	p2 =	sne.s32 s8, $0x0  }
.Ltmp0:
0x16: {  	s6 =	sadd.s32 $0x1A00, s6;
	[dreg:$0x6] =	wrdreg s14;
	(pc) =	sbr.rel @!p2 .LBB2_5-.Ltmp0, $4  }
0x17: {  	s13 =	simm.s32 $0x4800;
	s15 =	sadd.s32 $0x4BC00, s3;
	[dreg:$0x7] =	wrdreg s6  }
0x18: {  	s3 =	sadd.s32 $0x4AC00, s3;
	s4 =	sshrl.u32 @!p0 s2, $0x3;
	[dreg:$0x8] =	wrdreg s15  }
0x19: {  	[dreg:$0x9] =	wrdreg s3;
	s3 =	sshrl.u32 @!p0 s1, $0x3;
	s6 =	simm.s32 $0x8800  }
0x1a: {  	s15 =	simm.s32 $0x3800;
	s14 =	simm.s32 $0x680;
	s10 =	simm.s32 $0x780  }
0x1b: {  	s30 =	simm.s32 @!p0 $0x1C02;
	s29 =	simm.s32 @!p0 $0x2  }
0x1c: {  	[spmem:s4], [sflag:s30] =	dma.local @!p0 [hbm:s26], $0x800  }
0x1d: {  	_ =	swait.ge @!p0 [sflag:s29], $0x800  }
0x1e: {  	[sflag:s29] =	ssyncset.done @!p0 $0x0  }
0x1f: {  	[sflag:s29] =	ssyncadd.s32 @!p0 $0xFFFFF800  }
0x20: {  	[spmem:s3], [sflag:s30] =	dma.local @!p0 [hbm:s26], $0x800  }
0x21: {  	_ =	swait.ge @!p0 [sflag:s29], $0x800  }
0x22: {  	[dreg:$0x10] =	wrdreg s8;
	[sflag:s29] =	ssyncset.done @!p0 $0x0  }
0x23: {  	s0 =	rddreg [dreg:$0x5];
	[sflag:s29] =	ssyncadd.s32 @!p0 $0xFFFFF800  }
0x24: {  	[tilespmem:s6], [sflag:$0x2] =	stream.linear.gather [hbm4b:s0+s24], $0x1000, $0x38;
	[tilespmem:$0xA000] =	vst v63  }
0x25: {  	_ =	swait.ge [sflag:s5], $0x1000  }
0x26: {  	[sflag:s5] =	ssyncset.done $0x0  }
0x27: {  	s0 =	rddreg [dreg:$0x6];
	[sflag:s5] =	ssyncadd.s32 $0xFFFFF000  }
0x28: {  	[tilespmem:s24], [sflag:$0x2] =	stream.linear.gather [hbm4b:s0+s24], $0x400, $0x38;
	[tilespmem:$0xA000] =	vst v63  }
0x29: {  	_ =	swait.ge [sflag:s5], $0x400  }
0x2a: {  	[sflag:s5] =	ssyncset.done $0x0  }
0x2b: {  	s0 =	rddreg [dreg:$0x7];
	[sflag:s5] =	ssyncadd.s32 $0xFFFFFC00  }
0x2c: {  	[tilespmem:s18], [sflag:$0x2] =	stream.linear.gather [hbm4b:s0+s24], $0x400, $0x38;
	[tilespmem:$0xA000] =	vst v63  }
0x2d: {  	_ =	swait.ge [sflag:s5], $0x400  }
0x2e: {  	[sflag:s5] =	ssyncset.done $0x0  }
0x2f: {  	[sflag:s5] =	ssyncadd.s32 $0xFFFFFC00  }
0x30: {  	[bflag:$0x0] =	sbarrier.arrive $0xFFFF  }
0x31: {  	[tilespmem:s21], [sflag:$0x1] =	stream.indirect.gather [hbm4b:s22+s7], $0x20, s24, s7, $0xb8;
	[tilespmem:$0xA000] =	vst v63  }
0x32: {  	_ = 	snop  }
0x33: {  	[tilespmem:s20], [sflag:$0x1] =	stream.indirect.gather [hbm4b:s22+s7], $0x20, s7, s7, $0xb8;
	[tilespmem:$0xA000] =	vst v63  }
0x34: {  	s0 =	rddreg [dreg:$0xa]  }
0x35: {  	[tilespmem:s17], [sflag:$0x1] =	stream.indirect.gather [hbm4b:s22+s7], $0x20, s0, s7, $0xb8;
	[tilespmem:$0xA000] =	vst v63  }
0x36: {  	s31 =	rddreg [dreg:$0xb]  }
0x37: {  	[tilespmem:s15], [sflag:$0x1] =	stream.indirect.gather [hbm4b:s22+s7], $0x20, s31, s7, $0xb8;
	[tilespmem:$0xA000] =	vst v63  }
0x38: {  	s0 =	rddreg [dreg:$0xc]  }
0x39: {  	[tilespmem:s13], [sflag:$0x1] =	stream.indirect.gather [hbm4b:s22+s7], $0x20, s0, s7, $0xb8;
	[tilespmem:$0xA000] =	vst v63  }
0x3a: {  	s31 =	rddreg [dreg:$0xd]  }
0x3b: {  	[tilespmem:s11], [sflag:$0x1] =	stream.indirect.gather [hbm4b:s22+s7], $0x20, s31, s7, $0xb8;
	[tilespmem:$0xA000] =	vst v63  }
0x3c: {  	s0 =	rddreg [dreg:$0xe]  }
0x3d: {  	[tilespmem:s9], [sflag:$0x1] =	stream.indirect.gather [hbm4b:s22+s7], $0x20, s0, s7, $0xb8;
	[tilespmem:$0xA000] =	vst v63  }
0x3e: {  	s8 =	simm.s32 $0x7800;
	s31 =	rddreg [dreg:$0xf]  }
0x3f: {  	[tilespmem:s8], [sflag:$0x1] =	stream.indirect.gather [hbm4b:s22+s7], $0x20, s31, s7, $0xb8;
	[tilespmem:$0xA000] =	vst v63  }
0x40: {  	_ =	swait.ge [sflag:s28], $0x1000  }
0x41: {  	[sflag:s28] =	ssyncset.done $0x0  }
0x42: {  	[sflag:s28] =	ssyncadd.s32 $0xFFFFF000  }
0x43: {  	_ =	swait.ge [sflag:s28], $0x1000  }
0x44: {  	[sflag:s28] =	ssyncset.done $0x0  }
0x45: {  	[sflag:s28] =	ssyncadd.s32 $0xFFFFF000  }
0x46: {  	_ =	swait.ge [sflag:s28], $0x1000  }
0x47: {  	[sflag:s28] =	ssyncset.done $0x0  }
0x48: {  	[sflag:s28] =	ssyncadd.s32 $0xFFFFF000  }
0x49: {  	_ =	swait.ge [sflag:s28], $0x1000  }
0x4a: {  	[sflag:s28] =	ssyncset.done $0x0  }
0x4b: {  	[sflag:s28] =	ssyncadd.s32 $0xFFFFF000  }
0x4c: {  	_ =	swait.ge [sflag:s28], $0x1000  }
0x4d: {  	[sflag:s28] =	ssyncset.done $0x0  }
0x4e: {  	[sflag:s28] =	ssyncadd.s32 $0xFFFFF000  }
0x4f: {  	_ =	swait.ge [sflag:s28], $0x1000  }
0x50: {  	[sflag:s28] =	ssyncset.done $0x0  }
0x51: {  	[sflag:s28] =	ssyncadd.s32 $0xFFFFF000  }
0x52: {  	_ =	swait.ge [sflag:s28], $0x1000  }
0x53: {  	[sflag:s28] =	ssyncset.done $0x0  }
0x54: {  	[sflag:s28] =	ssyncadd.s32 $0xFFFFF000  }
0x55: {  	_ =	swait.ge [sflag:s28], $0x1000  }
0x56: {  	[sflag:s28] =	ssyncset.done $0x0  }
0x57: {  	[sflag:s28] =	ssyncadd.s32 $0xFFFFF000  }
0x58: {  	[spmem:s2] =	stream.indirect.scatter.add.f32 [tilespmem:s21], [sflag:$0x2], $0x20, s18, s7, $0xb8;
	[tilespmem:$0xA000] =	vst v63  }
0x59: {  	_ =	swait.ge [sflag:s5], $0x1000  }
0x5a: {  	[sflag:s5] =	ssyncset.done $0x0  }
0x5b: {  	[sflag:s5] =	ssyncadd.s32 $0xFFFFF000  }
0x5c: {  	[spmem:s1] =	stream.indirect.scatter.add.f32 [tilespmem:s6], [sflag:$0x2], $0x20, s18, s7, $0xb8;
	[tilespmem:$0xA000] =	vst v63  }
0x5d: {  	_ =	swait.ge [sflag:s5], $0x1000  }
0x5e: {  	[sflag:s5] =	ssyncset.done $0x0  }
0x5f: {  	[sflag:s5] =	ssyncadd.s32 $0xFFFFF000  }
0x60: {  	[spmem:s2] =	stream.indirect.scatter.add.f32 [tilespmem:s20], [sflag:$0x2], $0x20, s25, s7, $0xb8;
	[tilespmem:$0xA000] =	vst v63  }
0x61: {  	_ =	swait.ge [sflag:s5], $0x1000  }
0x62: {  	[sflag:s5] =	ssyncset.done $0x0  }
0x63: {  	[sflag:s5] =	ssyncadd.s32 $0xFFFFF000  }
0x64: {  	[spmem:s1] =	stream.indirect.scatter.add.f32 [tilespmem:s6], [sflag:$0x2], $0x20, s25, s7, $0xb8;
	[tilespmem:$0xA000] =	vst v63  }
0x65: {  	_ =	swait.ge [sflag:s5], $0x1000  }
0x66: {  	[sflag:s5] =	ssyncset.done $0x0  }
0x67: {  	[sflag:s5] =	ssyncadd.s32 $0xFFFFF000  }
0x68: {  	[spmem:s2] =	stream.indirect.scatter.add.f32 [tilespmem:s17], [sflag:$0x2], $0x20, s23, s7, $0xb8;
	[tilespmem:$0xA000] =	vst v63  }
0x69: {  	_ =	swait.ge [sflag:s5], $0x1000  }
0x6a: {  	[sflag:s5] =	ssyncset.done $0x0  }
0x6b: {  	[sflag:s5] =	ssyncadd.s32 $0xFFFFF000  }
0x6c: {  	[spmem:s1] =	stream.indirect.scatter.add.f32 [tilespmem:s6], [sflag:$0x2], $0x20, s23, s7, $0xb8;
	[tilespmem:$0xA000] =	vst v63  }
0x6d: {  	_ =	swait.ge [sflag:s5], $0x1000  }
0x6e: {  	[sflag:s5] =	ssyncset.done $0x0  }
0x6f: {  	[sflag:s5] =	ssyncadd.s32 $0xFFFFF000  }
0x70: {  	[spmem:s2] =	stream.indirect.scatter.add.f32 [tilespmem:s15], [sflag:$0x2], $0x20, s19, s7, $0xb8;
	[tilespmem:$0xA000] =	vst v63  }
0x71: {  	_ =	swait.ge [sflag:s5], $0x1000  }
0x72: {  	[sflag:s5] =	ssyncset.done $0x0  }
0x73: {  	[sflag:s5] =	ssyncadd.s32 $0xFFFFF000  }
0x74: {  	[spmem:s1] =	stream.indirect.scatter.add.f32 [tilespmem:s6], [sflag:$0x2], $0x20, s19, s7, $0xb8;
	[tilespmem:$0xA000] =	vst v63  }
0x75: {  	_ =	swait.ge [sflag:s5], $0x1000  }
0x76: {  	[sflag:s5] =	ssyncset.done $0x0  }
0x77: {  	[sflag:s5] =	ssyncadd.s32 $0xFFFFF000  }
0x78: {  	[spmem:s2] =	stream.indirect.scatter.add.f32 [tilespmem:s13], [sflag:$0x2], $0x20, s16, s7, $0xb8;
	[tilespmem:$0xA000] =	vst v63  }
0x79: {  	_ =	swait.ge [sflag:s5], $0x1000  }
0x7a: {  	[sflag:s5] =	ssyncset.done $0x0  }
0x7b: {  	[sflag:s5] =	ssyncadd.s32 $0xFFFFF000  }
0x7c: {  	[spmem:s1] =	stream.indirect.scatter.add.f32 [tilespmem:s6], [sflag:$0x2], $0x20, s16, s7, $0xb8;
	[tilespmem:$0xA000] =	vst v63  }
0x7d: {  	_ =	swait.ge [sflag:s5], $0x1000  }
0x7e: {  	[sflag:s5] =	ssyncset.done $0x0  }
0x7f: {  	[sflag:s5] =	ssyncadd.s32 $0xFFFFF000  }
0x80: {  	[spmem:s2] =	stream.indirect.scatter.add.f32 [tilespmem:s11], [sflag:$0x2], $0x20, s14, s7, $0xb8;
	[tilespmem:$0xA000] =	vst v63  }
0x81: {  	_ =	swait.ge [sflag:s5], $0x1000  }
0x82: {  	[sflag:s5] =	ssyncset.done $0x0  }
0x83: {  	[sflag:s5] =	ssyncadd.s32 $0xFFFFF000  }
0x84: {  	[spmem:s1] =	stream.indirect.scatter.add.f32 [tilespmem:s6], [sflag:$0x2], $0x20, s14, s7, $0xb8;
	[tilespmem:$0xA000] =	vst v63  }
0x85: {  	_ =	swait.ge [sflag:s5], $0x1000  }
0x86: {  	[sflag:s5] =	ssyncset.done $0x0  }
0x87: {  	[sflag:s5] =	ssyncadd.s32 $0xFFFFF000  }
0x88: {  	[spmem:s2] =	stream.indirect.scatter.add.f32 [tilespmem:s9], [sflag:$0x2], $0x20, s12, s7, $0xb8;
	[tilespmem:$0xA000] =	vst v63  }
0x89: {  	_ =	swait.ge [sflag:s5], $0x1000  }
0x8a: {  	[sflag:s5] =	ssyncset.done $0x0  }
0x8b: {  	[sflag:s5] =	ssyncadd.s32 $0xFFFFF000  }
0x8c: {  	[spmem:s1] =	stream.indirect.scatter.add.f32 [tilespmem:s6], [sflag:$0x2], $0x20, s12, s7, $0xb8;
	[tilespmem:$0xA000] =	vst v63  }
0x8d: {  	_ =	swait.ge [sflag:s5], $0x1000  }
0x8e: {  	[sflag:s5] =	ssyncset.done $0x0  }
0x8f: {  	s8 =	simm.s32 $0x7800;
	[sflag:s5] =	ssyncadd.s32 $0xFFFFF000  }
0x90: {  	[spmem:s2] =	stream.indirect.scatter.add.f32 [tilespmem:s8], [sflag:$0x2], $0x20, s10, s7, $0xb8;
	[tilespmem:$0xA000] =	vst v63  }
0x91: {  	_ =	swait.ge [sflag:s5], $0x1000  }
0x92: {  	[sflag:s5] =	ssyncset.done $0x0  }
0x93: {  	[sflag:s5] =	ssyncadd.s32 $0xFFFFF000  }
0x94: {  	[spmem:s1] =	stream.indirect.scatter.add.f32 [tilespmem:s6], [sflag:$0x2], $0x20, s10, s7, $0xb8;
	[tilespmem:$0xA000] =	vst v63  }
0x95: {  	_ =	swait.ge [sflag:s5], $0x1000  }
0x96: {  	[sflag:s5] =	ssyncset.done $0x0  }
0x97: {  	[sflag:s5] =	ssyncadd.s32 $0xFFFFF000  }
0x98: {  	[bflag:$0x0] =	sbarrier.arrive $0xFFFF  }
0x99: {  	s0 =	rddreg [dreg:$0x8]  }
0x9a: {  	[hbm:s0], [sflag:s30] =	dma.local @!p0 [spmem:s4], $0x800  }
0x9b: {  	_ =	swait.ge @!p0 [sflag:s29], $0x800  }
0x9c: {  	[sflag:s29] =	ssyncset.done @!p0 $0x0  }
0x9d: {  	s0 =	rddreg [dreg:$0x9];
	[sflag:s29] =	ssyncadd.s32 @!p0 $0xFFFFF800  }
0x9e: {  	[hbm:s0], [sflag:s30] =	dma.local @!p0 [spmem:s3], $0x800  }
0x9f: {  	s0 =	rddreg [dreg:$0x10]  }
0xa0: {  	s31 =	sadd.s32 $0xFFFFFFFF, s0  }
0xa1: {  	p2 =	sne.s32 s31, $0x0  }
.Ltmp1:
0xa2: {  	_ = 	snop;
	(pc) =	sbr.rel @!p2 .LBB2_2-.Ltmp1, $3  }
0xa3: {  	_ =	sdelay $0x1  }
0xa4: {  	_ =	swait.ge @!p0 [sflag:s29], $0x800  }
0xa5: {  	p1 =	por $0x1, $0x1;
	[sflag:s29] =	ssyncset.done @!p0 $0x0  }
.LBB2_3:
0xa6: {  	[sflag:s29] =	ssyncadd.s32 @!p0 $0xFFFFF800  }
0xa7: {  	[spmem:s4], [sflag:s30] =	dma.local @!p0 [hbm:s26], $0x800  }
0xa8: {  	_ =	swait.ge @!p0 [sflag:s29], $0x800  }
0xa9: {  	[sflag:s29] =	ssyncset.done @!p0 $0x0  }
0xaa: {  	[sflag:s29] =	ssyncadd.s32 @!p0 $0xFFFFF800  }
0xab: {  	[spmem:s3], [sflag:s30] =	dma.local @!p0 [hbm:s26], $0x800  }
0xac: {  	_ =	swait.ge @!p0 [sflag:s29], $0x800  }
0xad: {  	[sflag:s29] =	ssyncset.done @!p0 $0x0  }
0xae: {  	s0 =	rddreg [dreg:$0x5];
	[sflag:s29] =	ssyncadd.s32 @!p0 $0xFFFFF800  }
0xaf: {  	[tilespmem:s6], [sflag:$0x2] =	stream.linear.gather [hbm4b:s0+s24], $0x1000, $0x38;
	[tilespmem:$0xA000] =	vst v63  }
0xb0: {  	_ =	swait.ge [sflag:s5], $0x1000  }
0xb1: {  	[sflag:s5] =	ssyncset.done $0x0  }
0xb2: {  	s9 =	rddreg [dreg:$0x6];
	[sflag:s5] =	ssyncadd.s32 $0xFFFFF000  }
0xb3: {  	[tilespmem:s24], [sflag:$0x2] =	stream.linear.gather [hbm4b:s9+s24], $0x400, $0x38;
	[tilespmem:$0xA000] =	vst v63  }
0xb4: {  	_ =	swait.ge [sflag:s5], $0x400  }
0xb5: {  	[sflag:s5] =	ssyncset.done $0x0  }
0xb6: {  	s10 =	rddreg [dreg:$0x7];
	[sflag:s5] =	ssyncadd.s32 $0xFFFFFC00  }
0xb7: {  	[tilespmem:s18], [sflag:$0x2] =	stream.linear.gather [hbm4b:s10+s24], $0x400, $0x38;
	[tilespmem:$0xA000] =	vst v63  }
0xb8: {  	_ =	swait.ge [sflag:s5], $0x400  }
0xb9: {  	[sflag:s5] =	ssyncset.done $0x0  }
0xba: {  	[sflag:s5] =	ssyncadd.s32 $0xFFFFFC00  }
0xbb: {  	[bflag:$0x0] =	sbarrier.arrive $0xFFFF  }
0xbc: {  	[tilespmem:s21], [sflag:$0x1] =	stream.indirect.gather [hbm4b:s22+s7], $0x20, s24, s7, $0xb8;
	[tilespmem:$0xA000] =	vst v63  }
0xbd: {  	_ = 	snop  }
0xbe: {  	[tilespmem:s20], [sflag:$0x1] =	stream.indirect.gather [hbm4b:s22+s7], $0x20, s7, s7, $0xb8;
	[tilespmem:$0xA000] =	vst v63  }
0xbf: {  	s0 =	rddreg [dreg:$0xa]  }
0xc0: {  	[tilespmem:s17], [sflag:$0x1] =	stream.indirect.gather [hbm4b:s22+s7], $0x20, s0, s7, $0xb8;
	[tilespmem:$0xA000] =	vst v63  }
0xc1: {  	s8 =	rddreg [dreg:$0xb]  }
0xc2: {  	[tilespmem:s15], [sflag:$0x1] =	stream.indirect.gather [hbm4b:s22+s7], $0x20, s8, s7, $0xb8;
	[tilespmem:$0xA000] =	vst v63  }
0xc3: {  	s0 =	rddreg [dreg:$0xc]  }
0xc4: {  	[tilespmem:s13], [sflag:$0x1] =	stream.indirect.gather [hbm4b:s22+s7], $0x20, s0, s7, $0xb8;
	[tilespmem:$0xA000] =	vst v63  }
0xc5: {  	s8 =	rddreg [dreg:$0xd]  }
0xc6: {  	[tilespmem:s11], [sflag:$0x1] =	stream.indirect.gather [hbm4b:s22+s7], $0x20, s8, s7, $0xb8;
	[tilespmem:$0xA000] =	vst v63  }
0xc7: {  	s10 =	simm.s32 $0x6800;
	s0 =	rddreg [dreg:$0xe]  }
0xc8: {  	[tilespmem:s10], [sflag:$0x1] =	stream.indirect.gather [hbm4b:s22+s7], $0x20, s0, s7, $0xb8;
	[tilespmem:$0xA000] =	vst v63  }
0xc9: {  	s9 =	simm.s32 $0x7800;
	s8 =	rddreg [dreg:$0xf]  }
0xca: {  	[tilespmem:s9], [sflag:$0x1] =	stream.indirect.gather [hbm4b:s22+s7], $0x20, s8, s7, $0xb8;
	[tilespmem:$0xA000] =	vst v63  }
0xcb: {  	_ =	swait.ge [sflag:s28], $0x1000  }
0xcc: {  	[sflag:s28] =	ssyncset.done $0x0  }
0xcd: {  	[sflag:s28] =	ssyncadd.s32 $0xFFFFF000  }
0xce: {  	_ =	swait.ge [sflag:s28], $0x1000  }
0xcf: {  	[sflag:s28] =	ssyncset.done $0x0  }
0xd0: {  	[sflag:s28] =	ssyncadd.s32 $0xFFFFF000  }
0xd1: {  	_ =	swait.ge [sflag:s28], $0x1000  }
0xd2: {  	[sflag:s28] =	ssyncset.done $0x0  }
0xd3: {  	[sflag:s28] =	ssyncadd.s32 $0xFFFFF000  }
0xd4: {  	_ =	swait.ge [sflag:s28], $0x1000  }
0xd5: {  	[sflag:s28] =	ssyncset.done $0x0  }
0xd6: {  	[sflag:s28] =	ssyncadd.s32 $0xFFFFF000  }
0xd7: {  	_ =	swait.ge [sflag:s28], $0x1000  }
0xd8: {  	[sflag:s28] =	ssyncset.done $0x0  }
0xd9: {  	[sflag:s28] =	ssyncadd.s32 $0xFFFFF000  }
0xda: {  	_ =	swait.ge [sflag:s28], $0x1000  }
0xdb: {  	[sflag:s28] =	ssyncset.done $0x0  }
0xdc: {  	[sflag:s28] =	ssyncadd.s32 $0xFFFFF000  }
0xdd: {  	_ =	swait.ge [sflag:s28], $0x1000  }
0xde: {  	[sflag:s28] =	ssyncset.done $0x0  }
0xdf: {  	[sflag:s28] =	ssyncadd.s32 $0xFFFFF000  }
0xe0: {  	_ =	swait.ge [sflag:s28], $0x1000  }
0xe1: {  	[sflag:s28] =	ssyncset.done $0x0  }
0xe2: {  	[sflag:s28] =	ssyncadd.s32 $0xFFFFF000  }
0xe3: {  	[spmem:s2] =	stream.indirect.scatter.add.f32 [tilespmem:s21], [sflag:$0x2], $0x20, s18, s7, $0xb8;
	[tilespmem:$0xA000] =	vst v63  }
0xe4: {  	_ =	swait.ge [sflag:s5], $0x1000  }
0xe5: {  	[sflag:s5] =	ssyncset.done $0x0  }
0xe6: {  	[sflag:s5] =	ssyncadd.s32 $0xFFFFF000  }
0xe7: {  	[spmem:s1] =	stream.indirect.scatter.add.f32 [tilespmem:s6], [sflag:$0x2], $0x20, s18, s7, $0xb8;
	[tilespmem:$0xA000] =	vst v63  }
0xe8: {  	_ =	swait.ge [sflag:s5], $0x1000  }
0xe9: {  	[sflag:s5] =	ssyncset.done $0x0  }
0xea: {  	[sflag:s5] =	ssyncadd.s32 $0xFFFFF000  }
0xeb: {  	[spmem:s2] =	stream.indirect.scatter.add.f32 [tilespmem:s20], [sflag:$0x2], $0x20, s25, s7, $0xb8;
	[tilespmem:$0xA000] =	vst v63  }
0xec: {  	_ =	swait.ge [sflag:s5], $0x1000  }
0xed: {  	[sflag:s5] =	ssyncset.done $0x0  }
0xee: {  	[sflag:s5] =	ssyncadd.s32 $0xFFFFF000  }
0xef: {  	[spmem:s1] =	stream.indirect.scatter.add.f32 [tilespmem:s6], [sflag:$0x2], $0x20, s25, s7, $0xb8;
	[tilespmem:$0xA000] =	vst v63  }
0xf0: {  	_ =	swait.ge [sflag:s5], $0x1000  }
0xf1: {  	[sflag:s5] =	ssyncset.done $0x0  }
0xf2: {  	[sflag:s5] =	ssyncadd.s32 $0xFFFFF000  }
0xf3: {  	[spmem:s2] =	stream.indirect.scatter.add.f32 [tilespmem:s17], [sflag:$0x2], $0x20, s23, s7, $0xb8;
	[tilespmem:$0xA000] =	vst v63  }
0xf4: {  	_ =	swait.ge [sflag:s5], $0x1000  }
0xf5: {  	[sflag:s5] =	ssyncset.done $0x0  }
0xf6: {  	[sflag:s5] =	ssyncadd.s32 $0xFFFFF000  }
0xf7: {  	[spmem:s1] =	stream.indirect.scatter.add.f32 [tilespmem:s6], [sflag:$0x2], $0x20, s23, s7, $0xb8;
	[tilespmem:$0xA000] =	vst v63  }
0xf8: {  	_ =	swait.ge [sflag:s5], $0x1000  }
0xf9: {  	[sflag:s5] =	ssyncset.done $0x0  }
0xfa: {  	[sflag:s5] =	ssyncadd.s32 $0xFFFFF000  }
0xfb: {  	[spmem:s2] =	stream.indirect.scatter.add.f32 [tilespmem:s15], [sflag:$0x2], $0x20, s19, s7, $0xb8;
	[tilespmem:$0xA000] =	vst v63  }
0xfc: {  	_ =	swait.ge [sflag:s5], $0x1000  }
0xfd: {  	[sflag:s5] =	ssyncset.done $0x0  }
0xfe: {  	[sflag:s5] =	ssyncadd.s32 $0xFFFFF000  }
0xff: {  	[spmem:s1] =	stream.indirect.scatter.add.f32 [tilespmem:s6], [sflag:$0x2], $0x20, s19, s7, $0xb8;
	[tilespmem:$0xA000] =	vst v63  }
0x100: {  	_ =	swait.ge [sflag:s5], $0x1000  }
0x101: {  	[sflag:s5] =	ssyncset.done $0x0  }
0x102: {  	[sflag:s5] =	ssyncadd.s32 $0xFFFFF000  }
0x103: {  	[spmem:s2] =	stream.indirect.scatter.add.f32 [tilespmem:s13], [sflag:$0x2], $0x20, s16, s7, $0xb8;
	[tilespmem:$0xA000] =	vst v63  }
0x104: {  	_ =	swait.ge [sflag:s5], $0x1000  }
0x105: {  	[sflag:s5] =	ssyncset.done $0x0  }
0x106: {  	[sflag:s5] =	ssyncadd.s32 $0xFFFFF000  }
0x107: {  	[spmem:s1] =	stream.indirect.scatter.add.f32 [tilespmem:s6], [sflag:$0x2], $0x20, s16, s7, $0xb8;
	[tilespmem:$0xA000] =	vst v63  }
0x108: {  	_ =	swait.ge [sflag:s5], $0x1000  }
0x109: {  	[sflag:s5] =	ssyncset.done $0x0  }
0x10a: {  	[sflag:s5] =	ssyncadd.s32 $0xFFFFF000  }
0x10b: {  	[spmem:s2] =	stream.indirect.scatter.add.f32 [tilespmem:s11], [sflag:$0x2], $0x20, s14, s7, $0xb8;
	[tilespmem:$0xA000] =	vst v63  }
0x10c: {  	_ =	swait.ge [sflag:s5], $0x1000  }
0x10d: {  	[sflag:s5] =	ssyncset.done $0x0  }
0x10e: {  	[sflag:s5] =	ssyncadd.s32 $0xFFFFF000  }
0x10f: {  	[spmem:s1] =	stream.indirect.scatter.add.f32 [tilespmem:s6], [sflag:$0x2], $0x20, s14, s7, $0xb8;
	[tilespmem:$0xA000] =	vst v63  }
0x110: {  	_ =	swait.ge [sflag:s5], $0x1000  }
0x111: {  	[sflag:s5] =	ssyncset.done $0x0  }
0x112: {  	s9 =	simm.s32 $0x6800;
	[sflag:s5] =	ssyncadd.s32 $0xFFFFF000  }
0x113: {  	[spmem:s2] =	stream.indirect.scatter.add.f32 [tilespmem:s9], [sflag:$0x2], $0x20, s12, s7, $0xb8;
	[tilespmem:$0xA000] =	vst v63  }
0x114: {  	_ =	swait.ge [sflag:s5], $0x1000  }
0x115: {  	[sflag:s5] =	ssyncset.done $0x0  }
0x116: {  	[sflag:s5] =	ssyncadd.s32 $0xFFFFF000  }
0x117: {  	[spmem:s1] =	stream.indirect.scatter.add.f32 [tilespmem:s6], [sflag:$0x2], $0x20, s12, s7, $0xb8;
	[tilespmem:$0xA000] =	vst v63  }
0x118: {  	_ =	swait.ge [sflag:s5], $0x1000  }
0x119: {  	[sflag:s5] =	ssyncset.done $0x0  }
0x11a: {  	s10 =	simm.s32 $0x780;
	s8 =	simm.s32 $0x7800;
	[sflag:s5] =	ssyncadd.s32 $0xFFFFF000  }
0x11b: {  	[spmem:s2] =	stream.indirect.scatter.add.f32 [tilespmem:s8], [sflag:$0x2], $0x20, s10, s7, $0xb8;
	[tilespmem:$0xA000] =	vst v63  }
0x11c: {  	_ =	swait.ge [sflag:s5], $0x1000  }
0x11d: {  	[sflag:s5] =	ssyncset.done $0x0  }
0x11e: {  	[sflag:s5] =	ssyncadd.s32 $0xFFFFF000  }
0x11f: {  	[spmem:s1] =	stream.indirect.scatter.add.f32 [tilespmem:s6], [sflag:$0x2], $0x20, s10, s7, $0xb8;
	[tilespmem:$0xA000] =	vst v63  }
0x120: {  	_ =	swait.ge [sflag:s5], $0x1000  }
0x121: {  	[sflag:s5] =	ssyncset.done $0x0  }
0x122: {  	[sflag:s5] =	ssyncadd.s32 $0xFFFFF000  }
0x123: {  	[bflag:$0x0] =	sbarrier.arrive $0xFFFF  }
0x124: {  	s31 =	sadd.s32 $0xFFFFFFFF, s31;
	s0 =	rddreg [dreg:$0x8]  }
0x125: {  	[hbm:s0], [sflag:s30] =	dma.local @!p0 [spmem:s4], $0x800  }
0x126: {  	p2 =	sne.s32 s31, $0x0;
	_ =	swait.ge @!p0 [sflag:s29], $0x800  }
.Ltmp2:
0x127: {  	[sflag:s29] =	ssyncset.done @!p0 $0x0;
	(pc) =	sbr.rel @p2 .LBB2_3-.Ltmp2, $4  }
0x128: {  	s0 =	rddreg [dreg:$0x9];
	[sflag:s29] =	ssyncadd.s32 @!p0 $0xFFFFF800  }
0x129: {  	[hbm:s0], [sflag:s30] =	dma.local @!p0 [spmem:s3], $0x800  }
0x12a: {  	_ =	swait.ge @!p0 [sflag:s29], $0x800  }
0x12b: {  	[sflag:s29] =	ssyncset.done @!p0 $0x0  }
0x12c: {  	s31 =	rddreg [dreg:$0x4]  }
.LBB2_5:
0x12d: {  	p1 =	por p0, !p1  }
0x12e: {  	s30 =	simm.s32 @!p0 $0x1C02;
	[sflag:s29] =	ssyncadd.s32 @!p1 $0xFFFFF800;
	s29 =	simm.s32 @!p0 $0x2  }
0x12f: {  	[spmem:s4], [sflag:s30] =	dma.local @!p0 [hbm:s26], $0x800  }
0x130: {  	_ =	swait.ge @!p0 [sflag:s29], $0x800  }
0x131: {  	[sflag:s29] =	ssyncset.done @!p0 $0x0  }
0x132: {  	[sflag:s29] =	ssyncadd.s32 @!p0 $0xFFFFF800  }
0x133: {  	[spmem:s3], [sflag:s30] =	dma.local @!p0 [hbm:s26], $0x800  }
0x134: {  	_ =	swait.ge @!p0 [sflag:s29], $0x800  }
0x135: {  	[sflag:s29] =	ssyncset.done @!p0 $0x0  }
0x136: {  	s0 =	rddreg [dreg:$0x5];
	[sflag:s29] =	ssyncadd.s32 @!p0 $0xFFFFF800  }
0x137: {  	[tilespmem:s6], [sflag:$0x2] =	stream.linear.gather [hbm4b:s0+s24], $0x1000, $0x38;
	[tilespmem:$0xA000] =	vst v63  }
0x138: {  	_ =	swait.ge [sflag:s5], $0x1000  }
0x139: {  	[sflag:s5] =	ssyncset.done $0x0  }
0x13a: {  	s26 =	rddreg [dreg:$0x6];
	[sflag:s5] =	ssyncadd.s32 $0xFFFFF000  }
0x13b: {  	[tilespmem:s24], [sflag:$0x2] =	stream.linear.gather [hbm4b:s26+s24], $0x400, $0x38;
	[tilespmem:$0xA000] =	vst v63  }
0x13c: {  	_ =	swait.ge [sflag:s5], $0x400  }
0x13d: {  	[sflag:s5] =	ssyncset.done $0x0  }
0x13e: {  	s8 =	rddreg [dreg:$0x7];
	[sflag:s5] =	ssyncadd.s32 $0xFFFFFC00  }
0x13f: {  	[tilespmem:s18], [sflag:$0x2] =	stream.linear.gather [hbm4b:s8+s24], $0x400, $0x38;
	[tilespmem:$0xA000] =	vst v63  }
0x140: {  	_ =	swait.ge [sflag:s5], $0x400  }
0x141: {  	[sflag:s5] =	ssyncset.done $0x0  }
0x142: {  	[sflag:s5] =	ssyncadd.s32 $0xFFFFFC00  }
0x143: {  	[bflag:$0x0] =	sbarrier.arrive $0xFFFF  }
0x144: {  	[tilespmem:s21], [sflag:$0x1] =	stream.indirect.gather [hbm4b:s22+s7], $0x20, s24, s7, $0xb8;
	[tilespmem:$0xA000] =	vst v63  }
0x145: {  	_ = 	snop  }
0x146: {  	[tilespmem:s20], [sflag:$0x1] =	stream.indirect.gather [hbm4b:s22+s7], $0x20, s7, s7, $0xb8;
	[tilespmem:$0xA000] =	vst v63  }
0x147: {  	s26 =	rddreg [dreg:$0xa]  }
0x148: {  	[tilespmem:s17], [sflag:$0x1] =	stream.indirect.gather [hbm4b:s22+s7], $0x20, s26, s7, $0xb8;
	[tilespmem:$0xA000] =	vst v63  }
0x149: {  	s8 =	rddreg [dreg:$0xb]  }
0x14a: {  	[tilespmem:s15], [sflag:$0x1] =	stream.indirect.gather [hbm4b:s22+s7], $0x20, s8, s7, $0xb8;
	[tilespmem:$0xA000] =	vst v63  }
0x14b: {  	s0 =	rddreg [dreg:$0xc]  }
0x14c: {  	[tilespmem:s13], [sflag:$0x1] =	stream.indirect.gather [hbm4b:s22+s7], $0x20, s0, s7, $0xb8;
	[tilespmem:$0xA000] =	vst v63  }
0x14d: {  	s26 =	rddreg [dreg:$0xd]  }
0x14e: {  	[tilespmem:s11], [sflag:$0x1] =	stream.indirect.gather [hbm4b:s22+s7], $0x20, s26, s7, $0xb8;
	[tilespmem:$0xA000] =	vst v63  }
0x14f: {  	s0 =	rddreg [dreg:$0xe]  }
0x150: {  	[tilespmem:s9], [sflag:$0x1] =	stream.indirect.gather [hbm4b:s22+s7], $0x20, s0, s7, $0xb8;
	[tilespmem:$0xA000] =	vst v63  }
0x151: {  	s24 =	simm.s32 $0x7800;
	s26 =	rddreg [dreg:$0xf]  }
0x152: {  	[tilespmem:s24], [sflag:$0x1] =	stream.indirect.gather [hbm4b:s22+s7], $0x20, s26, s7, $0xb8;
	[tilespmem:$0xA000] =	vst v63  }
0x153: {  	_ =	swait.ge [sflag:s28], $0x1000  }
0x154: {  	[sflag:s28] =	ssyncset.done $0x0  }
0x155: {  	[sflag:s28] =	ssyncadd.s32 $0xFFFFF000  }
0x156: {  	_ =	swait.ge [sflag:s28], $0x1000  }
0x157: {  	[sflag:s28] =	ssyncset.done $0x0  }
0x158: {  	[sflag:s28] =	ssyncadd.s32 $0xFFFFF000  }
0x159: {  	_ =	swait.ge [sflag:s28], $0x1000  }
0x15a: {  	[sflag:s28] =	ssyncset.done $0x0  }
0x15b: {  	[sflag:s28] =	ssyncadd.s32 $0xFFFFF000  }
0x15c: {  	_ =	swait.ge [sflag:s28], $0x1000  }
0x15d: {  	[sflag:s28] =	ssyncset.done $0x0  }
0x15e: {  	[sflag:s28] =	ssyncadd.s32 $0xFFFFF000  }
0x15f: {  	_ =	swait.ge [sflag:s28], $0x1000  }
0x160: {  	[sflag:s28] =	ssyncset.done $0x0  }
0x161: {  	[sflag:s28] =	ssyncadd.s32 $0xFFFFF000  }
0x162: {  	_ =	swait.ge [sflag:s28], $0x1000  }
0x163: {  	[sflag:s28] =	ssyncset.done $0x0  }
0x164: {  	[sflag:s28] =	ssyncadd.s32 $0xFFFFF000  }
0x165: {  	_ =	swait.ge [sflag:s28], $0x1000  }
0x166: {  	[sflag:s28] =	ssyncset.done $0x0  }
0x167: {  	[sflag:s28] =	ssyncadd.s32 $0xFFFFF000  }
0x168: {  	_ =	swait.ge [sflag:s28], $0x1000  }
0x169: {  	[sflag:s28] =	ssyncset.done $0x0  }
0x16a: {  	[sflag:s28] =	ssyncadd.s32 $0xFFFFF000  }
0x16b: {  	[spmem:s2] =	stream.indirect.scatter.add.f32 [tilespmem:s21], [sflag:$0x2], $0x20, s18, s7, $0xb8;
	[tilespmem:$0xA000] =	vst v63  }
0x16c: {  	_ =	swait.ge [sflag:s5], $0x1000  }
0x16d: {  	[sflag:s5] =	ssyncset.done $0x0  }
0x16e: {  	[sflag:s5] =	ssyncadd.s32 $0xFFFFF000  }
0x16f: {  	[spmem:s1] =	stream.indirect.scatter.add.f32 [tilespmem:s6], [sflag:$0x2], $0x20, s18, s7, $0xb8;
	[tilespmem:$0xA000] =	vst v63  }
0x170: {  	_ =	swait.ge [sflag:s5], $0x1000  }
0x171: {  	[sflag:s5] =	ssyncset.done $0x0  }
0x172: {  	[sflag:s5] =	ssyncadd.s32 $0xFFFFF000  }
0x173: {  	[spmem:s2] =	stream.indirect.scatter.add.f32 [tilespmem:s20], [sflag:$0x2], $0x20, s25, s7, $0xb8;
	[tilespmem:$0xA000] =	vst v63  }
0x174: {  	_ =	swait.ge [sflag:s5], $0x1000  }
0x175: {  	[sflag:s5] =	ssyncset.done $0x0  }
0x176: {  	[sflag:s5] =	ssyncadd.s32 $0xFFFFF000  }
0x177: {  	[spmem:s1] =	stream.indirect.scatter.add.f32 [tilespmem:s6], [sflag:$0x2], $0x20, s25, s7, $0xb8;
	[tilespmem:$0xA000] =	vst v63  }
0x178: {  	_ =	swait.ge [sflag:s5], $0x1000  }
0x179: {  	[sflag:s5] =	ssyncset.done $0x0  }
0x17a: {  	[sflag:s5] =	ssyncadd.s32 $0xFFFFF000  }
0x17b: {  	[spmem:s2] =	stream.indirect.scatter.add.f32 [tilespmem:s17], [sflag:$0x2], $0x20, s23, s7, $0xb8;
	[tilespmem:$0xA000] =	vst v63  }
0x17c: {  	_ =	swait.ge [sflag:s5], $0x1000  }
0x17d: {  	[sflag:s5] =	ssyncset.done $0x0  }
0x17e: {  	[sflag:s5] =	ssyncadd.s32 $0xFFFFF000  }
0x17f: {  	[spmem:s1] =	stream.indirect.scatter.add.f32 [tilespmem:s6], [sflag:$0x2], $0x20, s23, s7, $0xb8;
	[tilespmem:$0xA000] =	vst v63  }
0x180: {  	_ =	swait.ge [sflag:s5], $0x1000  }
0x181: {  	[sflag:s5] =	ssyncset.done $0x0  }
0x182: {  	[sflag:s5] =	ssyncadd.s32 $0xFFFFF000  }
0x183: {  	[spmem:s2] =	stream.indirect.scatter.add.f32 [tilespmem:s15], [sflag:$0x2], $0x20, s19, s7, $0xb8;
	[tilespmem:$0xA000] =	vst v63  }
0x184: {  	_ =	swait.ge [sflag:s5], $0x1000  }
0x185: {  	[sflag:s5] =	ssyncset.done $0x0  }
0x186: {  	[sflag:s5] =	ssyncadd.s32 $0xFFFFF000  }
0x187: {  	[spmem:s1] =	stream.indirect.scatter.add.f32 [tilespmem:s6], [sflag:$0x2], $0x20, s19, s7, $0xb8;
	[tilespmem:$0xA000] =	vst v63  }
0x188: {  	_ =	swait.ge [sflag:s5], $0x1000  }
0x189: {  	[sflag:s5] =	ssyncset.done $0x0  }
0x18a: {  	[sflag:s5] =	ssyncadd.s32 $0xFFFFF000  }
0x18b: {  	[spmem:s2] =	stream.indirect.scatter.add.f32 [tilespmem:s13], [sflag:$0x2], $0x20, s16, s7, $0xb8;
	[tilespmem:$0xA000] =	vst v63  }
0x18c: {  	_ =	swait.ge [sflag:s5], $0x1000  }
0x18d: {  	[sflag:s5] =	ssyncset.done $0x0  }
0x18e: {  	[sflag:s5] =	ssyncadd.s32 $0xFFFFF000  }
0x18f: {  	[spmem:s1] =	stream.indirect.scatter.add.f32 [tilespmem:s6], [sflag:$0x2], $0x20, s16, s7, $0xb8;
	[tilespmem:$0xA000] =	vst v63  }
0x190: {  	_ =	swait.ge [sflag:s5], $0x1000  }
0x191: {  	[sflag:s5] =	ssyncset.done $0x0  }
0x192: {  	[sflag:s5] =	ssyncadd.s32 $0xFFFFF000  }
0x193: {  	[spmem:s2] =	stream.indirect.scatter.add.f32 [tilespmem:s11], [sflag:$0x2], $0x20, s14, s7, $0xb8;
	[tilespmem:$0xA000] =	vst v63  }
0x194: {  	_ =	swait.ge [sflag:s5], $0x1000  }
0x195: {  	[sflag:s5] =	ssyncset.done $0x0  }
0x196: {  	[sflag:s5] =	ssyncadd.s32 $0xFFFFF000  }
0x197: {  	[spmem:s1] =	stream.indirect.scatter.add.f32 [tilespmem:s6], [sflag:$0x2], $0x20, s14, s7, $0xb8;
	[tilespmem:$0xA000] =	vst v63  }
0x198: {  	_ =	swait.ge [sflag:s5], $0x1000  }
0x199: {  	[sflag:s5] =	ssyncset.done $0x0  }
0x19a: {  	[sflag:s5] =	ssyncadd.s32 $0xFFFFF000  }
0x19b: {  	[spmem:s2] =	stream.indirect.scatter.add.f32 [tilespmem:s9], [sflag:$0x2], $0x20, s12, s7, $0xb8;
	[tilespmem:$0xA000] =	vst v63  }
0x19c: {  	_ =	swait.ge [sflag:s5], $0x1000  }
0x19d: {  	[sflag:s5] =	ssyncset.done $0x0  }
0x19e: {  	[sflag:s5] =	ssyncadd.s32 $0xFFFFF000  }
0x19f: {  	[spmem:s1] =	stream.indirect.scatter.add.f32 [tilespmem:s6], [sflag:$0x2], $0x20, s12, s7, $0xb8;
	[tilespmem:$0xA000] =	vst v63  }
0x1a0: {  	_ =	swait.ge [sflag:s5], $0x1000  }
0x1a1: {  	[sflag:s5] =	ssyncset.done $0x0  }
0x1a2: {  	[sflag:s5] =	ssyncadd.s32 $0xFFFFF000  }
0x1a3: {  	[spmem:s2] =	stream.indirect.scatter.add.f32 [tilespmem:s24], [sflag:$0x2], $0x20, s10, s7, $0xb8;
	[tilespmem:$0xA000] =	vst v63  }
0x1a4: {  	_ =	swait.ge [sflag:s5], $0x1000  }
0x1a5: {  	[sflag:s5] =	ssyncset.done $0x0  }
0x1a6: {  	[sflag:s5] =	ssyncadd.s32 $0xFFFFF000  }
0x1a7: {  	[spmem:s1] =	stream.indirect.scatter.add.f32 [tilespmem:s6], [sflag:$0x2], $0x20, s10, s7, $0xb8;
	[tilespmem:$0xA000] =	vst v63  }
0x1a8: {  	_ =	swait.ge [sflag:s5], $0x1000  }
0x1a9: {  	[sflag:s5] =	ssyncset.done $0x0  }
0x1aa: {  	[sflag:s5] =	ssyncadd.s32 $0xFFFFF000  }
0x1ab: {  	[bflag:$0x0] =	sbarrier.arrive $0xFFFF  }
0x1ac: {  	s0 =	rddreg [dreg:$0x8]  }
0x1ad: {  	[hbm:s0], [sflag:s30] =	dma.local @!p0 [spmem:s4], $0x800  }
0x1ae: {  	_ =	swait.ge @!p0 [sflag:s29], $0x800  }
0x1af: {  	[sflag:s29] =	ssyncset.done @!p0 $0x0  }
0x1b0: {  	s0 =	rddreg [dreg:$0x9];
	[sflag:s29] =	ssyncadd.s32 @!p0 $0xFFFFF800  }
0x1b1: {  	[hbm:s0], [sflag:s30] =	dma.local @!p0 [spmem:s3], $0x800  }
0x1b2: {  	_ =	swait.ge @!p0 [sflag:s29], $0x800  }
0x1b3: {  	[sflag:s29] =	ssyncset.done @!p0 $0x0  }
0x1b4: {  	[sflag:s29] =	ssyncadd.s32 @!p0 $0xFFFFF800  }
0x1b5: {  	_ =	sfence.sel $0x180000  }
0x1b6: {  	[bflag:$0x0] =	sbarrier.arrive $0xFFFF  }
0x1b7: {  	_ =	strace $0x9000004D  }
0x1b8: {  	s0 =	sadd.s32 @!p0 $0x100000, s31;
	[bflag:$0x2] =	sbarrier.arrive $0xFFFF  }
0x1b9: {  	[sflag:s0] =	ssyncadd.tile.s32 @!p0 $0x1;
	_ =	shalt  }
.LBB2_2:
.Ltmp3:
0x1ba: {  	(pc) =	sbr.rel .LBB2_5-.Ltmp3, $2  }
0x1bb: {  	_ =	sdelay $0x2  }
0x1bc: {  	s31 =	rddreg [dreg:$0x4]  }
.Lfunc_end2:
_tile_overlayer_lowered:
.L_overlay_start_2:
0x1bd: {  	(tag) =	ssettag $0x2  }
0x1be: {  	s0 =	rddreg [dreg:$0x0];
	s2 =	stileid.u32  }
0x1bf: {  	s1 =	rddreg [dreg:$0x1];
	p0 =	sne.s32 s2, $0x0  }
0x1c0: {  	s3 =	rddreg [dreg:$0x2];
	[bflag:$0x3] =	sbarrier.arrive $0xFFFF;
	s2 =	simm.s32 @!p0 $0x1C02  }
0x1c1: {  	[timem:s3], [sflag:s2] =	dma.local @!p0 [hbm:s0], s1  }
0x1c2: {  	s0 =	simm.s32 @!p0 $0x2  }
0x1c3: {  	_ =	swait.ge @!p0 [sflag:s0], s1  }
0x1c4: {  	s1 =	ssub.s32 @!p0 $0x0, s1;
	[sflag:s0] =	ssyncset.done @!p0 $0x0  }
0x1c5: {  	[sflag:s0] =	ssyncadd.s32 @!p0 s1  }
0x1c6: {  	[bflag:$0x3] =	sbarrier.arrive $0xFFFF  }
0x1c7: {  	_ =	shalt  }

// kernel: kernel.7.cloned.1.call-start
scs
__scs_entry_jumppad:
0x0: {  	(pc) =	sbr.rel $0x88, $3  }
0x1: {  	(tag) =	ssettag $0x0;
	lr =	simm.s32 $0x1  }
0x2: {  	[smem:$0x3F9A] =	sst lr;
	_ =	strace $0xD0000000  }
0x3: {  	_ = 	snop  }
0x4: {  	_ = 	snop  }
0x5: {  	_ = 	snop  }
0x6: {  	_ = 	snop  }
0x7: {  	_ = 	snop  }
__scs_overlays_trampoline_lowered:
0x8: {  	[smem:$0x3FA9] =	sst s0  }
0x9: {  	[smem:$0x3FAA] =	sst s1  }
0xa: {  	[smem:$0x3FAB] =	sst s2  }
0xb: {  	[smem:$0x3FAC] =	sst s3  }
0xc: {  	[smem:$0x3FAD] =	sst s4  }
0xd: {  	[smem:$0x3FAE] =	sst s5  }
0xe: {  	[smem:$0x3FAF] =	sst s6  }
0xf: {  	[smem:$0x3FB0] =	sst s7  }
0x10: {  	[smem:$0x3FB1] =	sst s8  }
0x11: {  	[smem:$0x3FB2] =	sst s9;
	s0 =	simm.s32 @!p0 $0x0  }
0x12: {  	s1 =	sld [smem:$0x3F98];
	s0 =	simm.s32 @p0 $0x1  }
0x13: {  	[smem:$0x3FB3] =	sst s0;
	s0 =	simm.s32 @!p1 $0x0  }
0x14: {  	s2 =	sld [smem:$0x3F97];
	s0 =	simm.s32 @p1 $0x1  }
0x15: {  	[smem:$0x3FB4] =	sst s0;
	s0 =	simm.s32 @!p2 $0x0  }
0x16: {  	s3 =	sld [smem:$0x3FDB];
	s0 =	simm.s32 @p2 $0x1  }
0x17: {  	s4 =	simm.s32 $0x1BF5;
	[smem:$0x3FB6] =	sst s0  }
0x18: {  	s0 =	sld [smem:$0x3F99];
	_ =	swait.ge [sflag:s4], $0x0  }
0x19: {  	s7 =	sld [smem:$0x3F9A]  }
0x1a: {  	s8 =	sadd.s32 $0xFFFFE003, lr  }
0x1b: {  	s9 =	sadd.s32 $0xFFFFFEF7, lr;
	s5 =	simm.s32 $0xFFFFFFFF;
	p2 =	slt.u32 s8, $0xFFFFF086  }
0x1c: {  	p1 =	slt.u32 s9, $0xF7A;
	s5 =	simm.s32 @!p2 $0x0  }
0x1d: {  	s5 =	simm.s32 @p1 $0x1;
	p0 =	seq.s32 s7, s2  }
0x1e: {  	s7 =	smul.u32 @!p0 $0xF7A, s2;
	p2 =	seq.s32 @!p0 s5, $0x0  }
0x1f: {  	s9 =	smul.u32 $0xF7A, s1;
	s8 =	simm.s32 @!p0 $0x1BF5;
	p2 =	por !p2, p0  }
0x20: {  	[sflag:s8] =	ssyncset.s32 @!p0 $0xFFFFF086;
	s6 =	sadd.s32 @!p0 s3, s7;
	s7 =	simm.s32 @!p0 $0x108  }
0x21: {  	s3 =	sadd.s32 s3, s9;
	s6 =	sadd.s32 @!p0 $0x88, s6;
	s7 =	simm.s32 @p2 $0x1082  }
0x22: {  	[simem:s7], [sflag:s8] =	dma.local @!p0 [hbm:s6], $0xF7A  }
0x23: {  	s9 =	sor.u32 $0xD0000000, s2;
	s6 =	simm.s32 $0x108;
	_ =	swait.ge @!p0 [sflag:s8], $0x0  }
0x24: {  	s3 =	sadd.s32 $0x88, s3;
	s6 =	simm.s32 @!p1 $0x1082;
	[sflag:s4] =	ssyncset.s32 $0xFFFFF086  }
0x25: {  	[simem:s6], [sflag:s4] =	dma.local [hbm:s3], $0xF7A  }
0x26: {  	[smem:$0x3F9A] =	sst s1;
	(tag) =	ssettag s2;
	_ =	strace s9  }
0x27: {  	s1 =	sld [smem:$0x3FAA]  }
0x28: {  	s2 =	sld [smem:$0x3FAB]  }
0x29: {  	s4 =	sld [smem:$0x3FAD]  }
0x2a: {  	p0 =	seq.s32 s5, $0x0;
	s5 =	sld [smem:$0x3FAE]  }
0x2b: {  	s6 =	sld [smem:$0x3FAF]  }
0x2c: {  	s7 =	sld [smem:$0x3FB0]  }
0x2d: {  	s3 =	simm.s32 $0x108;
	s8 =	sld [smem:$0x3FB1]  }
0x2e: {  	s3 =	simm.s32 @!p0 $0x1082;
	s9 =	sld [smem:$0x3FB2]  }
0x2f: {  	lr =	sadd.s32 s0, s3;
	s0 =	sld [smem:$0x3FA9]  }
0x30: {  	s3 =	sld [smem:$0x3FAC]  }
0x31: {  	[smem:$0x3FB5] =	sst s10  }
0x32: {  	s10 =	sld [smem:$0x3FB3];
	_ =	sdelay $0x3  }
0x33: {  	p0 =	seq.s32 s10, $0x1;
	s10 =	sld [smem:$0x3FB5];
	_ =	sdelay $0x3  }
0x34: {  	[smem:$0x3FB5] =	sst s10  }
0x35: {  	s10 =	sld [smem:$0x3FB4];
	_ =	sdelay $0x3  }
0x36: {  	p1 =	seq.s32 s10, $0x1;
	s10 =	sld [smem:$0x3FB5];
	_ =	sdelay $0x3  }
0x37: {  	[smem:$0x3FB5] =	sst s10  }
0x38: {  	s10 =	sld [smem:$0x3FB6]  }
0x39: {  	_ = 	snop;
	(pc) =	sbr.ind lr, $3  }
0x3a: {  	_ = 	snop  }
0x3b: {  	_ = 	snop  }
0x3c: {  	p2 =	seq.s32 s10, $0x1;
	s10 =	sld [smem:$0x3FB5]  }
0x3d: {  	_ =	shalt  }
0x3e: {  	_ =	shalt  }
0x3f: {  	_ =	shalt  }
0x40: {  	_ =	shalt  }
0x41: {  	_ =	shalt  }
0x42: {  	_ =	shalt  }
0x43: {  	_ =	shalt  }
0x44: {  	_ =	shalt  }
0x45: {  	_ =	shalt  }
0x46: {  	_ =	shalt  }
0x47: {  	_ =	shalt  }
0x48: {  	_ =	shalt  }
0x49: {  	_ =	shalt  }
0x4a: {  	_ =	shalt  }
0x4b: {  	_ =	shalt  }
0x4c: {  	_ =	shalt  }
0x4d: {  	_ =	shalt  }
0x4e: {  	_ =	shalt  }
0x4f: {  	_ =	shalt  }
0x50: {  	_ =	shalt  }
0x51: {  	_ =	shalt  }
0x52: {  	_ =	shalt  }
0x53: {  	_ =	shalt  }
0x54: {  	_ =	shalt  }
0x55: {  	_ =	shalt  }
0x56: {  	_ =	shalt  }
0x57: {  	_ =	shalt  }
0x58: {  	_ =	shalt  }
0x59: {  	_ =	shalt  }
0x5a: {  	_ =	shalt  }
0x5b: {  	_ =	shalt  }
0x5c: {  	_ =	shalt  }
0x5d: {  	_ =	shalt  }
0x5e: {  	_ =	shalt  }
0x5f: {  	_ =	shalt  }
0x60: {  	_ =	shalt  }
0x61: {  	_ =	shalt  }
0x62: {  	_ =	shalt  }
0x63: {  	_ =	shalt  }
0x64: {  	_ =	shalt  }
0x65: {  	_ =	shalt  }
0x66: {  	_ =	shalt  }
0x67: {  	_ =	shalt  }
0x68: {  	_ =	shalt  }
0x69: {  	_ =	shalt  }
0x6a: {  	_ =	shalt  }
0x6b: {  	_ =	shalt  }
0x6c: {  	_ =	shalt  }
0x6d: {  	_ =	shalt  }
0x6e: {  	_ =	shalt  }
0x6f: {  	_ =	shalt  }
0x70: {  	_ =	shalt  }
0x71: {  	_ =	shalt  }
0x72: {  	_ =	shalt  }
0x73: {  	_ =	shalt  }
0x74: {  	_ =	shalt  }
0x75: {  	_ =	shalt  }
0x76: {  	_ =	shalt  }
0x77: {  	_ =	shalt  }
0x78: {  	_ =	shalt  }
0x79: {  	_ =	shalt  }
0x7a: {  	_ =	shalt  }
0x7b: {  	_ =	shalt  }
0x7c: {  	_ =	shalt  }
0x7d: {  	_ =	shalt  }
0x7e: {  	_ =	shalt  }
0x7f: {  	_ =	shalt  }
0x80: {  	_ =	shalt  }
0x81: {  	_ =	shalt  }
0x82: {  	_ =	shalt  }
0x83: {  	_ =	shalt  }
0x84: {  	_ =	shalt  }
0x85: {  	_ =	shalt  }
0x86: {  	_ =	shalt  }
0x87: {  	_ =	shalt  }
.Lfunc_end0:
.L_simem_size_0:
called_computation.1_lowered:
.L_overlay_start_0:
0x88: {  	s2 =	sld [smem:$0x3FD9]  }
0x89: {  	s3 =	sld [smem:$0x3FFE];
	_ =	sdelay $0x1  }
0x8a: {  	s1 =	srdreg.scid  }
0x8b: {  	s0 =	sand.u32 $0x1, s1  }
0x8c: {  	s16 =	sshll.u32 s0, $0xA;
	s2 =	sadd.s32 s3, s2  }
0x8d: {  	s2 =	sadd.s32 s2, s16  }
0x8e: {  	[smem:$0x3FC1] =	sst s2  }
0x8f: {  	_ = 	snop  }
0x90: {  	(tm) =	ssettm $0x1  }
0x91: {  	s17 =	sld [smem:$0x3FFB];
	_ =	sdelay $0x3  }
0x92: {  	_ =	strace s17  }
0x93: {  	s2 =	sld [smem:$0x3FFC];
	_ =	sdelay $0x3  }
0x94: {  	_ =	strace s2  }
0x95: {  	s2 =	sld [smem:$0x3FFD];
	_ =	sdelay $0x3  }
0x96: {  	_ =	strace s2  }
0x97: {  	_ =	strace $0x8FFFFFFF  }
0x98: {  	s18 =	sld [smem:$0x3FDB];
	_ =	sdelay $0x1  }
0x99: {  	s19 =	simm.s32 $_scs_section_size  }
0x9a: {  	s4 =	simm.s32 $_size__tile_overlayer_lowered;
	s5 =	simm.s32 $_tile_overlayer_lowered  }
0x9b: {  	s22 =	simm.s32 $0x1BFF;
	s21 =	sshll.u32 s5, $0x1;
	s2 =	sadd.s32 s19, s18  }
0x9c: {  	s6 =	simm.s32 $0x0;
	s20 =	sshll.u32 s4, $0x1;
	s4 =	sadd.s32 s21, s2  }
0x9d: {  	[timem:s6], [sflag:s22] =	dma.local [hbm:s4], s20  }
0x9e: {  	_ =	swait.ge [sflag:s22], s20  }
0x9f: {  	s3 =	ssub.s32 $0x0, s20;
	[sflag:s22] =	ssyncset.done $0x0  }
0xa0: {  	[sflag:s22] =	ssyncadd.s32 s3;
	_ =	sdelay $0x1  }
0xa1: {  	s23 =	simm.s32 $0x1B8B  }
0xa2: {  	_ =	swait.ge [sflag:s23], $0x1  }
0xa3: {  	[sflag:s23] =	ssyncset.done $0x0  }
0xa4: {  	s25 =	simm.s32 $0x1B8E;
	s24 =	sld [smem:$0x3FFE];
	[sflag:s23] =	ssyncadd.s32 $0xFFFFFFFF  }
0xa5: {  	s26 =	simm.s32 $execute0_lowered;
	[smem:$0x3FD2] =	sst s25  }
0xa6: {  	s4 =	sshll.u32 s26, $0x1;
	_ =	strace $0x80000049;
	[dreg:$0x1] =	wrdreg $0xFFFFFFFF  }
0xa7: {  	s28 =	simm.s32 $_size_execute0_lowered;
	s2 =	sadd.s32 s2, s4;
	[dreg:$0x0] =	wrdreg $0x0  }
0xa8: {  	s4 =	sshll.u32 s28, $0x1;
	[dreg:$0x2] =	wrdreg s2  }
0xa9: {  	[dreg:$0x3] =	wrdreg s4  }
0xaa: {  	[dreg:$0x4] =	wrdreg $0xC0  }
0xab: {  	_ =	task [dreg:s6], $0x5FFFF  }
0xac: {  	[dreg:$0x1] =	wrdreg $0xFFFFFFFF  }
0xad: {  	[dreg:$0x0] =	wrdreg $0x60  }
0xae: {  	[dreg:$0x2] =	wrdreg s24  }
0xaf: {  	[dreg:$0x3] =	wrdreg $0x9  }
0xb0: {  	_ =	task.clear_ibuf [dreg:s6], $0x4FFFF;
	_ =	strace $0x90000049  }
0xb1: {  	s29 =	simm.s32 $0x9;
	_ =	strace $0x8000004B  }
0xb2: {  	_ =	swait.ge [sflag:s29], $0x1  }
0xb3: {  	[sflag:s29] =	ssyncadd.s32 $0xFFFFFFFF  }
0xb4: {  	_ =	strace $0x9000004B  }
0xb5: {  	_ =	sfence  }
0xb6: {  	s30 =	sld [smem:$0x0];
	_ =	sdelay $0x2  }
0xb7: {  	s31 =	sshll.u32 s1, $0xD;
	s1 =	sshrl.u32 s1, $0x2  }
0xb8: {  	s3 =	sand.u32 $0x4000, s31;
	s1 =	sadd.s32 s1, s30  }
0xb9: {  	s0 =	sor.u32 s3, s0;
	s1 =	sshll.u32 s1, $0x11  }
0xba: {  	s0 =	sor.u32 s1, s0  }
0xbb: {  	s0 =	sadd.s32 $0x8F2B, s0  }
0xbc: {  	[sflag:s0] =	ssyncadd.remote.s32 $0x1  }
0xbd: {  	_ =	sfence.sel $0xFFFF  }
0xbe: {  	[dreg:$0x0] =	wrdreg $0xFFFFFFFF;
	(pc) =	sbr.abs _section_cstart, $3  }
0xbf: {  	[dreg:$0x1] =	wrdreg $0xFFFFFFFF  }
0xc0: {  	_ =	task.clear_ibuf [dreg:s6], $0x2FFFF;
	_ =	strace $0x9FFFFFFF  }
0xc1: {  	(tm) =	ssettm $0x7FFFFFFF  }
tec
execute0_lowered:
.L_overlay_start_1:
0x0: {  	(tag) =	ssettag $0x1  }
0x1: {  	s1 =	srdreg.scid;
	s0 =	stileid.u32  }
0x2: {  	s1 =	sand.u32 $0x1, s1;
	s2 =	sshll.u32 s0, $0x1  }
0x3: {  	s4 =	rddreg [dreg:$0x0];
	s3 =	sor.u32 s1, s2;
	s2 =	simm.s32 $0x0  }
0x4: {  	s25 =	simm.s32 $0x1A80;
	[smem:$0x7FF] =	sst s2  }
0x5: {  	s26 =	simm.s32 $0x100;
	_ =	strace $0x8000004A;
	[dreg:$0x4] =	wrdreg s25  }
0x6: {  	s0 =	simm.s32 $0x2A80;
	[dreg:$0x5] =	wrdreg s26  }
0x7: {  	s6 =	simm.s32 $0x3A80;
	[dreg:$0x6] =	wrdreg s0  }
0x8: {  	s7 =	simm.s32 $0x200;
	[dreg:$0x8] =	wrdreg s6  }
0x9: {  	s8 =	simm.s32 $0x4A80;
	[dreg:$0x9] =	wrdreg s7  }
0xa: {  	s9 =	simm.s32 $0x280;
	[dreg:$0xa] =	wrdreg s8  }
0xb: {  	s10 =	simm.s32 $0x5A80;
	[dreg:$0xb] =	wrdreg s9  }
0xc: {  	s11 =	simm.s32 $0x300;
	[dreg:$0xc] =	wrdreg s10  }
0xd: {  	s12 =	simm.s32 $0x6A80;
	[dreg:$0xd] =	wrdreg s11  }
0xe: {  	s13 =	simm.s32 $0x380;
	[dreg:$0xe] =	wrdreg s12  }
0xf: {  	s14 =	simm.s32 $0x7A80;
	[dreg:$0xf] =	wrdreg s13  }
0x10: {  	s15 =	simm.s32 $0x400;
	s5 =	smul.u32 $0x150, s3;
	[dreg:$0x10] =	wrdreg s14  }
0x11: {  	s16 =	simm.s32 $0x8A80;
	s3 =	smul.u32 $0x2A00, s3;
	[dreg:$0x11] =	wrdreg s15  }
0x12: {  	[dreg:$0x12] =	wrdreg s16;
	s6 =	simm.s32 $0x480;
	s5 =	sadd.s32 s5, s4  }
0x13: {  	s3 =	sadd.s32 s3, s4;
	[dreg:$0x13] =	wrdreg s6;
	s5 =	sadd.s32 $0x21200, s5  }
0x14: {  	s3 =	sadd.s32 $0x23C00, s3;
	[dreg:$0x2] =	wrdreg s5  }
0x15: {  	[dreg:$0x3] =	wrdreg s3;
	s5 =	simm.s32 $0x180  }
0x16: {  	[dreg:$0x7] =	wrdreg s5  }
0x17: {  	s3 =	simm.s32 $0x2;
	s5 =	rddreg [dreg:$0x2]  }
0x18: {  	[tilespmem:s2], [sflag:$0x2] =	stream.linear.gather [hbm4b:s5+s2], $0xA80, $0x38;
	[tilespmem:$0x15A80] =	vst v63  }
0x19: {  	_ =	swait.ge [sflag:s3], $0xA80  }
0x1a: {  	s7 =	rddreg [dreg:$0x12]  }
0x1b: {  	s8 =	rddreg [dreg:$0x10]  }
0x1c: {  	s9 =	rddreg [dreg:$0xe]  }
0x1d: {  	s10 =	rddreg [dreg:$0xc]  }
0x1e: {  	s6 =	simm.s32 $0x80;
	s11 =	rddreg [dreg:$0xa]  }
0x1f: {  	s5 =	sadd.s32 $0x3A00, s4;
	s12 =	rddreg [dreg:$0x5];
	[sflag:s3] =	ssyncset.done $0x0  }
0x20: {  	s4 =	simm.s32 $0xA80;
	s13 =	rddreg [dreg:$0x4];
	[sflag:s3] =	ssyncadd.s32 $0xFFFFF580  }
0x21: {  	[tilespmem:s4], [sflag:$0x1] =	stream.indirect.gather [hbm4b:s5+s6], $0x20, s2, s6, $0xb8;
	[tilespmem:$0x15A80] =	vst v63  }
0x22: {  	s14 =	rddreg [dreg:$0x6]  }
0x23: {  	[tilespmem:s13], [sflag:$0x1] =	stream.indirect.gather [hbm4b:s5+s6], $0x20, s6, s6, $0xb8;
	[tilespmem:$0x15A80] =	vst v63  }
0x24: {  	s15 =	rddreg [dreg:$0x8]  }
0x25: {  	[tilespmem:s14], [sflag:$0x1] =	stream.indirect.gather [hbm4b:s5+s6], $0x20, s12, s6, $0xb8;
	[tilespmem:$0x15A80] =	vst v63  }
0x26: {  	s17 =	rddreg [dreg:$0x7]  }
0x27: {  	[tilespmem:s15], [sflag:$0x1] =	stream.indirect.gather [hbm4b:s5+s6], $0x20, s17, s6, $0xb8;
	[tilespmem:$0x15A80] =	vst v63  }
0x28: {  	s18 =	rddreg [dreg:$0x9]  }
0x29: {  	[tilespmem:s11], [sflag:$0x1] =	stream.indirect.gather [hbm4b:s5+s6], $0x20, s18, s6, $0xb8;
	[tilespmem:$0x15A80] =	vst v63  }
0x2a: {  	s19 =	rddreg [dreg:$0xb]  }
0x2b: {  	[tilespmem:s10], [sflag:$0x1] =	stream.indirect.gather [hbm4b:s5+s6], $0x20, s19, s6, $0xb8;
	[tilespmem:$0x15A80] =	vst v63  }
0x2c: {  	s20 =	rddreg [dreg:$0xd]  }
0x2d: {  	[tilespmem:s9], [sflag:$0x1] =	stream.indirect.gather [hbm4b:s5+s6], $0x20, s20, s6, $0xb8;
	[tilespmem:$0x15A80] =	vst v63  }
0x2e: {  	s21 =	rddreg [dreg:$0xf]  }
0x2f: {  	[tilespmem:s8], [sflag:$0x1] =	stream.indirect.gather [hbm4b:s5+s6], $0x20, s21, s6, $0xb8;
	[tilespmem:$0x15A80] =	vst v63  }
0x30: {  	s22 =	rddreg [dreg:$0x11]  }
0x31: {  	[tilespmem:s7], [sflag:$0x1] =	stream.indirect.gather [hbm4b:s5+s6], $0x20, s22, s6, $0xb8;
	[tilespmem:$0x15A80] =	vst v63  }
0x32: {  	s24 =	simm.s32 $0x9A80;
	s23 =	rddreg [dreg:$0x13]  }
0x33: {  	[tilespmem:s24], [sflag:$0x1] =	stream.indirect.gather [hbm4b:s5+s6], $0x20, s23, s6, $0xb8;
	[tilespmem:$0x15A80] =	vst v63  }
0x34: {  	s25 =	simm.s32 $0x500;
	s26 =	simm.s32 $0xAA80  }
0x35: {  	[tilespmem:s26], [sflag:$0x1] =	stream.indirect.gather [hbm4b:s5+s6], $0x20, s25, s6, $0xb8;
	[tilespmem:$0x15A80] =	vst v63  }
0x36: {  	s9 =	simm.s32 $0xBA80;
	s8 =	simm.s32 $0x580  }
0x37: {  	[tilespmem:s9], [sflag:$0x1] =	stream.indirect.gather [hbm4b:s5+s6], $0x20, s8, s6, $0xb8;
	[tilespmem:$0x15A80] =	vst v63  }
0x38: {  	s11 =	simm.s32 $0xCA80;
	s10 =	simm.s32 $0x600  }
0x39: {  	[tilespmem:s11], [sflag:$0x1] =	stream.indirect.gather [hbm4b:s5+s6], $0x20, s10, s6, $0xb8;
	[tilespmem:$0x15A80] =	vst v63  }
0x3a: {  	s13 =	simm.s32 $0xDA80;
	s12 =	simm.s32 $0x680  }
0x3b: {  	[tilespmem:s13], [sflag:$0x1] =	stream.indirect.gather [hbm4b:s5+s6], $0x20, s12, s6, $0xb8;
	[tilespmem:$0x15A80] =	vst v63  }
0x3c: {  	s16 =	simm.s32 $0x700;
	s17 =	simm.s32 $0xEA80  }
0x3d: {  	[tilespmem:s17], [sflag:$0x1] =	stream.indirect.gather [hbm4b:s5+s6], $0x20, s16, s6, $0xb8;
	[tilespmem:$0x15A80] =	vst v63  }
0x3e: {  	s18 =	simm.s32 $0x780;
	s19 =	simm.s32 $0xFA80  }
0x3f: {  	[tilespmem:s19], [sflag:$0x1] =	stream.indirect.gather [hbm4b:s5+s6], $0x20, s18, s6, $0xb8;
	[tilespmem:$0x15A80] =	vst v63  }
0x40: {  	s20 =	simm.s32 $0x800;
	s21 =	simm.s32 $0x10A80  }
0x41: {  	[tilespmem:s21], [sflag:$0x1] =	stream.indirect.gather [hbm4b:s5+s6], $0x20, s20, s6, $0xb8;
	[tilespmem:$0x15A80] =	vst v63  }
0x42: {  	s22 =	simm.s32 $0x880;
	s23 =	simm.s32 $0x11A80  }
0x43: {  	[tilespmem:s23], [sflag:$0x1] =	stream.indirect.gather [hbm4b:s5+s6], $0x20, s22, s6, $0xb8;
	[tilespmem:$0x15A80] =	vst v63  }
0x44: {  	s24 =	simm.s32 $0x900;
	s25 =	simm.s32 $0x12A80  }
0x45: {  	[tilespmem:s25], [sflag:$0x1] =	stream.indirect.gather [hbm4b:s5+s6], $0x20, s24, s6, $0xb8;
	[tilespmem:$0x15A80] =	vst v63  }
0x46: {  	s28 =	simm.s32 $0x13A80;
	s26 =	simm.s32 $0x980  }
0x47: {  	[tilespmem:s28], [sflag:$0x1] =	stream.indirect.gather [hbm4b:s5+s6], $0x20, s26, s6, $0xb8;
	[tilespmem:$0x15A80] =	vst v63  }
0x48: {  	s30 =	simm.s32 $0xA00;
	s31 =	simm.s32 $0x14A80;
	s29 =	simm.s32 $0x1  }
0x49: {  	[tilespmem:s31], [sflag:$0x1] =	stream.indirect.gather [hbm4b:s5+s6], $0x20, s30, s6, $0xb8;
	[tilespmem:$0x15A80] =	vst v63  }
0x4a: {  	_ =	swait.ge [sflag:s29], $0x1000  }
0x4b: {  	[sflag:s29] =	ssyncset.done $0x0  }
0x4c: {  	[sflag:s29] =	ssyncadd.s32 $0xFFFFF000  }
0x4d: {  	_ =	swait.ge [sflag:s29], $0x1000  }
0x4e: {  	[sflag:s29] =	ssyncset.done $0x0  }
0x4f: {  	[sflag:s29] =	ssyncadd.s32 $0xFFFFF000  }
0x50: {  	_ =	swait.ge [sflag:s29], $0x1000  }
0x51: {  	[sflag:s29] =	ssyncset.done $0x0  }
0x52: {  	[sflag:s29] =	ssyncadd.s32 $0xFFFFF000  }
0x53: {  	_ =	swait.ge [sflag:s29], $0x1000  }
0x54: {  	[sflag:s29] =	ssyncset.done $0x0  }
0x55: {  	[sflag:s29] =	ssyncadd.s32 $0xFFFFF000  }
0x56: {  	_ =	swait.ge [sflag:s29], $0x1000  }
0x57: {  	[sflag:s29] =	ssyncset.done $0x0  }
0x58: {  	[sflag:s29] =	ssyncadd.s32 $0xFFFFF000  }
0x59: {  	_ =	swait.ge [sflag:s29], $0x1000  }
0x5a: {  	[sflag:s29] =	ssyncset.done $0x0  }
0x5b: {  	[sflag:s29] =	ssyncadd.s32 $0xFFFFF000  }
0x5c: {  	_ =	swait.ge [sflag:s29], $0x1000  }
0x5d: {  	[sflag:s29] =	ssyncset.done $0x0  }
0x5e: {  	[sflag:s29] =	ssyncadd.s32 $0xFFFFF000  }
0x5f: {  	_ =	swait.ge [sflag:s29], $0x1000  }
0x60: {  	[sflag:s29] =	ssyncset.done $0x0  }
0x61: {  	[sflag:s29] =	ssyncadd.s32 $0xFFFFF000  }
0x62: {  	_ =	swait.ge [sflag:s29], $0x1000  }
0x63: {  	[sflag:s29] =	ssyncset.done $0x0  }
0x64: {  	[sflag:s29] =	ssyncadd.s32 $0xFFFFF000  }
0x65: {  	_ =	swait.ge [sflag:s29], $0x1000  }
0x66: {  	[sflag:s29] =	ssyncset.done $0x0  }
0x67: {  	[sflag:s29] =	ssyncadd.s32 $0xFFFFF000  }
0x68: {  	_ =	swait.ge [sflag:s29], $0x1000  }
0x69: {  	[sflag:s29] =	ssyncset.done $0x0  }
0x6a: {  	[sflag:s29] =	ssyncadd.s32 $0xFFFFF000  }
0x6b: {  	_ =	swait.ge [sflag:s29], $0x1000  }
0x6c: {  	[sflag:s29] =	ssyncset.done $0x0  }
0x6d: {  	[sflag:s29] =	ssyncadd.s32 $0xFFFFF000  }
0x6e: {  	_ =	swait.ge [sflag:s29], $0x1000  }
0x6f: {  	[sflag:s29] =	ssyncset.done $0x0  }
0x70: {  	[sflag:s29] =	ssyncadd.s32 $0xFFFFF000  }
0x71: {  	_ =	swait.ge [sflag:s29], $0x1000  }
0x72: {  	[sflag:s29] =	ssyncset.done $0x0  }
0x73: {  	[sflag:s29] =	ssyncadd.s32 $0xFFFFF000  }
0x74: {  	_ =	swait.ge [sflag:s29], $0x1000  }
0x75: {  	[sflag:s29] =	ssyncset.done $0x0  }
0x76: {  	[sflag:s29] =	ssyncadd.s32 $0xFFFFF000  }
0x77: {  	_ =	swait.ge [sflag:s29], $0x1000  }
0x78: {  	[sflag:s29] =	ssyncset.done $0x0  }
0x79: {  	[sflag:s29] =	ssyncadd.s32 $0xFFFFF000  }
0x7a: {  	_ =	swait.ge [sflag:s29], $0x1000  }
0x7b: {  	[sflag:s29] =	ssyncset.done $0x0  }
0x7c: {  	s1 =	ssub.s32 $0x2, s1;
	[sflag:s29] =	ssyncadd.s32 $0xFFFFF000  }
0x7d: {  	s14 =	sshrl.u32 s1, $0x1;
	_ =	swait.ge [sflag:s29], $0x1000  }
0x7e: {  	s0 =	ssub.s32 s1, s14;
	[sflag:s29] =	ssyncset.done $0x0  }
0x7f: {  	s0 =	smax.u32 s0, $0x1;
	[sflag:s29] =	ssyncadd.s32 $0xFFFFF000  }
0x80: {  	p0 =	sne.s32 s0, $0x1;
	_ =	swait.ge [sflag:s29], $0x1000  }
.Ltmp0:
0x81: {  	[sflag:s29] =	ssyncset.done $0x0;
	(pc) =	sbr.rel @!p0 .LBB2_2-.Ltmp0, $4  }
0x82: {  	[sflag:s29] =	ssyncadd.s32 $0xFFFFF000  }
0x83: {  	_ =	swait.ge [sflag:s29], $0x1000  }
0x84: {  	[sflag:s29] =	ssyncset.done $0x0  }
0x85: {  	s15 =	simm.s32 $0xDA80;
	s1 =	sadd.s32 $0xFFFFFFFF, s0;
	[sflag:s29] =	ssyncadd.s32 $0xFFFFF000  }
.LBB2_1:
0x86: {  	_ =	swait.ge [sflag:s29], $0x1000  }
0x87: {  	[sflag:s29] =	ssyncset.done $0x0  }
0x88: {  	s0 =	rddreg [dreg:$0x3];
	[sflag:s29] =	ssyncadd.s32 $0xFFFFF000  }
0x89: {  	[hbm4b:s0+s2] =	stream.linear.scatter [tilespmem:s4], [sflag:$0x2], $0x15000, $0x38;
	[tilespmem:$0x15A80] =	vst v63  }
0x8a: {  	_ =	swait.ge [sflag:s3], $0x15000  }
0x8b: {  	[sflag:s3] =	ssyncset.done $0x0  }
0x8c: {  	s12 =	rddreg [dreg:$0x2];
	[sflag:s3] =	ssyncadd.s32 $0xFFFEB000  }
0x8d: {  	[tilespmem:s2], [sflag:$0x2] =	stream.linear.gather [hbm4b:s12+s2], $0xA80, $0x38;
	[tilespmem:$0x15A80] =	vst v63  }
0x8e: {  	_ =	swait.ge [sflag:s3], $0xA80  }
0x8f: {  	s0 =	rddreg [dreg:$0x12]  }
0x90: {  	s7 =	rddreg [dreg:$0x10]  }
0x91: {  	s8 =	rddreg [dreg:$0xe]  }
0x92: {  	s9 =	rddreg [dreg:$0xc]  }
0x93: {  	s10 =	rddreg [dreg:$0xa]  }
0x94: {  	s11 =	rddreg [dreg:$0x5];
	[sflag:s3] =	ssyncset.done $0x0  }
0x95: {  	s12 =	rddreg [dreg:$0x4];
	[sflag:s3] =	ssyncadd.s32 $0xFFFFF580  }
0x96: {  	[tilespmem:s4], [sflag:$0x1] =	stream.indirect.gather [hbm4b:s5+s6], $0x20, s2, s6, $0xb8;
	[tilespmem:$0x15A80] =	vst v63  }
0x97: {  	s13 =	rddreg [dreg:$0x6]  }
0x98: {  	[tilespmem:s12], [sflag:$0x1] =	stream.indirect.gather [hbm4b:s5+s6], $0x20, s6, s6, $0xb8;
	[tilespmem:$0x15A80] =	vst v63  }
0x99: {  	s14 =	rddreg [dreg:$0x8]  }
0x9a: {  	[tilespmem:s13], [sflag:$0x1] =	stream.indirect.gather [hbm4b:s5+s6], $0x20, s11, s6, $0xb8;
	[tilespmem:$0x15A80] =	vst v63  }
0x9b: {  	s12 =	rddreg [dreg:$0x7]  }
0x9c: {  	[tilespmem:s14], [sflag:$0x1] =	stream.indirect.gather [hbm4b:s5+s6], $0x20, s12, s6, $0xb8;
	[tilespmem:$0x15A80] =	vst v63  }
0x9d: {  	s11 =	rddreg [dreg:$0x9]  }
0x9e: {  	[tilespmem:s10], [sflag:$0x1] =	stream.indirect.gather [hbm4b:s5+s6], $0x20, s11, s6, $0xb8;
	[tilespmem:$0x15A80] =	vst v63  }
0x9f: {  	s13 =	rddreg [dreg:$0xb]  }
0xa0: {  	[tilespmem:s9], [sflag:$0x1] =	stream.indirect.gather [hbm4b:s5+s6], $0x20, s13, s6, $0xb8;
	[tilespmem:$0x15A80] =	vst v63  }
0xa1: {  	s14 =	rddreg [dreg:$0xd]  }
0xa2: {  	[tilespmem:s8], [sflag:$0x1] =	stream.indirect.gather [hbm4b:s5+s6], $0x20, s14, s6, $0xb8;
	[tilespmem:$0x15A80] =	vst v63  }
0xa3: {  	s11 =	rddreg [dreg:$0xf]  }
0xa4: {  	[tilespmem:s7], [sflag:$0x1] =	stream.indirect.gather [hbm4b:s5+s6], $0x20, s11, s6, $0xb8;
	[tilespmem:$0x15A80] =	vst v63  }
0xa5: {  	s12 =	rddreg [dreg:$0x11]  }
0xa6: {  	[tilespmem:s0], [sflag:$0x1] =	stream.indirect.gather [hbm4b:s5+s6], $0x20, s12, s6, $0xb8;
	[tilespmem:$0x15A80] =	vst v63  }
0xa7: {  	s13 =	rddreg [dreg:$0x13];
	s14 =	simm.s32 $0x9A80  }
0xa8: {  	[tilespmem:s14], [sflag:$0x1] =	stream.indirect.gather [hbm4b:s5+s6], $0x20, s13, s6, $0xb8;
	[tilespmem:$0x15A80] =	vst v63  }
0xa9: {  	s9 =	simm.s32 $0xAA80;
	s8 =	simm.s32 $0x500  }
0xaa: {  	[tilespmem:s9], [sflag:$0x1] =	stream.indirect.gather [hbm4b:s5+s6], $0x20, s8, s6, $0xb8;
	[tilespmem:$0x15A80] =	vst v63  }
0xab: {  	s10 =	simm.s32 $0x580;
	s11 =	simm.s32 $0xBA80  }
0xac: {  	[tilespmem:s11], [sflag:$0x1] =	stream.indirect.gather [hbm4b:s5+s6], $0x20, s10, s6, $0xb8;
	[tilespmem:$0x15A80] =	vst v63  }
0xad: {  	s12 =	simm.s32 $0x600;
	s13 =	simm.s32 $0xCA80  }
0xae: {  	[tilespmem:s13], [sflag:$0x1] =	stream.indirect.gather [hbm4b:s5+s6], $0x20, s12, s6, $0xb8;
	[tilespmem:$0x15A80] =	vst v63  }
0xaf: {  	s14 =	simm.s32 $0x680  }
0xb0: {  	[tilespmem:s15], [sflag:$0x1] =	stream.indirect.gather [hbm4b:s5+s6], $0x20, s14, s6, $0xb8;
	[tilespmem:$0x15A80] =	vst v63  }
0xb1: {  	_ = 	snop  }
0xb2: {  	[tilespmem:s17], [sflag:$0x1] =	stream.indirect.gather [hbm4b:s5+s6], $0x20, s16, s6, $0xb8;
	[tilespmem:$0x15A80] =	vst v63  }
0xb3: {  	_ = 	snop  }
0xb4: {  	[tilespmem:s19], [sflag:$0x1] =	stream.indirect.gather [hbm4b:s5+s6], $0x20, s18, s6, $0xb8;
	[tilespmem:$0x15A80] =	vst v63  }
0xb5: {  	_ = 	snop  }
0xb6: {  	[tilespmem:s21], [sflag:$0x1] =	stream.indirect.gather [hbm4b:s5+s6], $0x20, s20, s6, $0xb8;
	[tilespmem:$0x15A80] =	vst v63  }
0xb7: {  	_ = 	snop  }
0xb8: {  	[tilespmem:s23], [sflag:$0x1] =	stream.indirect.gather [hbm4b:s5+s6], $0x20, s22, s6, $0xb8;
	[tilespmem:$0x15A80] =	vst v63  }
0xb9: {  	_ = 	snop  }
0xba: {  	[tilespmem:s25], [sflag:$0x1] =	stream.indirect.gather [hbm4b:s5+s6], $0x20, s24, s6, $0xb8;
	[tilespmem:$0x15A80] =	vst v63  }
0xbb: {  	_ = 	snop  }
0xbc: {  	[tilespmem:s28], [sflag:$0x1] =	stream.indirect.gather [hbm4b:s5+s6], $0x20, s26, s6, $0xb8;
	[tilespmem:$0x15A80] =	vst v63  }
0xbd: {  	_ = 	snop  }
0xbe: {  	[tilespmem:s31], [sflag:$0x1] =	stream.indirect.gather [hbm4b:s5+s6], $0x20, s30, s6, $0xb8;
	[tilespmem:$0x15A80] =	vst v63  }
0xbf: {  	_ =	swait.ge [sflag:s29], $0x1000  }
0xc0: {  	[sflag:s29] =	ssyncset.done $0x0  }
0xc1: {  	[sflag:s29] =	ssyncadd.s32 $0xFFFFF000  }
0xc2: {  	_ =	swait.ge [sflag:s29], $0x1000  }
0xc3: {  	[sflag:s29] =	ssyncset.done $0x0  }
0xc4: {  	[sflag:s29] =	ssyncadd.s32 $0xFFFFF000  }
0xc5: {  	_ =	swait.ge [sflag:s29], $0x1000  }
0xc6: {  	[sflag:s29] =	ssyncset.done $0x0  }
0xc7: {  	[sflag:s29] =	ssyncadd.s32 $0xFFFFF000  }
0xc8: {  	_ =	swait.ge [sflag:s29], $0x1000  }
0xc9: {  	[sflag:s29] =	ssyncset.done $0x0  }
0xca: {  	[sflag:s29] =	ssyncadd.s32 $0xFFFFF000  }
0xcb: {  	_ =	swait.ge [sflag:s29], $0x1000  }
0xcc: {  	[sflag:s29] =	ssyncset.done $0x0  }
0xcd: {  	[sflag:s29] =	ssyncadd.s32 $0xFFFFF000  }
0xce: {  	_ =	swait.ge [sflag:s29], $0x1000  }
0xcf: {  	[sflag:s29] =	ssyncset.done $0x0  }
0xd0: {  	[sflag:s29] =	ssyncadd.s32 $0xFFFFF000  }
0xd1: {  	_ =	swait.ge [sflag:s29], $0x1000  }
0xd2: {  	[sflag:s29] =	ssyncset.done $0x0  }
0xd3: {  	[sflag:s29] =	ssyncadd.s32 $0xFFFFF000  }
0xd4: {  	_ =	swait.ge [sflag:s29], $0x1000  }
0xd5: {  	[sflag:s29] =	ssyncset.done $0x0  }
0xd6: {  	[sflag:s29] =	ssyncadd.s32 $0xFFFFF000  }
0xd7: {  	_ =	swait.ge [sflag:s29], $0x1000  }
0xd8: {  	[sflag:s29] =	ssyncset.done $0x0  }
0xd9: {  	[sflag:s29] =	ssyncadd.s32 $0xFFFFF000  }
0xda: {  	_ =	swait.ge [sflag:s29], $0x1000  }
0xdb: {  	[sflag:s29] =	ssyncset.done $0x0  }
0xdc: {  	[sflag:s29] =	ssyncadd.s32 $0xFFFFF000  }
0xdd: {  	_ =	swait.ge [sflag:s29], $0x1000  }
0xde: {  	[sflag:s29] =	ssyncset.done $0x0  }
0xdf: {  	[sflag:s29] =	ssyncadd.s32 $0xFFFFF000  }
0xe0: {  	_ =	swait.ge [sflag:s29], $0x1000  }
0xe1: {  	[sflag:s29] =	ssyncset.done $0x0  }
0xe2: {  	[sflag:s29] =	ssyncadd.s32 $0xFFFFF000  }
0xe3: {  	_ =	swait.ge [sflag:s29], $0x1000  }
0xe4: {  	[sflag:s29] =	ssyncset.done $0x0  }
0xe5: {  	[sflag:s29] =	ssyncadd.s32 $0xFFFFF000  }
0xe6: {  	_ =	swait.ge [sflag:s29], $0x1000  }
0xe7: {  	[sflag:s29] =	ssyncset.done $0x0  }
0xe8: {  	[sflag:s29] =	ssyncadd.s32 $0xFFFFF000  }
0xe9: {  	_ =	swait.ge [sflag:s29], $0x1000  }
0xea: {  	[sflag:s29] =	ssyncset.done $0x0  }
0xeb: {  	[sflag:s29] =	ssyncadd.s32 $0xFFFFF000  }
0xec: {  	_ =	swait.ge [sflag:s29], $0x1000  }
0xed: {  	[sflag:s29] =	ssyncset.done $0x0  }
0xee: {  	[sflag:s29] =	ssyncadd.s32 $0xFFFFF000  }
0xef: {  	_ =	swait.ge [sflag:s29], $0x1000  }
0xf0: {  	[sflag:s29] =	ssyncset.done $0x0  }
0xf1: {  	[sflag:s29] =	ssyncadd.s32 $0xFFFFF000  }
0xf2: {  	_ =	swait.ge [sflag:s29], $0x1000  }
0xf3: {  	[sflag:s29] =	ssyncset.done $0x0  }
0xf4: {  	[sflag:s29] =	ssyncadd.s32 $0xFFFFF000  }
0xf5: {  	p0 =	sne.s32 s1, $0x1;
	_ =	swait.ge [sflag:s29], $0x1000  }
.Ltmp1:
0xf6: {  	[sflag:s29] =	ssyncset.done $0x0;
	(pc) =	sbr.rel @p0 .LBB2_1-.Ltmp1, $4  }
0xf7: {  	[sflag:s29] =	ssyncadd.s32 $0xFFFFF000  }
0xf8: {  	_ =	swait.ge [sflag:s29], $0x1000  }
0xf9: {  	[sflag:s29] =	ssyncset.done $0x0  }
0xfa: {  	s1 =	sadd.s32 $0xFFFFFFFF, s1;
	[sflag:s29] =	ssyncadd.s32 $0xFFFFF000  }
.LBB2_2:
0xfb: {  	_ =	swait.ge [sflag:s29], $0x1000  }
0xfc: {  	[sflag:s29] =	ssyncset.done $0x0  }
0xfd: {  	s0 =	rddreg [dreg:$0x3];
	[sflag:s29] =	ssyncadd.s32 $0xFFFFF000  }
0xfe: {  	[hbm4b:s0+s2] =	stream.linear.scatter [tilespmem:s4], [sflag:$0x2], $0x15000, $0x38;
	[tilespmem:$0x15A80] =	vst v63  }
0xff: {  	_ =	swait.ge [sflag:s3], $0x15000  }
0x100: {  	[sflag:s3] =	ssyncset.done $0x0  }
0x101: {  	[sflag:s3] =	ssyncadd.s32 $0xFFFEB000  }
0x102: {  	_ =	sfence.sel $0x180000  }
0x103: {  	[bflag:$0x0] =	sbarrier.arrive $0xFFFF  }
0x104: {  	_ =	strace $0x9000004A  }
0x105: {  	s31 =	stileid.u32;
	[bflag:$0x2] =	sbarrier.arrive $0xFFFF  }
0x106: {  	p0 =	sne.s32 s31, $0x0;
	s0 =	rddreg [dreg:$0x1]  }
0x107: {  	s0 =	sadd.s32 @!p0 $0x100000, s0  }
0x108: {  	[sflag:s0] =	ssyncadd.tile.s32 @!p0 $0x1;
	_ =	shalt  }
.Lfunc_end2:
_tile_overlayer_lowered:
.L_overlay_start_2:
0x109: {  	(tag) =	ssettag $0x2  }
0x10a: {  	s0 =	rddreg [dreg:$0x0];
	s2 =	stileid.u32  }
0x10b: {  	s1 =	rddreg [dreg:$0x1];
	p0 =	sne.s32 s2, $0x0  }
0x10c: {  	s3 =	rddreg [dreg:$0x2];
	[bflag:$0x3] =	sbarrier.arrive $0xFFFF;
	s2 =	simm.s32 @!p0 $0x1C02  }
0x10d: {  	[timem:s3], [sflag:s2] =	dma.local @!p0 [hbm:s0], s1  }
0x10e: {  	s0 =	simm.s32 @!p0 $0x2  }
0x10f: {  	_ =	swait.ge @!p0 [sflag:s0], s1  }
0x110: {  	s1 =	ssub.s32 @!p0 $0x0, s1;
	[sflag:s0] =	ssyncset.done @!p0 $0x0  }
0x111: {  	[sflag:s0] =	ssyncadd.s32 @!p0 s1  }
0x112: {  	[bflag:$0x3] =	sbarrier.arrive $0xFFFF  }
0x113: {  	_ =	shalt  }

// kernel: scatter_offload_async_start
scs
__scs_entry_jumppad:
0x0: {  	(pc) =	sbr.rel $0x88, $3  }
0x1: {  	(tag) =	ssettag $0x0;
	lr =	simm.s32 $0x1  }
0x2: {  	[smem:$0x3F9A] =	sst lr;
	_ =	strace $0xD0000000  }
0x3: {  	_ = 	snop  }
0x4: {  	_ = 	snop  }
0x5: {  	_ = 	snop  }
0x6: {  	_ = 	snop  }
0x7: {  	_ = 	snop  }
__scs_overlays_trampoline_lowered:
0x8: {  	[smem:$0x3FA9] =	sst s0  }
0x9: {  	[smem:$0x3FAA] =	sst s1  }
0xa: {  	[smem:$0x3FAB] =	sst s2  }
0xb: {  	[smem:$0x3FAC] =	sst s3  }
0xc: {  	[smem:$0x3FAD] =	sst s4  }
0xd: {  	[smem:$0x3FAE] =	sst s5  }
0xe: {  	[smem:$0x3FAF] =	sst s6  }
0xf: {  	[smem:$0x3FB0] =	sst s7  }
0x10: {  	[smem:$0x3FB1] =	sst s8  }
0x11: {  	[smem:$0x3FB2] =	sst s9;
	s0 =	simm.s32 @!p0 $0x0  }
0x12: {  	s1 =	sld [smem:$0x3F98];
	s0 =	simm.s32 @p0 $0x1  }
0x13: {  	[smem:$0x3FB3] =	sst s0;
	s0 =	simm.s32 @!p1 $0x0  }
0x14: {  	s2 =	sld [smem:$0x3F97];
	s0 =	simm.s32 @p1 $0x1  }
0x15: {  	[smem:$0x3FB4] =	sst s0;
	s0 =	simm.s32 @!p2 $0x0  }
0x16: {  	s3 =	sld [smem:$0x3FDB];
	s0 =	simm.s32 @p2 $0x1  }
0x17: {  	s4 =	simm.s32 $0x1BF5;
	[smem:$0x3FB6] =	sst s0  }
0x18: {  	s0 =	sld [smem:$0x3F99];
	_ =	swait.ge [sflag:s4], $0x0  }
0x19: {  	s7 =	sld [smem:$0x3F9A]  }
0x1a: {  	s8 =	sadd.s32 $0xFFFFE003, lr  }
0x1b: {  	s9 =	sadd.s32 $0xFFFFFEF7, lr;
	s5 =	simm.s32 $0xFFFFFFFF;
	p2 =	slt.u32 s8, $0xFFFFF086  }
0x1c: {  	p1 =	slt.u32 s9, $0xF7A;
	s5 =	simm.s32 @!p2 $0x0  }
0x1d: {  	s5 =	simm.s32 @p1 $0x1;
	p0 =	seq.s32 s7, s2  }
0x1e: {  	s7 =	smul.u32 @!p0 $0xF7A, s2;
	p2 =	seq.s32 @!p0 s5, $0x0  }
0x1f: {  	s9 =	smul.u32 $0xF7A, s1;
	s8 =	simm.s32 @!p0 $0x1BF5;
	p2 =	por !p2, p0  }
0x20: {  	[sflag:s8] =	ssyncset.s32 @!p0 $0xFFFFF086;
	s6 =	sadd.s32 @!p0 s3, s7;
	s7 =	simm.s32 @!p0 $0x108  }
0x21: {  	s3 =	sadd.s32 s3, s9;
	s6 =	sadd.s32 @!p0 $0x88, s6;
	s7 =	simm.s32 @p2 $0x1082  }
0x22: {  	[simem:s7], [sflag:s8] =	dma.local @!p0 [hbm:s6], $0xF7A  }
0x23: {  	s9 =	sor.u32 $0xD0000000, s2;
	s6 =	simm.s32 $0x108;
	_ =	swait.ge @!p0 [sflag:s8], $0x0  }
0x24: {  	s3 =	sadd.s32 $0x88, s3;
	s6 =	simm.s32 @!p1 $0x1082;
	[sflag:s4] =	ssyncset.s32 $0xFFFFF086  }
0x25: {  	[simem:s6], [sflag:s4] =	dma.local [hbm:s3], $0xF7A  }
0x26: {  	[smem:$0x3F9A] =	sst s1;
	(tag) =	ssettag s2;
	_ =	strace s9  }
0x27: {  	s1 =	sld [smem:$0x3FAA]  }
0x28: {  	s2 =	sld [smem:$0x3FAB]  }
0x29: {  	s4 =	sld [smem:$0x3FAD]  }
0x2a: {  	p0 =	seq.s32 s5, $0x0;
	s5 =	sld [smem:$0x3FAE]  }
0x2b: {  	s6 =	sld [smem:$0x3FAF]  }
0x2c: {  	s7 =	sld [smem:$0x3FB0]  }
0x2d: {  	s3 =	simm.s32 $0x108;
	s8 =	sld [smem:$0x3FB1]  }
0x2e: {  	s3 =	simm.s32 @!p0 $0x1082;
	s9 =	sld [smem:$0x3FB2]  }
0x2f: {  	lr =	sadd.s32 s0, s3;
	s0 =	sld [smem:$0x3FA9]  }
0x30: {  	s3 =	sld [smem:$0x3FAC]  }
0x31: {  	[smem:$0x3FB5] =	sst s10  }
0x32: {  	s10 =	sld [smem:$0x3FB3];
	_ =	sdelay $0x3  }
0x33: {  	p0 =	seq.s32 s10, $0x1;
	s10 =	sld [smem:$0x3FB5];
	_ =	sdelay $0x3  }
0x34: {  	[smem:$0x3FB5] =	sst s10  }
0x35: {  	s10 =	sld [smem:$0x3FB4];
	_ =	sdelay $0x3  }
0x36: {  	p1 =	seq.s32 s10, $0x1;
	s10 =	sld [smem:$0x3FB5];
	_ =	sdelay $0x3  }
0x37: {  	[smem:$0x3FB5] =	sst s10  }
0x38: {  	s10 =	sld [smem:$0x3FB6]  }
0x39: {  	_ = 	snop;
	(pc) =	sbr.ind lr, $3  }
0x3a: {  	_ = 	snop  }
0x3b: {  	_ = 	snop  }
0x3c: {  	p2 =	seq.s32 s10, $0x1;
	s10 =	sld [smem:$0x3FB5]  }
0x3d: {  	_ =	shalt  }
0x3e: {  	_ =	shalt  }
0x3f: {  	_ =	shalt  }
0x40: {  	_ =	shalt  }
0x41: {  	_ =	shalt  }
0x42: {  	_ =	shalt  }
0x43: {  	_ =	shalt  }
0x44: {  	_ =	shalt  }
0x45: {  	_ =	shalt  }
0x46: {  	_ =	shalt  }
0x47: {  	_ =	shalt  }
0x48: {  	_ =	shalt  }
0x49: {  	_ =	shalt  }
0x4a: {  	_ =	shalt  }
0x4b: {  	_ =	shalt  }
0x4c: {  	_ =	shalt  }
0x4d: {  	_ =	shalt  }
0x4e: {  	_ =	shalt  }
0x4f: {  	_ =	shalt  }
0x50: {  	_ =	shalt  }
0x51: {  	_ =	shalt  }
0x52: {  	_ =	shalt  }
0x53: {  	_ =	shalt  }
0x54: {  	_ =	shalt  }
0x55: {  	_ =	shalt  }
0x56: {  	_ =	shalt  }
0x57: {  	_ =	shalt  }
0x58: {  	_ =	shalt  }
0x59: {  	_ =	shalt  }
0x5a: {  	_ =	shalt  }
0x5b: {  	_ =	shalt  }
0x5c: {  	_ =	shalt  }
0x5d: {  	_ =	shalt  }
0x5e: {  	_ =	shalt  }
0x5f: {  	_ =	shalt  }
0x60: {  	_ =	shalt  }
0x61: {  	_ =	shalt  }
0x62: {  	_ =	shalt  }
0x63: {  	_ =	shalt  }
0x64: {  	_ =	shalt  }
0x65: {  	_ =	shalt  }
0x66: {  	_ =	shalt  }
0x67: {  	_ =	shalt  }
0x68: {  	_ =	shalt  }
0x69: {  	_ =	shalt  }
0x6a: {  	_ =	shalt  }
0x6b: {  	_ =	shalt  }
0x6c: {  	_ =	shalt  }
0x6d: {  	_ =	shalt  }
0x6e: {  	_ =	shalt  }
0x6f: {  	_ =	shalt  }
0x70: {  	_ =	shalt  }
0x71: {  	_ =	shalt  }
0x72: {  	_ =	shalt  }
0x73: {  	_ =	shalt  }
0x74: {  	_ =	shalt  }
0x75: {  	_ =	shalt  }
0x76: {  	_ =	shalt  }
0x77: {  	_ =	shalt  }
0x78: {  	_ =	shalt  }
0x79: {  	_ =	shalt  }
0x7a: {  	_ =	shalt  }
0x7b: {  	_ =	shalt  }
0x7c: {  	_ =	shalt  }
0x7d: {  	_ =	shalt  }
0x7e: {  	_ =	shalt  }
0x7f: {  	_ =	shalt  }
0x80: {  	_ =	shalt  }
0x81: {  	_ =	shalt  }
0x82: {  	_ =	shalt  }
0x83: {  	_ =	shalt  }
0x84: {  	_ =	shalt  }
0x85: {  	_ =	shalt  }
0x86: {  	_ =	shalt  }
0x87: {  	_ =	shalt  }
.Lfunc_end0:
.L_simem_size_0:
called_computation_lowered:
.L_overlay_start_0:
0x88: {  	s0 =	sld [smem:$0x3FD9]  }
0x89: {  	s1 =	sld [smem:$0x3FFE];
	_ =	sdelay $0x3  }
0x8a: {  	s0 =	sadd.s32 s1, s0  }
0x8b: {  	[smem:$0x3FC1] =	sst s0  }
0x8c: {  	_ = 	snop  }
0x8d: {  	(tm) =	ssettm $0x1  }
0x8e: {  	s15 =	sld [smem:$0x3FFB];
	_ =	sdelay $0x3  }
0x8f: {  	_ =	strace s15  }
0x90: {  	s0 =	sld [smem:$0x3FFC];
	_ =	sdelay $0x3  }
0x91: {  	_ =	strace s0  }
0x92: {  	s0 =	sld [smem:$0x3FFD];
	_ =	sdelay $0x3  }
0x93: {  	_ =	strace s0  }
0x94: {  	_ =	strace $0x8FFFFFFF  }
0x95: {  	s16 =	sld [smem:$0x3FDB];
	_ =	sdelay $0x1  }
0x96: {  	s17 =	simm.s32 $_scs_section_size  }
0x97: {  	s2 =	simm.s32 $_size__tile_overlayer_lowered;
	s3 =	simm.s32 $_tile_overlayer_lowered  }
0x98: {  	s20 =	simm.s32 $0x1BFF;
	s19 =	sshll.u32 s3, $0x1;
	s0 =	sadd.s32 s17, s16  }
0x99: {  	s4 =	simm.s32 $0x0;
	s18 =	sshll.u32 s2, $0x1;
	s2 =	sadd.s32 s19, s0  }
0x9a: {  	[timem:s4], [sflag:s20] =	dma.local [hbm:s2], s18  }
0x9b: {  	_ =	swait.ge [sflag:s20], s18  }
0x9c: {  	s1 =	ssub.s32 $0x0, s18;
	[sflag:s20] =	ssyncset.done $0x0  }
0x9d: {  	[sflag:s20] =	ssyncadd.s32 s1;
	_ =	sdelay $0x1  }
0x9e: {  	s21 =	simm.s32 $0x1B8B  }
0x9f: {  	_ =	swait.ge [sflag:s21], $0x1  }
0xa0: {  	[sflag:s21] =	ssyncset.done $0x0  }
0xa1: {  	s23 =	simm.s32 $0x1B8E;
	s22 =	sld [smem:$0x3FFE];
	[sflag:s21] =	ssyncadd.s32 $0xFFFFFFFF  }
0xa2: {  	s24 =	simm.s32 $execute0_lowered;
	[smem:$0x3FD2] =	sst s23  }
0xa3: {  	s2 =	sshll.u32 s24, $0x1;
	_ =	strace $0x80000046;
	[dreg:$0x1] =	wrdreg $0xFFFFFFFF  }
0xa4: {  	s25 =	simm.s32 $_size_execute0_lowered;
	s0 =	sadd.s32 s0, s2;
	[dreg:$0x0] =	wrdreg $0x0  }
0xa5: {  	s2 =	sshll.u32 s25, $0x1;
	[dreg:$0x2] =	wrdreg s0  }
0xa6: {  	[dreg:$0x3] =	wrdreg s2  }
0xa7: {  	[dreg:$0x4] =	wrdreg $0xC0  }
0xa8: {  	_ =	task [dreg:s4], $0x5FFFF  }
0xa9: {  	[dreg:$0x1] =	wrdreg $0xFFFFFFFF  }
0xaa: {  	[dreg:$0x0] =	wrdreg $0x60  }
0xab: {  	[dreg:$0x2] =	wrdreg s22  }
0xac: {  	[dreg:$0x3] =	wrdreg $0x9  }
0xad: {  	_ =	task.clear_ibuf [dreg:s4], $0x4FFFF;
	_ =	strace $0x90000046  }
0xae: {  	s26 =	simm.s32 $0x9;
	_ =	strace $0x80000048  }
0xaf: {  	_ =	swait.ge [sflag:s26], $0x1  }
0xb0: {  	[sflag:s26] =	ssyncadd.s32 $0xFFFFFFFF  }
0xb1: {  	_ =	strace $0x90000048  }
0xb2: {  	_ =	sfence  }
0xb3: {  	s28 =	sld [smem:$0x0];
	_ =	sdelay $0x1  }
0xb4: {  	s29 =	srdreg.scid  }
0xb5: {  	s30 =	sshll.u32 s29, $0xD;
	s31 =	sshrl.u32 s29, $0x2  }
0xb6: {  	s1 =	sand.u32 $0x1, s29;
	s2 =	sand.u32 $0x4000, s30;
	s0 =	sadd.s32 s31, s28  }
0xb7: {  	s1 =	sor.u32 s2, s1;
	s0 =	sshll.u32 s0, $0x11  }
0xb8: {  	s0 =	sor.u32 s0, s1  }
0xb9: {  	s0 =	sadd.s32 $0x8F2B, s0  }
0xba: {  	[sflag:s0] =	ssyncadd.remote.s32 $0x1  }
0xbb: {  	_ =	sfence.sel $0xFFFF  }
0xbc: {  	[dreg:$0x0] =	wrdreg $0xFFFFFFFF;
	(pc) =	sbr.abs _section_cstart, $3  }
0xbd: {  	[dreg:$0x1] =	wrdreg $0xFFFFFFFF  }
0xbe: {  	_ =	task.clear_ibuf [dreg:s4], $0x2FFFF;
	_ =	strace $0x9FFFFFFF  }
0xbf: {  	(tm) =	ssettm $0x7FFFFFFF  }
tec
execute0_lowered:
.L_overlay_start_1:
0x0: {  	(tag) =	ssettag $0x1  }
0x1: {  	s0 =	rddreg [dreg:$0x0];
	s11 =	stileid.u32  }
0x2: {  	_ =	strace $0x80000047;
	s2 =	simm.s32 $0x1;
	s1 =	smin.u32 s11, $0x9  }
0x3: {  	v1 =	vimm.s32 $0xFFFFFFFF;
	[sflag:s2] =	ssyncpa.u1 $0x0;
	s1 =	sadd.s32 s11, s1  }
0x4: {  	p0 =	slt.u32 s11, $0x9;
	[tilespmem:$0x10] =	vst v1;
	s3 =	smul.u32 $0x4B0, s1;
	s1 =	simm.s32 $0x960  }
0x5: {  	v0 =	vimm.s32 $0x80000000;
	[tilespmem:$0x20] =	vst v1;
	s1 =	simm.s32 @!p0 $0x4B0  }
0x6: {  	[tilespmem:$0x30] =	vst v0;
	s1 =	sadd.s32 s1, s3  }
0x7: {  	[tilespmem:$0x40] =	vst v0;
	s4 =	smin.u32 s1, $0x7530  }
0x8: {  	[tilespmem:$0x50] =	vst v0;
	s6 =	ssub.s32 s4, s3  }
0x9: {  	s7 =	simm.s32 $0x2;
	[tilespmem:$0x60] =	vst v1;
	p0 =	sgt.s32 s6, $0x0  }
0xa: {  	s8 =	simm.s32 $0x8;
	s29 =	simm.s32 $0x9;
	[tilespmem:$0x70] =	vst v1;
	s6 =	simm.s32 @!p0 $0x0  }
0xb: {  	s16 =	simm.s32 $0x0;
	s17 =	simm.s32 $0xF0;
	[tilespmem:$0x80] =	vst v1;
	s28 =	sand.u32 $0xFFF0, s6  }
0xc: {  	s18 =	simm.s32 $0xFFFFFFFF;
	s19 =	simm.s32 $0xFFFFF7A0;
	v1 =	vimm.s32 $0x0;
	[tilespmem:$0xB0] =	vst v0;
	s1 =	sshrl.u32 s28, $0x4  }
0xd: {  	s20 =	simm.s32 $0xFFFFFFFE;
	s21 =	simm.s32 $0xF;
	[tilespmem:$0x90] =	vst v1;
	s5 =	smul.u32 $0x36A, s1  }
0xe: {  	s25 =	simm.s32 $0x0;
	[tilespmem:$0xA0] =	vst v1;
	[sflag:s7] =	ssyncpa.u1 $0x0;
	s7 =	simm.s32 $0x7  }
0xf: {  	s24 =	simm.s32 $0x0;
	[sflag:s7] =	ssyncpa.u1 $0x0;
	s9 =	sshrl.u32 s5, $0x10  }
0x10: {  	s14 =	sshllo.u32 s11, $0x1;
	[sflag:s8] =	ssyncpa.u1 $0x0;
	s10 =	smul.u32 $0x4B0, s9  }
0x11: {  	s23 =	smov.u32 s3;
	[sflag:s29] =	ssyncpa.u1 $0x0;
	s1 =	sadd.s32 $0x79600, s0  }
.Ltmp0:
0x12: {  	s5 =	sadd.s32 $0x1A00, s0;
	p0 =	sne.s32 s6, s10;
	(pc) =	sbr.rel .LBB2_1-.Ltmp0, $4  }
0x13: {  	s0 =	sadd.s32 $0x2A00, s0;
	s10 =	sshll.u32 s11, $0x1;
	s2 =	simm.s32 @!p0 $0x0  }
0x14: {  	[dreg:$0x2] =	wrdreg s0;
	s31 =	sor.u32 $0x81, s10;
	s9 =	sadd.s32 s9, s2  }
0x15: {  	vm0 =	vmmov $0xffff;
	v2 =	vlaneseq.u32;
	s15 =	sor.u32 $0x80, s10;
	[dreg:$0x4] =	wrdreg s31;
	s30 =	sadd.s32 $0x1, s9  }
0x16: {  	vm1 =	vmxor vm1, vm1;
	vm2 =	vmmov $0x1;
	vm3 =	vcmask $0x3F3C;
	p0 =	por $0x0, $0x0;
	s12 =	sadd.s32 $0x2, s9;
	[dreg:$0x3] =	wrdreg s30  }
.LBB2_9:
0x17: {  	p1 =	slt.u32 s24, $0x3  }
0x18: {  	s0 =	simm.s32 @!p1 $0x2  }
0x19: {  	_ =	swait.ge @!p1 [sflag:s0], $0x4B0  }
0x1a: {  	[sflag:s0] =	ssyncset.done @!p1 $0x0  }
0x1b: {  	[sflag:s0] =	ssyncadd.s32 @!p1 $0xFFFFFB50;
	s0 =	simm.s32 @!p1 $0x9  }
0x1c: {  	_ =	swait.ge @!p1 [sflag:s0], $0x10  }
0x1d: {  	[sflag:s0] =	ssyncset.done @!p1 $0x0  }
0x1e: {  	[sflag:s0] =	ssyncadd.s32 @!p1 $0xFFFFFFF0;
	p1 =	sne.s32 s24, s12  }
.Ltmp1:
0x1f: {  	s2 =	sadd.s32 $0x4B0, s23;
	(pc) =	sbr.rel @!p1 .LBB2_10-.Ltmp1, $4  }
0x20: {  	s6 =	smov.u32 s3;
	s31 =	sadd.s32 $0x1, s24;
	s17 =	sadd.s32 $0x4B0, s17  }
0x21: {  	s18 =	sadd.s32 $0x1, s18;
	s25 =	smov.u32 s23;
	p2 =	slt.s32 s2, s4  }
0x22: {  	p0 =	por !p0, !p0;
	s19 =	sadd.s32 $0x4B0, s19;
	s6 =	smov.u32 @p2 s2  }
0x23: {  	s20 =	sadd.s32 $0x1, s20;
	s23 =	smov.u32 s6;
	s24 =	smov.u32 s31  }
.LBB2_1:
0x24: {  	p1 =	sge.u32 s24, s9  }
0x25: {  	s0 =	smulhi.u32 @!p1 $0xAAAAAAAB, s24;
	_ =	sdelay $0x1  }
0x26: {  	s0 =	sshrl.u32 @!p1 s0, $0x1  }
0x27: {  	s0 =	smul.u32 @!p1 $0x3, s0;
	_ =	sdelay $0x1  }
0x28: {  	s0 =	ssub.s32 @!p1 s24, s0  }
0x29: {  	s0 =	smul.u32 @!p1 $0x12C0, s0;
	_ =	sdelay $0x1  }
0x2a: {  	s2 =	sshrl.u32 @!p1 s23, $0x3;
	s0 =	sshrl.u32 @!p1 s0, $0x2  }
0x2b: {  	s6 =	sand.u32 @!p1 $0x7, s23;
	s2 =	sadd.s32 @!p1 s5, s2;
	s0 =	sadd.s32 @!p1 $0x100, s0  }
0x2c: {  	[tilespmem:s0], [sflag:$0x7] =	stream.linear.gather @!p1 [hbm4b:s2+s6], $0x4B0, $0x38;
	[tilespmem:$0x2B50] =	vst v63  }
0x2d: {  	s0 =	sadd.s32 $0xFFFFFFFF, s24  }
0x2e: {  	p1 =	sge.u32 s0, s9  }
.Ltmp2:
0x2f: {  	_ = 	snop;
	(pc) =	sbr.rel @p1 .LBB2_5-.Ltmp2, $1  }
0x30: {  	_ =	sdelay $0x3  }
0x31: {  	s2 =	smulhi.u32 $0xAAAAAAAB, s0;
	_ =	sdelay $0x1  }
0x32: {  	s2 =	sshrl.u32 s2, $0x1  }
0x33: {  	s2 =	smul.u32 $0x3, s2;
	_ =	sdelay $0x1  }
0x34: {  	s2 =	ssub.s32 s0, s2  }
0x35: {  	s2 =	smul.u32 $0x12C0, s2  }
0x36: {  	_ =	swait.ge [sflag:s7], $0x4B0  }
0x37: {  	[sflag:s7] =	ssyncset.done $0x0;
	s2 =	sshrl.u32 s2, $0x2  }
0x38: {  	[sflag:s7] =	ssyncadd.s32 $0xFFFFFB50;
	(ifvalue) =	ssetifvalue $0xFFFFFFFF;
	v3 =	vld.msk [tilespmem:s2+$0x100 ss:$0x1], $0xffff;
	_ =	sdelay $0x2  }
0x39: {  	s30 =	smulhi.u32 $0xAAAAAAAB, s18;
	p1 =	sne.s32 s24, $0x1  }
0x3a: {  	v4 =	vimm.s32 @!p1 $0x0  }
0x3b: {  	s2 =	sshrl.u32 s30, $0x1;
	v4 =	vperm.xlane @!p1 v3, v4  }
0x3c: {  	s6 =	sshll.u32 s24, $0x4;
	s2 =	smul.u32 $0xFFFFC7C0, s2;
	vm4 =	vlt.u32 v3, $0x10000  }
0x3d: {  	s6 =	sand.u32 $0x10, s6;
	v3 =	vnsel vm4, $0xFFFFFFFE, v3;
	vm4 =	vlt.u32 @!p1 v4, $0x10000  }
0x3e: {  	s2 =	sshra.s32 s2, $0x2;
	[tilespmem:s6+$0x60] =	vst v3;
	v3 =	vnsel @!p1 vm4, $0xFFFFFFFE, v4  }
0x3f: {  	s26 =	sadd.s32 s2, s17;
	[tilespmem:$0x80] =	vst @!p1 v3  }
0x40: {  	v3 =	vld.msk [tilespmem:s26+$0x0 ss:$0x1], $0xffff;
	_ =	sdelay $0x4  }
0x41: {  	(xrf1) =	vunique.msk.u32 $0xffff, v3;
	_ =	sdelay $0xd  }
0x42: {  	v4 =	vimm.s32 $0xFFFFFFFF;
	v5, _, _ =	vpop (xrf1)  }
0x43: {  	vm5 =	vne.s32 v3, v4;
	vm4 =	veq.s32 v5, v2  }
0x44: {  	vm6 =	vlt.u32 v3, $0x10000;
	vm4 =	vmand vm5, vm4  }
0x45: {  	vm4 =	vmand vm6, vm4  }
0x46: {  	v4 =	vnsel vm4, $0xFFFFFFFF, v3  }
0x47: {  	s31 =	sand.u32 $0x1, s0  }
0x48: {  	s0 =	simm.s32 $0x4B0;
	p1 =	seq.s32 s31, $0x1  }
0x49: {  	s0 =	simm.s32 @!p1 $0x0  }
0x4a: {  	s2 =	sadd.s32 $0x13B0, s0;
	(ifvalue) =	ssetifvalue $0xFFFFFFFF  }
0x4b: {  	v3 =	vperm.xlane v3, v1;
	[tilespmem:s2], [sflag:$0x8] =	stream.indirect_vreg.gather [hbm4b:s1+s16], $0x1, v4, vm0, $0x4038;
	v4 =	vnsel vm6, $0xFFFFFFFE, v4;
	[tilespmem:$0x2B50] =	vst v63  }
0x4c: {  	s22 =	sadd.s32 $0xFFFFFFF0, s26;
	s6 =	simm.s32 $0x0;
	[tilespmem:s26+$0x0] =	vst v4  }
.LBB2_3:
0x4d: {  	v4 =	vld.msk [tilespmem:s22+$0x0 ss:$0x1], $0xffff;
	s6 =	sadd.s32 $0x10, s6;
	v5 =	vmov v3;
	s26 =	smov.u32 s22  }
0x4e: {  	p1 =	slt.u32 s6, $0x4A0;
	_ =	sdelay $0x4  }
0x4f: {  	v3 =	vperm.xlane v4, v1;
	(xrf1) =	vunique.msk.u32 $0xffff, v4;
	_ =	sdelay $0xd  }
0x50: {  	v6, _, _ =	vpop (xrf1)  }
0x51: {  	vm5 =	vne.s32 v4, v5;
	vm4 =	veq.s32 v6, v2  }
0x52: {  	vm6 =	vlt.u32 v4, $0x10000;
	vm4 =	vmand vm5, vm4  }
0x53: {  	vm4 =	vmand vm6, vm4  }
0x54: {  	v4 =	vnsel vm4, $0xFFFFFFFF, v4  }
.Ltmp3:
0x55: {  	v5 =	vnsel vm6, $0xFFFFFFFE, v4;
	(pc) =	sbr.rel @p1 .LBB2_3-.Ltmp3, $3  }
0x56: {  	_ =	sdelay $0x1  }
0x57: {  	s22 =	sadd.s32 $0xFFFFFFF0, s22;
	s2 =	sadd.s32 $0xFFFFFFF0, s2;
	(ifvalue) =	ssetifvalue $0xFFFFFFFF  }
0x58: {  	[tilespmem:s2], [sflag:$0x8] =	stream.indirect_vreg.gather [hbm4b:s1+s16], $0x1, v4, vm0, $0x4038;
	[tilespmem:s26+$0x0] =	vst v5  }
0x59: {  	s2 =	sshrl.u32 s25, $0x3;
	s6 =	rddreg [dreg:$0x2]  }
0x5a: {  	s0 =	sadd.s32 $0x1870, s0;
	s2 =	sadd.s32 s6, s2  }
0x5b: {  	[tilespmem:s0], [sflag:$0x8] =	stream.linear.gather [hbm:s2], $0x4B0, $0x38;
	[tilespmem:$0x2B50] =	vst v63  }
.LBB2_5:
0x5c: {  	p1 =	slt.u32 s24, $0x2  }
0x5d: {  	p2 =	sge.u32 @!p1 s24, s12  }
0x5e: {  	p1 =	por p1, p2  }
.Ltmp4:
0x5f: {  	_ = 	snop;
	(pc) =	sbr.rel @p1 .LBB2_9-.Ltmp4, $1  }
0x60: {  	_ =	sdelay $0x3  }
0x61: {  	s0 =	sadd.s32 $0xFFFFFFFE, s24  }
0x62: {  	s2 =	smulhi.u32 $0xAAAAAAAB, s0;
	_ =	sdelay $0x1  }
0x63: {  	s2 =	sshrl.u32 s2, $0x1  }
0x64: {  	s2 =	smul.u32 $0x3, s2;
	_ =	sdelay $0x1  }
0x65: {  	_ =	swait.ge [sflag:s8], $0x960;
	s0 =	ssub.s32 s0, s2  }
0x66: {  	s6 =	rddreg [dreg:$0x3];
	s0 =	smul.u32 $0x4B0, s0  }
0x67: {  	[sflag:s8] =	ssyncset.done $0x0;
	p1 =	sne.s32 s24, s6  }
0x68: {  	[sflag:s8] =	ssyncadd.s32 $0xFFFFF6A0;
	s6 =	rddreg [dreg:$0x4];
	s2 =	sadd.s32 @!p1 $0x5AF, s0  }
0x69: {  	[spmem:s6] =	stream.linear.scatter @!p1 [tilespmem:s2], [sflag:$0x1], $0x1, $0x38;
	[tilespmem:$0x2B50] =	vst v63  }
0x6a: {  	s2 =	simm.s32 @!p1 $0x1  }
0x6b: {  	_ =	swait.ge @!p1 [sflag:s2], $0x1  }
0x6c: {  	s11 =	sshll.u32 s24, $0x4;
	[sflag:s2] =	ssyncset.done @!p1 $0x0  }
0x6d: {  	s25 =	sand.u32 $0x10, s11;
	[sflag:s2] =	ssyncadd.s32 @!p1 $0xFFFFFFFF  }
0x6e: {  	s2 =	sxor.u32 $0x10, s25;
	v4 =	vld [tilespmem:s25+$0x10]  }
0x6f: {  	v5 =	vld [tilespmem:s2+$0x60]  }
0x70: {  	v3 =	vld [tilespmem:$0x80];
	_ =	sdelay $0x2  }
0x71: {  	(v2sf) =	vpush v4, $0x0  }
0x72: {  	(v2sf) =	vpush v5, $0x0  }
0x73: {  	(v2sf) =	vpush v3, $0x0;
	_ =	sdelay $0xc  }
0x74: {  	s13 =	spop (v2sf)  }
0x75: {  	s22 =	spop (v2sf)  }
0x76: {  	s26 =	spop (v2sf)  }
0x77: {  	p2 =	seq.s32 s13, s22;
	p3 =	seq.s32 s26, s13  }
0x78: {  	p3 =	por p2, p3  }
0x79: {  	s22 =	sand.u32 $0x1, s24;
	v4 =	vpsel p3, $0xFFFFFFFF, v4  }
0x7a: {  	s28 =	smul.u32 $0x4B0, s22;
	[tilespmem:s25+$0x10] =	vst.msk $0x1, v4  }
0x7b: {  	v4 =	vld [tilespmem:$0x30]  }
0x7c: {  	v5 =	vld [tilespmem:s28+$0x1870]  }
0x7d: {  	v6 =	vld [tilespmem:s25+$0x40];
	_ =	sdelay $0x3  }
0x7e: {  	vm4 =	vmmov vm1;
	vm6 =	vmmov vm2;
	vm5 =	vgt.s32 v4, v5  }
0x7f: {  	vm4 =	vmmov @p2 vm2;
	v5 =	vsel vm5, v4, v5;
	vm5 =	vgt.s32 v4, v6  }
0x80: {  	s6 =	sshll.u32 s22, $0x4;
	vm6 =	vmmov @p3 vm1;
	v4 =	vsel vm5, v4, v6;
	[tilespmem:s28+$0x1870] =	vst.msk vm4, v5  }
0x81: {  	[tilespmem:s6+$0x2B30] =	vst.msk vm6, v4  }
0x82: {  	v4 =	vld [tilespmem:s28+$0x13B0];
	_ =	sdelay $0x4  }
0x83: {  	v4 =	vshift.insert v4, v1, s21  }
0x84: {  	s11 =	sor.u32 $0x40, s2  }
0x85: {  	v5 =	vimm.s32 $0x80000000;
	[tilespmem:s11+$0x0] =	vst.msk $0x1, v4  }
0x86: {  	[tilespmem:s28+$0x13BF] =	vst.msk $0x1, v5  }
0x87: {  	v4 =	vld [tilespmem:s0+$0x5A0];
	_ =	sdelay $0x1  }
0x88: {  	s0 =	simm.s32 $0x1  }
0x89: {  	s13 =	smulhi.u32 $0xAAAAAAAB, s20;
	s0 =	simm.s32 @!p0 $0x0  }
0x8a: {  	s0 =	smul.u32 $0x12C0, s0  }
0x8b: {  	s22 =	sshrl.u32 s13, $0x1;
	v4 =	vshift.insert v4, v1, s21  }
0x8c: {  	s22 =	smul.u32 $0xFFFFC7C0, s22;
	s0 =	sshrl.u32 s0, $0x2  }
0x8d: {  	s11 =	sadd.s32 $0x1870, s0;
	[tilespmem:s2+$0x10] =	vst.msk $0x1, v4  }
0x8e: {  	s22 =	sshra.s32 s22, $0x2;
	v6 =	vld [tilespmem:s11+$0x0]  }
0x8f: {  	s2 =	sadd.s32 s22, s19  }
0x90: {  	v7 =	vld [tilespmem:s2+$0x0];
	_ =	sdelay $0x2  }
0x91: {  	vm4 =	vgt.s32 v6, v5  }
0x92: {  	v5 =	vsel vm4, v6, v5  }
0x93: {  	vm4 =	vne.s32 v7, $0xFFFFFFFF;
	v5 =	vxor.u32 $0x80000000, v5  }
0x94: {  	(xrf0) =	vmax.seg.scan.u32 vm4, v5  }
0x95: {  	s13 =	sadd.s32 $0xF10, s0  }
0x96: {  	v8 =	vld [tilespmem:s13+$0x0]  }
0x97: {  	v6 =	vld [tilespmem:$0xA0];
	_ =	sdelay $0x2  }
0x98: {  	v5 =	vperm.xlane v4, v1;
	v9, _, _ =	vpop (xrf0)  }
0x99: {  	vm6 =	veq.s32 v7, v3;
	v9 =	vxor.u32 $0x80000000, v9  }
0x9a: {  	vm8 =	veq.s32 v7, v5;
	vm5 =	veq.s32 v6, $0x1;
	vm7 =	vgt.s32 v9, v8  }
0x9b: {  	vm8 =	vmor vm8, vm6;
	v6 =	vsel vm7, v9, v8;
	vm7 =	vgt.u32 v7, $0xFFFFFFFD  }
0x9c: {  	v10 =	vld [tilespmem:$0x90];
	vm9 =	vmand vm4, vm3;
	vm4 =	vmor vm5, vm6;
	vm5 =	vmor vm8, vm7  }
0x9d: {  	v8 =	vsel vm5, $0xFFFFFFFF, v7;
	_ =	sdelay $0x1  }
0x9e: {  	s31 =	simm.s32 $0x0;
	s29 =	sadd.s32 $0x2B30, s6  }
0x9f: {  	s30 =	sadd.s32 $0x21D0, s0;
	s0 =	sadd.s32 $0x10, s11;
	s6 =	sadd.s32 $0x10, s13;
	v11 =	vsel vm9, $0x80000000, v9;
	v6 =	vsel vm6, v9, v6  }
0xa0: {  	s22 =	sadd.s32 $0x10, s30;
	s2 =	sadd.s32 $0x10, s2;
	[tilespmem:s30+$0x0] =	vst v6;
	v6 =	vsel vm6, v9, v10;
	v7 =	vshift.insert v11, v0, s21;
	(ifvalue) =	ssetifvalue $0xFFFFFFFF  }
.LBB2_7:
0xa1: {  	[hbm4b:s1+s16] =	stream.indirect_vreg.scatter [tilespmem:s30], [sflag:$0x2], $0x1, v8, vm0, $0x4038;
	[tilespmem:$0x2B50] =	vst v63  }
0xa2: {  	s31 =	sadd.s32 $0x10, s31;
	s30 =	smov.u32 s22;
	v8 =	vld [tilespmem:s0+$0x0]  }
0xa3: {  	p2 =	slt.u32 s31, $0x4A0  }
0xa4: {  	v9 =	vld [tilespmem:s2+$0x0];
	_ =	sdelay $0x2  }
0xa5: {  	vm5 =	vgt.s32 v8, v7  }
0xa6: {  	v7 =	vsel vm5, v8, v7  }
0xa7: {  	vm5 =	vne.s32 v9, $0xFFFFFFFF;
	v7 =	vxor.u32 $0x80000000, v7  }
0xa8: {  	(xrf0) =	vmax.seg.scan.u32 vm5, v7;
	_ =	sdelay $0x2  }
0xa9: {  	v7 =	vld [tilespmem:s6+$0x0];
	_ =	sdelay $0x1  }
0xaa: {  	vm6 =	veq.s32 v9, v3;
	vm7 =	veq.s32 v9, v5  }
0xab: {  	vm8 =	vgt.u32 v9, $0xFFFFFFFD;
	vm4 =	vmor vm4, vm6;
	vm7 =	vmor vm7, vm6;
	v8, _, _ =	vpop (xrf0)  }
0xac: {  	vm5 =	vmand vm5, vm3;
	vm7 =	vmor vm7, vm8;
	v10 =	vxor.u32 $0x80000000, v8  }
.Ltmp5:
0xad: {  	v8 =	vsel vm7, $0xFFFFFFFF, v9;
	vm7 =	vgt.s32 v10, v7;
	v9 =	vsel vm5, $0x80000000, v10;
	(pc) =	sbr.rel @p2 .LBB2_7-.Ltmp5, $4  }
0xae: {  	v6 =	vsel vm6, v10, v6;
	v11 =	vsel vm7, v10, v7;
	v7 =	vshift.insert v9, v0, s21  }
0xaf: {  	v9 =	vsel vm6, v10, v11  }
0xb0: {  	s0 =	sadd.s32 $0x10, s0;
	s2 =	sadd.s32 $0x10, s2;
	[tilespmem:s22+$0x0] =	vst v9  }
0xb1: {  	s6 =	sadd.s32 $0x10, s6;
	s22 =	sadd.s32 $0x10, s22;
	(ifvalue) =	ssetifvalue $0xFFFFFFFF  }
0xb2: {  	_ =	sdelay $0x3  }
0xb3: {  	[hbm4b:s1+s16] =	stream.indirect_vreg.scatter [tilespmem:s30], [sflag:$0x2], $0x1, v8, vm0, $0x4038;
	[tilespmem:$0x2B50] =	vst v63  }
0xb4: {  	v3 =	vld [tilespmem:s28+$0x2670];
	_ =	sdelay $0x4  }
0xb5: {  	v3 =	vshift.insert v3, v1, s21  }
0xb6: {  	s0 =	simm.s32 $0x30  }
0xb7: {  	[tilespmem:s0+$0x0] =	vst.msk $0x1, v3  }
0xb8: {  	v3 =	vsel vm4, $0x1, v1;
	[tilespmem:$0x90] =	vst v6  }
0xb9: {  	s0 =	sadd.s32 @!p1 $0x267F, s28;
	[tilespmem:$0xA0] =	vst v3  }
0xba: {  	[spmem:s14] =	stream.linear.scatter @!p1 [tilespmem:s0], [sflag:$0x1], $0x1, $0x38;
	[tilespmem:$0x2B50] =	vst v63  }
0xbb: {  	s0 =	simm.s32 @!p1 $0x1  }
0xbc: {  	v3 =	vmctz.xlane @!p1 vm4;
	_ =	swait.ge @!p1 [sflag:s0], $0x1  }
0xbd: {  	(v2sf) =	vpush @!p1 v4, $0x0  }
0xbe: {  	(v2sf) =	vpush @!p1 v3, $0x0;
	_ =	sdelay $0xd  }
0xbf: {  	s2 =	spop @!p1 (v2sf)  }
0xc0: {  	s6 =	spop @!p1 (v2sf)  }
0xc1: {  	p2 =	sne.s32 @!p1 s26, s2;
	p3 =	slt.s32 @!p1 s6, $0xF  }
0xc2: {  	[sflag:s0] =	ssyncset.done @!p1 $0x0;
	p2 =	por p2, p1;
	p3 =	por !p3, p1  }
0xc3: {  	[sflag:s0] =	ssyncadd.s32 @!p1 $0xFFFFFFFF;
	v3 =	vimm.s32 @!p2 $0xFFFFFFFF;
	s6 =	simm.s32 @p3 $0xF  }
0xc4: {  	[tilespmem:$0x80] =	vst @!p2 v3;
	s2 =	sadd.s32 @!p1 $0x90, s6  }
0xc5: {  	[spmem:s10] =	stream.linear.scatter @!p1 [tilespmem:s2], [sflag:$0x1], $0x1, $0x38;
	[tilespmem:$0x2B50] =	vst v63  }
0xc6: {  	_ =	swait.ge @!p1 [sflag:s0], $0x1  }
0xc7: {  	[sflag:s0] =	ssyncset.done @!p1 $0x0  }
0xc8: {  	s2 =	simm.s32 @!p1 $0x80;
	[sflag:s0] =	ssyncadd.s32 @!p1 $0xFFFFFFFF  }
0xc9: {  	[spmem:s15] =	stream.linear.scatter @!p1 [tilespmem:s2], [sflag:$0x1], $0x1, $0x38;
	[tilespmem:$0x2B50] =	vst v63  }
0xca: {  	_ =	swait.ge @!p1 [sflag:s0], $0x1  }
0xcb: {  	[sflag:s0] =	ssyncset.done @!p1 $0x0  }
0xcc: {  	[sflag:s0] =	ssyncadd.s32 @!p1 $0xFFFFFFFF;
	(ifvalue) =	ssetifvalue $0xFFFFFFFF;
	v3 =	vld [tilespmem:s25+$0x10];
	_ =	sdelay $0x3  }
.Ltmp6:
0xcd: {  	_ = 	snop;
	(pc) =	sbr.rel .LBB2_9-.Ltmp6, $3  }
0xce: {  	_ =	sdelay $0x1  }
0xcf: {  	(ifvalue) =	ssetifvalue $0xFFFFFFFF  }
0xd0: {  	[hbm4b:s1+s16] =	stream.indirect_vreg.scatter [tilespmem:s29], [sflag:$0x9], $0x1, v3, vm0, $0x4038;
	[tilespmem:$0x2B50] =	vst v63  }
.LBB2_10:
0xd1: {  	_ =	sfence.sel $0x180000  }
0xd2: {  	s0 =	simm.s32 $0x7;
	[bflag:$0x0] =	sbarrier.arrive $0xFFFF  }
0xd3: {  	s26 =	simm.s32 $0x8;
	[sflag:s0] =	ssyncpa.u1 $0x1  }
0xd4: {  	s28 =	simm.s32 $0x9;
	[sflag:s26] =	ssyncpa.u1 $0x1  }
0xd5: {  	[sflag:s28] =	ssyncpa.u1 $0x1  }
0xd6: {  	_ =	sfence.stream.spmem  }
0xd7: {  	s29 =	simm.s32 $0x3;
	[bflag:$0x0] =	sbarrier.arrive $0xFFFF  }
0xd8: {  	s30 =	simm.s32 $0x4;
	[sflag:s29] =	ssyncpa.u1 $0x1  }
0xd9: {  	s31 =	simm.s32 $0x3C;
	s2 =	stileid.u32;
	[sflag:s30] =	ssyncpa.u1 $0x1  }
0xda: {  	p0 =	sne.s32 s2, $0x0;
	[sflag:s31] =	ssyncpa.u1 $0x1  }
0xdb: {  	s0 =	simm.s32 @p0 $0x1;
	_ =	sfence @p0  }
0xdc: {  	[sflag:s0] =	ssyncpa.u1 @p0 $0x1;
	s0 =	simm.s32 @p0 $0x2  }
0xdd: {  	[sflag:s0] =	ssyncpa.u1 @p0 $0x1  }
0xde: {  	_ =	strace @p0 $0x90000047  }
0xdf: {  	[bflag:$0x2] =	sbarrier.arrive @p0 $0xFFFF  }
0xe0: {  	_ =	shalt @p0  }
.LBB2_11:
0xe1: {  	_ =	sfence.stream.spmem;
	s0 =	simm.s32 $0x5  }
0xe2: {  	s2 =	simm.s32 $0x80;
	s3 =	simm.s32 $0xC0;
	[sflag:s0] =	ssyncpa.u1 $0x0  }
0xe3: {  	[tilespmem:s3], [sflag:$0x5] =	stream.linear.gather [spmem:s2], $0x20, $0x38;
	[tilespmem:$0x2B50] =	vst v63  }
0xe4: {  	s30 =	simm.s32 $0xE0;
	s2 =	simm.s32 $0x0  }
0xe5: {  	[tilespmem:s30], [sflag:$0x5] =	stream.linear.gather [spmem:s2], $0x20, $0x38;
	[tilespmem:$0x2B50] =	vst v63  }
.Ltmp7:
0xe6: {  	_ = 	snop;
	(pc) =	sbr.rel .LBB2_12-.Ltmp7, $4  }
0xe7: {  	_ =	swait.ge [sflag:s0], $0x40  }
0xe8: {  	[sflag:s0] =	ssyncset.done $0x0  }
0xe9: {  	s31 =	simm.s32 $0x6;
	[sflag:s0] =	ssyncadd.s32 $0xFFFFFFC0  }
0xea: {  	s3 =	simm.s32 $0x0;
	[sflag:s31] =	ssyncpa.u1 $0x0  }
.LBB2_17:
0xeb: {  	p0 =	sgt.u32 s4, $0xFFFF  }
0xec: {  	s0 =	sshrl.u32 @!p0 s4, $0x3  }
0xed: {  	s4 =	sand.u32 @!p0 $0x7, s4;
	s5 =	simm.s32 @!p0 $0xB0;
	s0 =	sadd.s32 @!p0 s1, s0  }
0xee: {  	[tilespmem:s5], [sflag:$0x6] =	stream.linear.gather @!p0 [hbm4b:s0+s4], $0x1, $0x38;
	[tilespmem:$0x2B50] =	vst v63  }
0xef: {  	s0 =	simm.s32 @!p0 $0x6  }
0xf0: {  	_ =	swait.ge @!p0 [sflag:s0], $0x1  }
0xf1: {  	[sflag:s0] =	ssyncset.done @!p0 $0x0  }
0xf2: {  	[sflag:s0] =	ssyncadd.s32 @!p0 $0xFFFFFFFF  }
0xf3: {  	v1 =	vld.msk @!p0 [tilespmem:$0xB0], $0x1  }
0xf4: {  	v2 =	vld.msk @!p0 [tilespmem:s3+$0xE0], $0x1;
	_ =	sdelay $0x4  }
0xf5: {  	vm0 =	vgt.s32 @!p0 v2, v1  }
0xf6: {  	v1 =	vsel @!p0 vm0, v2, v1  }
0xf7: {  	[tilespmem:s3+$0xE0] =	vst.msk @!p0 $0x1, v1  }
0xf8: {  	[tilespmem:s2+$0xC0] =	vst.msk $0x1, v0  }
0xf9: {  	v0 =	vld.msk [tilespmem:s3+$0xE0], $0x1;
	_ =	sdelay $0x4  }
0xfa: {  	[tilespmem:s2+$0xE0] =	vst.msk $0x1, v0;
	s2 =	sadd.s32 $0x1, s2  }
.LBB2_19:
0xfb: {  	s3 =	sadd.s32 $0x1, s3  }
0xfc: {  	p0 =	sne.s32 s3, $0x20  }
.Ltmp8:
0xfd: {  	_ = 	snop;
	(pc) =	sbr.rel @!p0 .LBB2_20-.Ltmp8, $1  }
0xfe: {  	_ =	sdelay $0x3  }
.LBB2_12:
0xff: {  	v0 =	vld.msk [tilespmem:s3+$0xC0], $0x1;
	_ =	sdelay $0x4  }
0x100: {  	(v2sf) =	vpush v0, $0x0;
	_ =	sdelay $0xe  }
0x101: {  	s4 =	spop (v2sf)  }
0x102: {  	p0 =	seq.s32 s4, $0xFFFFFFFF  }
.Ltmp9:
0x103: {  	_ = 	snop;
	(pc) =	sbr.rel @p0 .LBB2_19-.Ltmp9, $1  }
0x104: {  	_ =	sdelay $0x3  }
0x105: {  	p0 =	slt.s32 s2, $0x1  }
.Ltmp10:
0x106: {  	_ = 	snop;
	(pc) =	sbr.rel @p0 .LBB2_17-.Ltmp10, $1  }
0x107: {  	_ =	sdelay $0x3  }
0x108: {  	s0 =	simm.s32 $0xC0;
	p0 =	por $0x0, $0x0  }
0x109: {  	v1 =	vld.msk @!p0 [tilespmem:s0+$0x0], $0x1;
	_ =	sdelay $0x4  }
0x10a: {  	(v2sf) =	vpush @!p0 v1, $0x0;
	_ =	sdelay $0xd  }
0x10b: {  	p2 =	sne.s32 s2, $0x1  }
.Ltmp11:
0x10c: {  	s5 =	spop @!p0 (v2sf);
	(pc) =	sbr.rel @!p2 .LBB2_16-.Ltmp11, $4  }
0x10d: {  	p1 =	seq.s32 @!p0 s4, s5  }
0x10e: {  	s5 =	simm.s32 $0x0;
	p1 =	por !p1, p0  }
0x10f: {  	s7 =	simm.s32 $0xFFFFFFFF;
	s5 =	simm.s32 @p1 $0xFFFFFFFF  }
0x110: {  	s6 =	simm.s32 $0x1;
	s5 =	smov.u32 @p0 s7  }
.LBB2_15:
0x111: {  	s7 =	smov.u32 s5;
	p0 =	sne.s32 s5, $0xFFFFFFFF  }
0x112: {  	s0 =	sadd.s32 $0x1, s0;
	s5 =	smov.u32 s6;
	s6 =	sadd.s32 $0x1, s6  }
0x113: {  	p1 =	sne.s32 s2, s6;
	v1 =	vld.msk @!p0 [tilespmem:s0+$0x0], $0x1;
	_ =	sdelay $0x4  }
0x114: {  	(v2sf) =	vpush @!p0 v1, $0x0;
	_ =	sdelay $0xe  }
.Ltmp12:
0x115: {  	s8 =	spop @!p0 (v2sf);
	(pc) =	sbr.rel @p1 .LBB2_15-.Ltmp12, $4  }
0x116: {  	p2 =	seq.s32 @!p0 s4, s8  }
0x117: {  	p2 =	por !p2, p0  }
0x118: {  	s5 =	simm.s32 @p2 $0xFFFFFFFF  }
0x119: {  	s5 =	smov.u32 @p0 s7  }
.LBB2_16:
0x11a: {  	p0 =	sne.s32 s5, $0xFFFFFFFF  }
.Ltmp13:
0x11b: {  	_ = 	snop;
	(pc) =	sbr.rel @!p0 .LBB2_17-.Ltmp13, $1  }
0x11c: {  	_ =	sdelay $0x3  }
0x11d: {  	v0 =	vld.msk [tilespmem:s3+$0xE0], $0x1  }
0x11e: {  	v1 =	vld.msk [tilespmem:s5+$0xE0], $0x1;
	_ =	sdelay $0x2  }
.Ltmp14:
0x11f: {  	_ = 	snop;
	(pc) =	sbr.rel .LBB2_19-.Ltmp14, $4  }
0x120: {  	_ = 	snop  }
0x121: {  	vm0 =	vgt.s32 v1, v0  }
0x122: {  	v0 =	vsel vm0, v1, v0  }
0x123: {  	[tilespmem:s5+$0xE0] =	vst.msk $0x1, v0  }
.LBB2_20:
0x124: {  	p0 =	slt.s32 s2, $0x1  }
.Ltmp15:
0x125: {  	_ = 	snop;
	(pc) =	sbr.rel @p0 .LBB2_24-.Ltmp15, $3  }
0x126: {  	_ =	sdelay $0x1  }
0x127: {  	s0 =	simm.s32 $0x6  }
0x128: {  	s3 =	simm.s32 $0x0;
	[sflag:s0] =	ssyncpa.u1 $0x1  }
0x129: {  	s0 =	simm.s32 $0xC0  }
0x12a: {  	v0 =	vld.msk [tilespmem:s0+$0x0], $0x1;
	_ =	sdelay $0x4  }
0x12b: {  	(v2sf) =	vpush v0, $0x0;
	_ =	sdelay $0xe  }
0x12c: {  	s2 =	sadd.s32 $0xFFFFFFFF, s2;
	s4 =	spop (v2sf)  }
0x12d: {  	p1 =	sne.s32 s2, $0x0;
	p0 =	sgt.u32 s4, $0xFFFF  }
.Ltmp16:
0x12e: {  	s5 =	sshrl.u32 @!p0 s4, $0x3;
	(pc) =	sbr.rel @!p1 .LBB2_23-.Ltmp16, $4  }
0x12f: {  	s0 =	simm.s32 $0xE0;
	s4 =	sand.u32 @!p0 $0x7, s4;
	s5 =	sadd.s32 @!p0 s1, s5  }
0x130: {  	[hbm4b:s5+s4] =	stream.linear.scatter @!p0 [tilespmem:s0], [sflag:$0x5], $0x1, $0x38;
	[tilespmem:$0x2B50] =	vst v63  }
0x131: {  	s5 =	simm.s32 $0x0  }
0x132: {  	s4 =	simm.s32 $0xC1;
	s5 =	simm.s32 @!p0 $0x4  }
.LBB2_22:
0x133: {  	v0 =	vld.msk [tilespmem:s4+$0x0], $0x1;
	s2 =	sadd.s32 $0xFFFFFFFF, s2;
	s3 =	sadd.s32 s3, s5  }
0x134: {  	p0 =	sne.s32 s2, $0x0;
	_ =	sdelay $0x3  }
0x135: {  	(v2sf) =	vpush v0, $0x0;
	_ =	sdelay $0xe  }
.Ltmp17:
0x136: {  	s6 =	spop (v2sf);
	(pc) =	sbr.rel @p0 .LBB2_22-.Ltmp17, $4  }
0x137: {  	s5 =	simm.s32 $0x0;
	p1 =	sgt.u32 s6, $0xFFFF  }
0x138: {  	s0 =	sadd.s32 $0x1, s0;
	s5 =	simm.s32 @!p1 $0x4;
	s7 =	sshrl.u32 @!p1 s6, $0x3  }
0x139: {  	s4 =	sadd.s32 $0x1, s4;
	s6 =	sand.u32 @!p1 $0x7, s6;
	s7 =	sadd.s32 @!p1 s1, s7  }
0x13a: {  	[hbm4b:s7+s6] =	stream.linear.scatter @!p1 [tilespmem:s0], [sflag:$0x5], $0x1, $0x38;
	[tilespmem:$0x2B50] =	vst v63  }
.LBB2_23:
0x13b: {  	s0 =	sadd.s32 s3, s5  }
0x13c: {  	s3 =	sshrl.u32 s0, $0x2  }
.LBB2_24:
0x13d: {  	s0 =	simm.s32 $0x5  }
0x13e: {  	_ =	swait.ge [sflag:s0], s3  }
0x13f: {  	s1 =	ssub.s32 $0x0, s3;
	[sflag:s0] =	ssyncset.done $0x0  }
0x140: {  	[sflag:s0] =	ssyncadd.s32 s1  }
0x141: {  	[sflag:s0] =	ssyncpa.u1 $0x1  }
0x142: {  	s29 =	simm.s32 $0x1;
	_ =	sfence  }
0x143: {  	s30 =	simm.s32 $0x2;
	[sflag:s29] =	ssyncpa.u1 $0x1  }
0x144: {  	[sflag:s30] =	ssyncpa.u1 $0x1  }
0x145: {  	_ =	strace $0x90000047  }
0x146: {  	[bflag:$0x2] =	sbarrier.arrive $0xFFFF  }
0x147: {  	s31 =	rddreg [dreg:$0x1]  }
0x148: {  	s0 =	sadd.s32 $0x100000, s31  }
0x149: {  	[sflag:s0] =	ssyncadd.tile.s32 $0x1;
	_ =	shalt  }
.Lfunc_end2:
_tile_overlayer_lowered:
.L_overlay_start_2:
0x14a: {  	(tag) =	ssettag $0x2  }
0x14b: {  	s0 =	rddreg [dreg:$0x0];
	s2 =	stileid.u32  }
0x14c: {  	s1 =	rddreg [dreg:$0x1];
	p0 =	sne.s32 s2, $0x0  }
0x14d: {  	s3 =	rddreg [dreg:$0x2];
	[bflag:$0x3] =	sbarrier.arrive $0xFFFF;
	s2 =	simm.s32 @!p0 $0x1C01  }
0x14e: {  	[timem:s3], [sflag:s2] =	dma.local @!p0 [hbm:s0], s1  }
0x14f: {  	s0 =	simm.s32 @!p0 $0x1  }
0x150: {  	_ =	swait.ge @!p0 [sflag:s0], s1  }
0x151: {  	s1 =	ssub.s32 @!p0 $0x0, s1;
	[sflag:s0] =	ssyncset.done @!p0 $0x0  }
0x152: {  	[sflag:s0] =	ssyncadd.s32 @!p0 s1  }
0x153: {  	[bflag:$0x3] =	sbarrier.arrive $0xFFFF  }
0x154: {  	_ =	shalt  }

</sc_bundles>
